<compile_context>
chip_gen: v7x
topology: tpu7x:2x2x1
jax: 0.10.2.dev20260603
libtpu: 0.0.44.dev20260713+nightly
codegen_flags: <defaults>
</compile_context>

<pallas_src>
import functools

import jax
import jax.numpy as jnp
import numpy as np
from jax import lax
from jax.experimental import pallas as pl
from jax.experimental.pallas import tpu as pltpu
from jax.experimental.pallas import tpu_sc as plsc

B = 8
N = 8192
S = 2048
D = 256
NC = 2
NS = 16
NW = NC * NS
WPB = NW // B
ROWS_PER_W = (B * S) // NW
CH = 128
NCH = ROWS_PER_W // CH
RING = 3
L = 16



def _rotl32(x, d):
    d = np.uint32(d)
    return (x << d) | (x >> np.uint32(32 - d))


def _threefry2x32_np(k1, k2, x0, x1):
    k1 = np.uint32(k1)
    k2 = np.uint32(k2)
    x0 = x0.astype(np.uint32).copy()
    x1 = x1.astype(np.uint32).copy()
    ks = [k1, k2, k1 ^ k2 ^ np.uint32(0x1BD11BDA)]
    rotations = [(13, 15, 26, 6), (17, 29, 16, 24)]
    x0 = x0 + ks[0]
    x1 = x1 + ks[1]
    for i in range(5):
        for r in rotations[i % 2]:
            x0 = x0 + x1
            x1 = _rotl32(x1, r)
            x1 = x0 ^ x1
        x0 = x0 + ks[(i + 1) % 3]
        x1 = x1 + ks[(i + 2) % 3] + np.uint32(i + 1)
    return x0, x1


def _np_permutation(seed, n):
    key = (np.uint32(0), np.uint32(seed))
    x = np.arange(n, dtype=np.int32)
    num_rounds = int(np.ceil(3 * np.log(max(1, n)) / np.log(2**32 - 1)))
    for _ in range(num_rounds):
        b1, b2 = _threefry2x32_np(
            key[0], key[1], np.zeros(2, np.uint32), np.arange(2, dtype=np.uint32)
        )
        key, subkey = (b1[0], b2[0]), (b1[1], b2[1])
        b1, b2 = _threefry2x32_np(
            subkey[0], subkey[1], np.zeros(n, np.uint32),
            np.arange(n, dtype=np.uint32),
        )
        x = x[np.argsort(b1 ^ b2, kind="stable")]
    return x


_CHOICE = _np_permutation(42, N)[:S].astype(np.int32)
_WIDX = _CHOICE.reshape(WPB * NCH, CH)


def _sc_gather(pos_t, x, widx):
    mesh = plsc.VectorSubcoreMesh(core_axis_name="c", subcore_axis_name="s")

    @functools.partial(
        pl.kernel,
        mesh=mesh,
        compiler_params=pltpu.CompilerParams(needs_layout_passes=False),
        out_type=[
            jax.ShapeDtypeStruct((B, S, D), jnp.float32),
            jax.ShapeDtypeStruct((3, B, S), jnp.float32),
            jax.ShapeDtypeStruct((B, S), jnp.int32),
        ],
        scratch_types=[
            pltpu.VMEM((NCH, CH), jnp.int32),
            pltpu.VMEM((RING, CH, D), jnp.float32),
            pltpu.VMEM((3 * N,), jnp.float32),
            pltpu.VMEM((3 * ROWS_PER_W,), jnp.float32),
        ] + [pltpu.SemaphoreType.DMA] * (RING + 3),
    )
    def k(pt, xf, gi, xout, pout, iout, idx_v, xbuf, ptbl, pbuf, *dsems):
        gsems = dsems[:RING]
        wsem, psem, isem = dsems[RING], dsems[RING + 1], dsems[RING + 2]
        wid = lax.axis_index("s") * NC + lax.axis_index("c")
        b = wid // WPB
        q = wid % WPB
        rbase = q * ROWS_PER_W
        pltpu.sync_copy(gi.at[pl.ds(q * NCH, NCH)], idx_v)
        iws = [
            pltpu.async_copy(
                idx_v.at[c], iout.at[b].at[pl.ds(rbase + c * CH, CH)], isem
            )
            for c in range(NCH)
        ]

        pcps = [
            pltpu.async_copy(
                pt.at[c3, b], ptbl.at[pl.ds(c3 * N, N)], psem
            )
            for c3 in range(3)
        ]

        xb = xf.at[b]
        xo = xout.at[b]
        cps = [
            pltpu.async_copy(xb.at[idx_v.at[c]], xbuf.at[c], gsems[c])
            for c in range(RING)
        ]

        NV = ROWS_PER_W // L
        VPC = NV // NCH

        def pos_group(v):
            rows = idx_v[v // (CH // L), pl.ds((v % (CH // L)) * L, L)]
            for c3 in range(3):
                vals = plsc.load_gather(ptbl, [rows + c3 * N])
                pbuf[pl.ds(c3 * ROWS_PER_W + v * L, L)] = vals

        ws = [None] * NCH
        for c in range(NCH):
            p = c % RING
            cps[p].wait()
            ws[c] = pltpu.async_copy(
                xbuf.at[p], xo.at[pl.ds(rbase + c * CH, CH)], wsem
            )
            if c + RING < NCH:
                ws[c].wait()
                cps[p] = pltpu.async_copy(
                    xb.at[idx_v.at[c + RING]], xbuf.at[p], gsems[p]
                )
            if c == 0:
                for cp in pcps:
                    cp.wait()
            for v in range(c * VPC, (c + 1) * VPC):
                pos_group(v)
        pws = [
            pltpu.async_copy(
                pbuf.at[pl.ds(c3 * ROWS_PER_W, ROWS_PER_W)],
                pout.at[c3, b].at[pl.ds(rbase, ROWS_PER_W)],
                psem,
            )
            for c3 in range(3)
        ]
        for c in range(NCH):
            if c + RING >= NCH and ws[c] is not None:
                ws[c].wait()
        for iw in iws:
            iw.wait()
        for pw in pws:
            pw.wait()

    return k(pos_t, x, widx)


def kernel(pos, x):
    pos_t = jnp.transpose(pos, (2, 0, 1))
    xo, po_t, idx = _sc_gather(pos_t, x, jnp.asarray(_WIDX))
    return (idx, jnp.transpose(po_t, (1, 2, 0)), xo)

# --- scband reference (transcript-rebuilt; emitter-appended) ---
"""Pipeline reference for scband-random-pool-49572512530913 (READ-ONLY COPY).

The authoritative reference and input builder live on the scoring server;
editing this copy changes nothing except your own understanding.
"""

import jax, jax.numpy as jnp
import numpy as np

N_SELECT = 2048  # self.n (>= 1, so used directly as point count)


def setup_inputs(seed: int = 0) -> dict:
    key = jax.random.key(seed)
    k1, k2 = jax.random.split(key)
    pos = jax.random.normal(k1, (8, 8192, 3), dtype=jnp.float32)
    x = jax.random.normal(k2, (8, 8192, 256), dtype=jnp.float32)
    return {"pos": pos, "x": x}


def _get_choice(batch, num_points, n):
    # Torch code: np.random.shuffle(arange(N))[:n], same choice repeated per batch row.
    perm = jax.random.permutation(jax.random.key(42), num_points)
    choice = perm[:n].astype(jnp.int32)
    return jnp.tile(choice[None, :], (batch, 1))


def reference(pos, x):
    B, N, _ = pos.shape
    idx = _get_choice(B, N, N_SELECT)
    # torch.gather(pos, dim=1, index=idx.unsqueeze(-1).repeat(1,1,3))
    idx_pos = jnp.broadcast_to(idx[:, :, None], (B, N_SELECT, 3))
    pos_out = jnp.take_along_axis(pos, idx_pos, axis=1)
    # torch.gather(x, dim=1, index=idx.unsqueeze(-1).repeat(1,1,C))
    C = x.shape[-1]
    idx_x = jnp.broadcast_to(idx[:, :, None], (B, N_SELECT, C))
    x_out = jnp.take_along_axis(x, idx_x, axis=1)
    return (idx, pos_out, x_out)

if __name__ == "__main__":
    import jax
    _d = setup_inputs()
    print(jax.jit(kernel)(*tuple(_d.values())))

</pallas_src>

<mosaic_0001>
#map = affine_map<(d0, d1) -> (0, 0, 0)>
#map1 = affine_map<(d0, d1) -> (0, 0)>
module attributes {stable_mosaic.version = 14 : i64} {
  func.func @k(%arg0: i32, %arg1: i32, %arg2: memref<3x8x8192xf32, #tpu.memory_space<hbm>>, %arg3: memref<8x8192x256xf32, #tpu.memory_space<hbm>>, %arg4: memref<16x128xi32, #tpu.memory_space<hbm>>, %arg5: memref<8x2048x256xf32, #tpu.memory_space<hbm>>, %arg6: memref<3x8x2048xf32, #tpu.memory_space<hbm>>, %arg7: memref<8x2048xi32, #tpu.memory_space<hbm>>, %arg8: memref<4x128xi32, #tpu.memory_space<vmem>>, %arg9: memref<3x128x256xf32, #tpu.memory_space<vmem>>, %arg10: memref<24576xf32, #tpu.memory_space<vmem>>, %arg11: memref<1536xf32, #tpu.memory_space<vmem>>, %arg12: memref<!tpu.dma_semaphore, #tpu.memory_space<semaphore_mem>>, %arg13: memref<!tpu.dma_semaphore, #tpu.memory_space<semaphore_mem>>, %arg14: memref<!tpu.dma_semaphore, #tpu.memory_space<semaphore_mem>>, %arg15: memref<!tpu.dma_semaphore, #tpu.memory_space<semaphore_mem>>, %arg16: memref<!tpu.dma_semaphore, #tpu.memory_space<semaphore_mem>>, %arg17: memref<!tpu.dma_semaphore, #tpu.memory_space<semaphore_mem>>) attributes {dimension_semantics = [#tpu.dimension_semantics<core_parallel>, #tpu.dimension_semantics<subcore_parallel>], iteration_bounds = array<i64: 2, 16>, scalar_prefetch = 0 : i64, scratch_operands = 10 : i64, tpu.core_type = #tpu.core_type<sc_vector_subcore>, window_params = [{transform_indices = #map}, {transform_indices = #map}, {transform_indices = #map1}, {transform_indices = #map}, {transform_indices = #map}, {transform_indices = #map1}]} {
    %mul3A = arith.constant 2 : i32
    %mul3A_0 = arith.muli %arg1, %mul3A : i32
    %add3A = arith.addi %mul3A_0, %arg0 : i32
    %jit3A = arith.constant 4 : i32
    %div3A = arith.divsi %add3A, %jit3A : i32
    %sign3A = arith.constant 0 : i32
    %sign3A_1 = arith.cmpi sgt, %add3A, %sign3A : i32
    %sign3A_2 = arith.extui %sign3A_1 : i1 to i32
    %sign3A_3 = arith.constant 0 : i32
    %sign3A_4 = arith.cmpi slt, %add3A, %sign3A_3 : i32
    %sign3A_5 = arith.extui %sign3A_4 : i1 to i32
    %sign3A_6 = arith.subi %sign3A_2, %sign3A_5 : i32
    %sign3A_7 = arith.constant 0 : i32
    %sign3A_8 = arith.cmpi sgt, %jit3A, %sign3A_7 : i32
    %sign3A_9 = arith.extui %sign3A_8 : i1 to i32
    %sign3A_10 = arith.constant 0 : i32
    %sign3A_11 = arith.cmpi slt, %jit3A, %sign3A_10 : i32
    %sign3A_12 = arith.extui %sign3A_11 : i1 to i32
    %sign3A_13 = arith.subi %sign3A_9, %sign3A_12 : i32
    %ne3A = arith.cmpi ne, %sign3A_6, %sign3A_13 : i32
    %rem3A = arith.remsi %add3A, %jit3A : i32
    %ne3A_14 = arith.constant 0 : i32
    %ne3A_15 = arith.cmpi ne, %rem3A, %ne3A_14 : i32
    %and3A = arith.andi %ne3A, %ne3A_15 : i1
    %sub3A = arith.constant 1 : i32
    %sub3A_16 = arith.subi %div3A, %sub3A : i32
    %select_n3A = arith.select %and3A, %sub3A_16, %div3A : i32
    %jit3A_17 = arith.constant 4 : i32
    %eq3A = arith.constant 0 : i32
    %eq3A_18 = arith.cmpi eq, %jit3A_17, %eq3A : i32
    %jit3A_19 = arith.constant 1 : i32
    %select_n3A_20 = arith.select %eq3A_18, %jit3A_19, %jit3A_17 : i32
    %rem3A_21 = arith.remsi %add3A, %select_n3A_20 : i32
    %ne3A_22 = arith.constant 0 : i32
    %ne3A_23 = arith.cmpi ne, %rem3A_21, %ne3A_22 : i32
    %lt3A = arith.constant 0 : i32
    %lt3A_24 = arith.cmpi slt, %rem3A_21, %lt3A : i32
    %lt3A_25 = arith.constant 0 : i32
    %lt3A_26 = arith.cmpi slt, %select_n3A_20, %lt3A_25 : i32
    %ne3A_27 = arith.xori %lt3A_24, %lt3A_26 : i1
    %and3A_28 = arith.andi %ne3A_27, %ne3A_23 : i1
    %add3A_29 = arith.addi %rem3A_21, %select_n3A_20 : i32
    %select_n3A_30 = arith.select %and3A_28, %add3A_29, %rem3A_21 : i32
    %mul3A_31 = arith.constant 512 : i32
    %mul3A_32 = arith.muli %select_n3A_30, %mul3A_31 : i32
    %mul3A_33 = arith.constant 4 : i32
    %mul3A_34 = arith.muli %select_n3A_30, %mul3A_33 : i32
    "tpu.region"() ({
      %run_scoped3A = tpu.sem_alloc : memref<!tpu.dma_semaphore, #tpu.memory_space<semaphore_mem>>
      %dma_start3A_1310 = arith.constant 0 : i32
      %dma_start3A_1311 = tpu.memref_slice %arg4[%mul3A_34, %dma_start3A_1310] : memref<16x128xi32, #tpu.memory_space<hbm>> -> memref<4x128xi32, #tpu.memory_space<hbm>>
      %dma_start3A_1312 = arith.constant 0 : i32
      %dma_start3A_1313 = tpu.memref_slice %arg4[%mul3A_34, %dma_start3A_1312] : memref<16x128xi32, #tpu.memory_space<hbm>> -> memref<4x128xi32, #tpu.memory_space<hbm>>
      tpu.enqueue_dma source(%dma_start3A_1313 : memref<4x128xi32, #tpu.memory_space<hbm>>) target(%arg8 : memref<4x128xi32, #tpu.memory_space<vmem>>) target_semaphore(%run_scoped3A : memref<!tpu.dma_semaphore, #tpu.memory_space<semaphore_mem>>)
      %dma_wait3A_1314 = arith.constant 0 : i32
      %dma_wait3A_1315 = tpu.memref_slice %arg4[%mul3A_34, %dma_wait3A_1314] : memref<16x128xi32, #tpu.memory_space<hbm>> -> memref<4x128xi32, #tpu.memory_space<hbm>>
      %dma_wait3A_1316 = arith.constant 0 : i32
      %dma_wait3A_1317 = tpu.memref_slice %arg4[%mul3A_34, %dma_wait3A_1316] : memref<16x128xi32, #tpu.memory_space<hbm>> -> memref<4x128xi32, #tpu.memory_space<hbm>>
      tpu.wait_dma2 semaphore(%run_scoped3A : memref<!tpu.dma_semaphore, #tpu.memory_space<semaphore_mem>>) src(%dma_wait3A_1317 : memref<4x128xi32, #tpu.memory_space<hbm>>) dst(%arg8 : memref<4x128xi32, #tpu.memory_space<vmem>>)
      tpu.yield
    }) : () -> ()
    %add3A_35 = arith.constant 0 : i32
    %add3A_36 = arith.addi %mul3A_32, %add3A_35 : i32
    %dma_start3A = arith.constant 0 : i32
    %dma_start3A_37 = arith.constant 0 : i32
    %dma_start3A_38 = tpu.memref_slice %arg8[%dma_start3A, %dma_start3A_37] : memref<4x128xi32, #tpu.memory_space<vmem>> -> memref<1x128xi32, #tpu.memory_space<vmem>>
    %dma_start3A_39 = tpu.memref_squeeze %dma_start3A_38 : memref<1x128xi32, #tpu.memory_space<vmem>> -> memref<128xi32, #tpu.memory_space<vmem>>
    %dma_start3A_40 = arith.constant 0 : i32
    %dma_start3A_41 = tpu.memref_slice %arg7[%select_n3A, %dma_start3A_40] : memref<8x2048xi32, #tpu.memory_space<hbm>> -> memref<1x2048xi32, #tpu.memory_space<hbm>>
    %dma_start3A_42 = tpu.memref_squeeze %dma_start3A_41 : memref<1x2048xi32, #tpu.memory_space<hbm>> -> memref<2048xi32, #tpu.memory_space<hbm>>
    %dma_start3A_43 = tpu.memref_slice %dma_start3A_42[%add3A_36] : memref<2048xi32, #tpu.memory_space<hbm>> -> memref<128xi32, #tpu.memory_space<hbm>>
    %dma_start3A_44 = arith.constant 0 : i32
    %dma_start3A_45 = tpu.memref_slice %arg7[%select_n3A, %dma_start3A_44] : memref<8x2048xi32, #tpu.memory_space<hbm>> -> memref<1x2048xi32, #tpu.memory_space<hbm>>
    %dma_start3A_46 = tpu.memref_squeeze %dma_start3A_45 : memref<1x2048xi32, #tpu.memory_space<hbm>> -> memref<2048xi32, #tpu.memory_space<hbm>>
    %dma_start3A_47 = tpu.memref_slice %dma_start3A_46[%add3A_36] : memref<2048xi32, #tpu.memory_space<hbm>> -> memref<128xi32, #tpu.memory_space<hbm>>
    %dma_start3A_48 = arith.constant 0 : i32
    %dma_start3A_49 = tpu.memref_slice %arg8[%dma_start3A, %dma_start3A_48] : memref<4x128xi32, #tpu.memory_space<vmem>> -> memref<1x128xi32, #tpu.memory_space<vmem>>
    %dma_start3A_50 = tpu.memref_squeeze %dma_start3A_49 : memref<1x128xi32, #tpu.memory_space<vmem>> -> memref<128xi32, #tpu.memory_space<vmem>>
    tpu.enqueue_dma source(%dma_start3A_50 : memref<128xi32, #tpu.memory_space<vmem>>) target(%dma_start3A_47 : memref<128xi32, #tpu.memory_space<hbm>>) target_semaphore(%arg17 : memref<!tpu.dma_semaphore, #tpu.memory_space<semaphore_mem>>)
    %add3A_51 = arith.constant 128 : i32
    %add3A_52 = arith.addi %mul3A_32, %add3A_51 : i32
    %dma_start3A_53 = arith.constant 1 : i32
    %dma_start3A_54 = arith.constant 0 : i32
    %dma_start3A_55 = tpu.memref_slice %arg8[%dma_start3A_53, %dma_start3A_54] : memref<4x128xi32, #tpu.memory_space<vmem>> -> memref<1x128xi32, #tpu.memory_space<vmem>>
    %dma_start3A_56 = tpu.memref_squeeze %dma_start3A_55 : memref<1x128xi32, #tpu.memory_space<vmem>> -> memref<128xi32, #tpu.memory_space<vmem>>
    %dma_start3A_57 = arith.constant 0 : i32
    %dma_start3A_58 = tpu.memref_slice %arg7[%select_n3A, %dma_start3A_57] : memref<8x2048xi32, #tpu.memory_space<hbm>> -> memref<1x2048xi32, #tpu.memory_space<hbm>>
    %dma_start3A_59 = tpu.memref_squeeze %dma_start3A_58 : memref<1x2048xi32, #tpu.memory_space<hbm>> -> memref<2048xi32, #tpu.memory_space<hbm>>
    %dma_start3A_60 = tpu.memref_slice %dma_start3A_59[%add3A_52] : memref<2048xi32, #tpu.memory_space<hbm>> -> memref<128xi32, #tpu.memory_space<hbm>>
    %dma_start3A_61 = arith.constant 0 : i32
    %dma_start3A_62 = tpu.memref_slice %arg7[%select_n3A, %dma_start3A_61] : memref<8x2048xi32, #tpu.memory_space<hbm>> -> memref<1x2048xi32, #tpu.memory_space<hbm>>
    %dma_start3A_63 = tpu.memref_squeeze %dma_start3A_62 : memref<1x2048xi32, #tpu.memory_space<hbm>> -> memref<2048xi32, #tpu.memory_space<hbm>>
    %dma_start3A_64 = tpu.memref_slice %dma_start3A_63[%add3A_52] : memref<2048xi32, #tpu.memory_space<hbm>> -> memref<128xi32, #tpu.memory_space<hbm>>
    %dma_start3A_65 = arith.constant 0 : i32
    %dma_start3A_66 = tpu.memref_slice %arg8[%dma_start3A_53, %dma_start3A_65] : memref<4x128xi32, #tpu.memory_space<vmem>> -> memref<1x128xi32, #tpu.memory_space<vmem>>
    %dma_start3A_67 = tpu.memref_squeeze %dma_start3A_66 : memref<1x128xi32, #tpu.memory_space<vmem>> -> memref<128xi32, #tpu.memory_space<vmem>>
    tpu.enqueue_dma source(%dma_start3A_67 : memref<128xi32, #tpu.memory_space<vmem>>) target(%dma_start3A_64 : memref<128xi32, #tpu.memory_space<hbm>>) target_semaphore(%arg17 : memref<!tpu.dma_semaphore, #tpu.memory_space<semaphore_mem>>)
    %add3A_68 = arith.constant 256 : i32
    %add3A_69 = arith.addi %mul3A_32, %add3A_68 : i32
    %dma_start3A_70 = arith.constant 2 : i32
    %dma_start3A_71 = arith.constant 0 : i32
    %dma_start3A_72 = tpu.memref_slice %arg8[%dma_start3A_70, %dma_start3A_71] : memref<4x128xi32, #tpu.memory_space<vmem>> -> memref<1x128xi32, #tpu.memory_space<vmem>>
    %dma_start3A_73 = tpu.memref_squeeze %dma_start3A_72 : memref<1x128xi32, #tpu.memory_space<vmem>> -> memref<128xi32, #tpu.memory_space<vmem>>
    %dma_start3A_74 = arith.constant 0 : i32
    %dma_start3A_75 = tpu.memref_slice %arg7[%select_n3A, %dma_start3A_74] : memref<8x2048xi32, #tpu.memory_space<hbm>> -> memref<1x2048xi32, #tpu.memory_space<hbm>>
    %dma_start3A_76 = tpu.memref_squeeze %dma_start3A_75 : memref<1x2048xi32, #tpu.memory_space<hbm>> -> memref<2048xi32, #tpu.memory_space<hbm>>
    %dma_start3A_77 = tpu.memref_slice %dma_start3A_76[%add3A_69] : memref<2048xi32, #tpu.memory_space<hbm>> -> memref<128xi32, #tpu.memory_space<hbm>>
    %dma_start3A_78 = arith.constant 0 : i32
    %dma_start3A_79 = tpu.memref_slice %arg7[%select_n3A, %dma_start3A_78] : memref<8x2048xi32, #tpu.memory_space<hbm>> -> memref<1x2048xi32, #tpu.memory_space<hbm>>
    %dma_start3A_80 = tpu.memref_squeeze %dma_start3A_79 : memref<1x2048xi32, #tpu.memory_space<hbm>> -> memref<2048xi32, #tpu.memory_space<hbm>>
    %dma_start3A_81 = tpu.memref_slice %dma_start3A_80[%add3A_69] : memref<2048xi32, #tpu.memory_space<hbm>> -> memref<128xi32, #tpu.memory_space<hbm>>
    %dma_start3A_82 = arith.constant 0 : i32
    %dma_start3A_83 = tpu.memref_slice %arg8[%dma_start3A_70, %dma_start3A_82] : memref<4x128xi32, #tpu.memory_space<vmem>> -> memref<1x128xi32, #tpu.memory_space<vmem>>
    %dma_start3A_84 = tpu.memref_squeeze %dma_start3A_83 : memref<1x128xi32, #tpu.memory_space<vmem>> -> memref<128xi32, #tpu.memory_space<vmem>>
    tpu.enqueue_dma source(%dma_start3A_84 : memref<128xi32, #tpu.memory_space<vmem>>) target(%dma_start3A_81 : memref<128xi32, #tpu.memory_space<hbm>>) target_semaphore(%arg17 : memref<!tpu.dma_semaphore, #tpu.memory_space<semaphore_mem>>)
    %add3A_85 = arith.constant 384 : i32
    %add3A_86 = arith.addi %mul3A_32, %add3A_85 : i32
    %dma_start3A_87 = arith.constant 3 : i32
    %dma_start3A_88 = arith.constant 0 : i32
    %dma_start3A_89 = tpu.memref_slice %arg8[%dma_start3A_87, %dma_start3A_88] : memref<4x128xi32, #tpu.memory_space<vmem>> -> memref<1x128xi32, #tpu.memory_space<vmem>>
    %dma_start3A_90 = tpu.memref_squeeze %dma_start3A_89 : memref<1x128xi32, #tpu.memory_space<vmem>> -> memref<128xi32, #tpu.memory_space<vmem>>
    %dma_start3A_91 = arith.constant 0 : i32
    %dma_start3A_92 = tpu.memref_slice %arg7[%select_n3A, %dma_start3A_91] : memref<8x2048xi32, #tpu.memory_space<hbm>> -> memref<1x2048xi32, #tpu.memory_space<hbm>>
    %dma_start3A_93 = tpu.memref_squeeze %dma_start3A_92 : memref<1x2048xi32, #tpu.memory_space<hbm>> -> memref<2048xi32, #tpu.memory_space<hbm>>
    %dma_start3A_94 = tpu.memref_slice %dma_start3A_93[%add3A_86] : memref<2048xi32, #tpu.memory_space<hbm>> -> memref<128xi32, #tpu.memory_space<hbm>>
    %dma_start3A_95 = arith.constant 0 : i32
    %dma_start3A_96 = tpu.memref_slice %arg7[%select_n3A, %dma_start3A_95] : memref<8x2048xi32, #tpu.memory_space<hbm>> -> memref<1x2048xi32, #tpu.memory_space<hbm>>
    %dma_start3A_97 = tpu.memref_squeeze %dma_start3A_96 : memref<1x2048xi32, #tpu.memory_space<hbm>> -> memref<2048xi32, #tpu.memory_space<hbm>>
    %dma_start3A_98 = tpu.memref_slice %dma_start3A_97[%add3A_86] : memref<2048xi32, #tpu.memory_space<hbm>> -> memref<128xi32, #tpu.memory_space<hbm>>
    %dma_start3A_99 = arith.constant 0 : i32
    %dma_start3A_100 = tpu.memref_slice %arg8[%dma_start3A_87, %dma_start3A_99] : memref<4x128xi32, #tpu.memory_space<vmem>> -> memref<1x128xi32, #tpu.memory_space<vmem>>
    %dma_start3A_101 = tpu.memref_squeeze %dma_start3A_100 : memref<1x128xi32, #tpu.memory_space<vmem>> -> memref<128xi32, #tpu.memory_space<vmem>>
    tpu.enqueue_dma source(%dma_start3A_101 : memref<128xi32, #tpu.memory_space<vmem>>) target(%dma_start3A_98 : memref<128xi32, #tpu.memory_space<hbm>>) target_semaphore(%arg17 : memref<!tpu.dma_semaphore, #tpu.memory_space<semaphore_mem>>)
    %dma_start3A_102 = arith.constant 0 : i32
    %dma_start3A_103 = arith.constant 0 : i32
    %dma_start3A_104 = tpu.memref_slice %arg10[%dma_start3A_103] : memref<24576xf32, #tpu.memory_space<vmem>> -> memref<8192xf32, #tpu.memory_space<vmem>>
    %dma_start3A_105 = arith.constant 0 : i32
    %dma_start3A_106 = tpu.memref_slice %arg2[%dma_start3A_102, %select_n3A, %dma_start3A_105] : memref<3x8x8192xf32, #tpu.memory_space<hbm>> -> memref<1x1x8192xf32, #tpu.memory_space<hbm>>
    %dma_start3A_107 = tpu.memref_squeeze %dma_start3A_106 : memref<1x1x8192xf32, #tpu.memory_space<hbm>> -> memref<8192xf32, #tpu.memory_space<hbm>>
    %dma_start3A_108 = arith.constant 0 : i32
    %dma_start3A_109 = tpu.memref_slice %arg10[%dma_start3A_108] : memref<24576xf32, #tpu.memory_space<vmem>> -> memref<8192xf32, #tpu.memory_space<vmem>>
    %dma_start3A_110 = arith.constant 0 : i32
    %dma_start3A_111 = tpu.memref_slice %arg2[%dma_start3A_102, %select_n3A, %dma_start3A_110] : memref<3x8x8192xf32, #tpu.memory_space<hbm>> -> memref<1x1x8192xf32, #tpu.memory_space<hbm>>
    %dma_start3A_112 = tpu.memref_squeeze %dma_start3A_111 : memref<1x1x8192xf32, #tpu.memory_space<hbm>> -> memref<8192xf32, #tpu.memory_space<hbm>>
    tpu.enqueue_dma source(%dma_start3A_112 : memref<8192xf32, #tpu.memory_space<hbm>>) target(%dma_start3A_109 : memref<8192xf32, #tpu.memory_space<vmem>>) target_semaphore(%arg16 : memref<!tpu.dma_semaphore, #tpu.memory_space<semaphore_mem>>)
    %dma_start3A_113 = arith.constant 1 : i32
    %dma_start3A_114 = arith.constant 8192 : i32
    %dma_start3A_115 = tpu.memref_slice %arg10[%dma_start3A_114] : memref<24576xf32, #tpu.memory_space<vmem>> -> memref<8192xf32, #tpu.memory_space<vmem>>
    %dma_start3A_116 = arith.constant 0 : i32
    %dma_start3A_117 = tpu.memref_slice %arg2[%dma_start3A_113, %select_n3A, %dma_start3A_116] : memref<3x8x8192xf32, #tpu.memory_space<hbm>> -> memref<1x1x8192xf32, #tpu.memory_space<hbm>>
    %dma_start3A_118 = tpu.memref_squeeze %dma_start3A_117 : memref<1x1x8192xf32, #tpu.memory_space<hbm>> -> memref<8192xf32, #tpu.memory_space<hbm>>
    %dma_start3A_119 = arith.constant 8192 : i32
    %dma_start3A_120 = tpu.memref_slice %arg10[%dma_start3A_119] : memref<24576xf32, #tpu.memory_space<vmem>> -> memref<8192xf32, #tpu.memory_space<vmem>>
    %dma_start3A_121 = arith.constant 0 : i32
    %dma_start3A_122 = tpu.memref_slice %arg2[%dma_start3A_113, %select_n3A, %dma_start3A_121] : memref<3x8x8192xf32, #tpu.memory_space<hbm>> -> memref<1x1x8192xf32, #tpu.memory_space<hbm>>
    %dma_start3A_123 = tpu.memref_squeeze %dma_start3A_122 : memref<1x1x8192xf32, #tpu.memory_space<hbm>> -> memref<8192xf32, #tpu.memory_space<hbm>>
    tpu.enqueue_dma source(%dma_start3A_123 : memref<8192xf32, #tpu.memory_space<hbm>>) target(%dma_start3A_120 : memref<8192xf32, #tpu.memory_space<vmem>>) target_semaphore(%arg16 : memref<!tpu.dma_semaphore, #tpu.memory_space<semaphore_mem>>)
    %dma_start3A_124 = arith.constant 2 : i32
    %dma_start3A_125 = arith.constant 16384 : i32
    %dma_start3A_126 = tpu.memref_slice %arg10[%dma_start3A_125] : memref<24576xf32, #tpu.memory_space<vmem>> -> memref<8192xf32, #tpu.memory_space<vmem>>
    %dma_start3A_127 = arith.constant 0 : i32
    %dma_start3A_128 = tpu.memref_slice %arg2[%dma_start3A_124, %select_n3A, %dma_start3A_127] : memref<3x8x8192xf32, #tpu.memory_space<hbm>> -> memref<1x1x8192xf32, #tpu.memory_space<hbm>>
    %dma_start3A_129 = tpu.memref_squeeze %dma_start3A_128 : memref<1x1x8192xf32, #tpu.memory_space<hbm>> -> memref<8192xf32, #tpu.memory_space<hbm>>
    %dma_start3A_130 = arith.constant 16384 : i32
    %dma_start3A_131 = tpu.memref_slice %arg10[%dma_start3A_130] : memref<24576xf32, #tpu.memory_space<vmem>> -> memref<8192xf32, #tpu.memory_space<vmem>>
    %dma_start3A_132 = arith.constant 0 : i32
    %dma_start3A_133 = tpu.memref_slice %arg2[%dma_start3A_124, %select_n3A, %dma_start3A_132] : memref<3x8x8192xf32, #tpu.memory_space<hbm>> -> memref<1x1x8192xf32, #tpu.memory_space<hbm>>
    %dma_start3A_134 = tpu.memref_squeeze %dma_start3A_133 : memref<1x1x8192xf32, #tpu.memory_space<hbm>> -> memref<8192xf32, #tpu.memory_space<hbm>>
    tpu.enqueue_dma source(%dma_start3A_134 : memref<8192xf32, #tpu.memory_space<hbm>>) target(%dma_start3A_131 : memref<8192xf32, #tpu.memory_space<vmem>>) target_semaphore(%arg16 : memref<!tpu.dma_semaphore, #tpu.memory_space<semaphore_mem>>)
    %dma_start3A_135 = arith.constant 0 : i32
    %dma_start3A_136 = arith.constant 0 : i32
    %dma_start3A_137 = arith.constant 0 : i32
    %dma_start3A_138 = arith.constant 0 : i32
    %dma_start3A_139 = tpu.memref_slice %arg9[%dma_start3A_136, %dma_start3A_137, %dma_start3A_138] : memref<3x128x256xf32, #tpu.memory_space<vmem>> -> memref<1x128x256xf32, #tpu.memory_space<vmem>>
    %dma_start3A_140 = tpu.memref_squeeze %dma_start3A_139 : memref<1x128x256xf32, #tpu.memory_space<vmem>> -> memref<128x256xf32, #tpu.memory_space<vmem>>
    %dma_start3A_141 = arith.constant 0 : i32
    %dma_start3A_142 = tpu.memref_slice %arg8[%dma_start3A_135, %dma_start3A_141] : memref<4x128xi32, #tpu.memory_space<vmem>> -> memref<1x128xi32, #tpu.memory_space<vmem>>
    %dma_start3A_143 = tpu.memref_squeeze %dma_start3A_142 : memref<1x128xi32, #tpu.memory_space<vmem>> -> memref<128xi32, #tpu.memory_space<vmem>>
    %dma_start3A_144 = arith.constant 0 : i32
    %dma_start3A_145 = arith.constant 0 : i32
    %dma_start3A_146 = tpu.memref_slice %arg3[%select_n3A, %dma_start3A_144, %dma_start3A_145] : memref<8x8192x256xf32, #tpu.memory_space<hbm>> -> memref<1x8192x256xf32, #tpu.memory_space<hbm>>
    %dma_start3A_147 = tpu.memref_squeeze %dma_start3A_146 : memref<1x8192x256xf32, #tpu.memory_space<hbm>> -> memref<8192x256xf32, #tpu.memory_space<hbm>>
    %dma_start3A_148 = arith.constant 0 : i32
    %dma_start3A_149 = arith.constant 0 : i32
    %dma_start3A_150 = tpu.memref_slice %dma_start3A_147[%dma_start3A_148, %dma_start3A_149] : memref<8192x256xf32, #tpu.memory_space<hbm>> -> memref<8192x256xf32, #tpu.memory_space<hbm>>
    tpu.enqueue_indirect_dma source(%dma_start3A_150 : memref<8192x256xf32, #tpu.memory_space<hbm>>) target(%dma_start3A_140 : memref<128x256xf32, #tpu.memory_space<vmem>>) offsets(%dma_start3A_143 : memref<128xi32, #tpu.memory_space<vmem>>) semaphore(%arg12 : memref<!tpu.dma_semaphore, #tpu.memory_space<semaphore_mem>>)
    %dma_start3A_151 = arith.constant 1 : i32
    %dma_start3A_152 = arith.constant 1 : i32
    %dma_start3A_153 = arith.constant 0 : i32
    %dma_start3A_154 = arith.constant 0 : i32
    %dma_start3A_155 = tpu.memref_slice %arg9[%dma_start3A_152, %dma_start3A_153, %dma_start3A_154] : memref<3x128x256xf32, #tpu.memory_space<vmem>> -> memref<1x128x256xf32, #tpu.memory_space<vmem>>
    %dma_start3A_156 = tpu.memref_squeeze %dma_start3A_155 : memref<1x128x256xf32, #tpu.memory_space<vmem>> -> memref<128x256xf32, #tpu.memory_space<vmem>>
    %dma_start3A_157 = arith.constant 0 : i32
    %dma_start3A_158 = tpu.memref_slice %arg8[%dma_start3A_151, %dma_start3A_157] : memref<4x128xi32, #tpu.memory_space<vmem>> -> memref<1x128xi32, #tpu.memory_space<vmem>>
    %dma_start3A_159 = tpu.memref_squeeze %dma_start3A_158 : memref<1x128xi32, #tpu.memory_space<vmem>> -> memref<128xi32, #tpu.memory_space<vmem>>
    %dma_start3A_160 = arith.constant 0 : i32
    %dma_start3A_161 = arith.constant 0 : i32
    %dma_start3A_162 = tpu.memref_slice %arg3[%select_n3A, %dma_start3A_160, %dma_start3A_161] : memref<8x8192x256xf32, #tpu.memory_space<hbm>> -> memref<1x8192x256xf32, #tpu.memory_space<hbm>>
    %dma_start3A_163 = tpu.memref_squeeze %dma_start3A_162 : memref<1x8192x256xf32, #tpu.memory_space<hbm>> -> memref<8192x256xf32, #tpu.memory_space<hbm>>
    %dma_start3A_164 = arith.constant 0 : i32
    %dma_start3A_165 = arith.constant 0 : i32
    %dma_start3A_166 = tpu.memref_slice %dma_start3A_163[%dma_start3A_164, %dma_start3A_165] : memref<8192x256xf32, #tpu.memory_space<hbm>> -> memref<8192x256xf32, #tpu.memory_space<hbm>>
    tpu.enqueue_indirect_dma source(%dma_start3A_166 : memref<8192x256xf32, #tpu.memory_space<hbm>>) target(%dma_start3A_156 : memref<128x256xf32, #tpu.memory_space<vmem>>) offsets(%dma_start3A_159 : memref<128xi32, #tpu.memory_space<vmem>>) semaphore(%arg13 : memref<!tpu.dma_semaphore, #tpu.memory_space<semaphore_mem>>)
    %dma_start3A_167 = arith.constant 2 : i32
    %dma_start3A_168 = arith.constant 2 : i32
    %dma_start3A_169 = arith.constant 0 : i32
    %dma_start3A_170 = arith.constant 0 : i32
    %dma_start3A_171 = tpu.memref_slice %arg9[%dma_start3A_168, %dma_start3A_169, %dma_start3A_170] : memref<3x128x256xf32, #tpu.memory_space<vmem>> -> memref<1x128x256xf32, #tpu.memory_space<vmem>>
    %dma_start3A_172 = tpu.memref_squeeze %dma_start3A_171 : memref<1x128x256xf32, #tpu.memory_space<vmem>> -> memref<128x256xf32, #tpu.memory_space<vmem>>
    %dma_start3A_173 = arith.constant 0 : i32
    %dma_start3A_174 = tpu.memref_slice %arg8[%dma_start3A_167, %dma_start3A_173] : memref<4x128xi32, #tpu.memory_space<vmem>> -> memref<1x128xi32, #tpu.memory_space<vmem>>
    %dma_start3A_175 = tpu.memref_squeeze %dma_start3A_174 : memref<1x128xi32, #tpu.memory_space<vmem>> -> memref<128xi32, #tpu.memory_space<vmem>>
    %dma_start3A_176 = arith.constant 0 : i32
    %dma_start3A_177 = arith.constant 0 : i32
    %dma_start3A_178 = tpu.memref_slice %arg3[%select_n3A, %dma_start3A_176, %dma_start3A_177] : memref<8x8192x256xf32, #tpu.memory_space<hbm>> -> memref<1x8192x256xf32, #tpu.memory_space<hbm>>
    %dma_start3A_179 = tpu.memref_squeeze %dma_start3A_178 : memref<1x8192x256xf32, #tpu.memory_space<hbm>> -> memref<8192x256xf32, #tpu.memory_space<hbm>>
    %dma_start3A_180 = arith.constant 0 : i32
    %dma_start3A_181 = arith.constant 0 : i32
    %dma_start3A_182 = tpu.memref_slice %dma_start3A_179[%dma_start3A_180, %dma_start3A_181] : memref<8192x256xf32, #tpu.memory_space<hbm>> -> memref<8192x256xf32, #tpu.memory_space<hbm>>
    tpu.enqueue_indirect_dma source(%dma_start3A_182 : memref<8192x256xf32, #tpu.memory_space<hbm>>) target(%dma_start3A_172 : memref<128x256xf32, #tpu.memory_space<vmem>>) offsets(%dma_start3A_175 : memref<128xi32, #tpu.memory_space<vmem>>) semaphore(%arg14 : memref<!tpu.dma_semaphore, #tpu.memory_space<semaphore_mem>>)
    %dma_wait3A = arith.constant 0 : i32
    %dma_wait3A_183 = arith.constant 0 : i32
    %dma_wait3A_184 = arith.constant 0 : i32
    %dma_wait3A_185 = arith.constant 0 : i32
    %dma_wait3A_186 = tpu.memref_slice %arg9[%dma_wait3A_183, %dma_wait3A_184, %dma_wait3A_185] : memref<3x128x256xf32, #tpu.memory_space<vmem>> -> memref<1x128x256xf32, #tpu.memory_space<vmem>>
    %dma_wait3A_187 = tpu.memref_squeeze %dma_wait3A_186 : memref<1x128x256xf32, #tpu.memory_space<vmem>> -> memref<128x256xf32, #tpu.memory_space<vmem>>
    %dma_wait3A_188 = arith.constant 0 : i32
    %dma_wait3A_189 = tpu.memref_slice %arg8[%dma_wait3A, %dma_wait3A_188] : memref<4x128xi32, #tpu.memory_space<vmem>> -> memref<1x128xi32, #tpu.memory_space<vmem>>
    %dma_wait3A_190 = tpu.memref_squeeze %dma_wait3A_189 : memref<1x128xi32, #tpu.memory_space<vmem>> -> memref<128xi32, #tpu.memory_space<vmem>>
    %dma_wait3A_191 = arith.constant 0 : i32
    %dma_wait3A_192 = arith.constant 0 : i32
    %dma_wait3A_193 = tpu.memref_slice %arg3[%select_n3A, %dma_wait3A_191, %dma_wait3A_192] : memref<8x8192x256xf32, #tpu.memory_space<hbm>> -> memref<1x8192x256xf32, #tpu.memory_space<hbm>>
    %dma_wait3A_194 = tpu.memref_squeeze %dma_wait3A_193 : memref<1x8192x256xf32, #tpu.memory_space<hbm>> -> memref<8192x256xf32, #tpu.memory_space<hbm>>
    %dma_wait3A_195 = arith.constant 0 : i32
    %dma_wait3A_196 = arith.constant 0 : i32
    %dma_wait3A_197 = tpu.memref_slice %dma_wait3A_194[%dma_wait3A_195, %dma_wait3A_196] : memref<8192x256xf32, #tpu.memory_space<hbm>> -> memref<8192x256xf32, #tpu.memory_space<hbm>>
    tpu.wait_indirect_dma semaphore(%arg12 : memref<!tpu.dma_semaphore, #tpu.memory_space<semaphore_mem>>) src(%dma_wait3A_197 : memref<8192x256xf32, #tpu.memory_space<hbm>>) dst(%dma_wait3A_187 : memref<128x256xf32, #tpu.memory_space<vmem>>)
    %add3A_198 = arith.constant 0 : i32
    %add3A_199 = arith.addi %mul3A_32, %add3A_198 : i32
    %dma_start3A_200 = arith.constant 0 : i32
    %dma_start3A_201 = arith.constant 0 : i32
    %dma_start3A_202 = arith.constant 0 : i32
    %dma_start3A_203 = tpu.memref_slice %arg9[%dma_start3A_200, %dma_start3A_201, %dma_start3A_202] : memref<3x128x256xf32, #tpu.memory_space<vmem>> -> memref<1x128x256xf32, #tpu.memory_space<vmem>>
    %dma_start3A_204 = tpu.memref_squeeze %dma_start3A_203 : memref<1x128x256xf32, #tpu.memory_space<vmem>> -> memref<128x256xf32, #tpu.memory_space<vmem>>
    %dma_start3A_205 = arith.constant 0 : i32
    %dma_start3A_206 = arith.constant 0 : i32
    %dma_start3A_207 = tpu.memref_slice %arg5[%select_n3A, %dma_start3A_205, %dma_start3A_206] : memref<8x2048x256xf32, #tpu.memory_space<hbm>> -> memref<1x2048x256xf32, #tpu.memory_space<hbm>>
    %dma_start3A_208 = tpu.memref_squeeze %dma_start3A_207 : memref<1x2048x256xf32, #tpu.memory_space<hbm>> -> memref<2048x256xf32, #tpu.memory_space<hbm>>
    %dma_start3A_209 = arith.constant 0 : i32
    %dma_start3A_210 = tpu.memref_slice %dma_start3A_208[%add3A_199, %dma_start3A_209] : memref<2048x256xf32, #tpu.memory_space<hbm>> -> memref<128x256xf32, #tpu.memory_space<hbm>>
    %dma_start3A_211 = arith.constant 0 : i32
    %dma_start3A_212 = arith.constant 0 : i32
    %dma_start3A_213 = tpu.memref_slice %arg5[%select_n3A, %dma_start3A_211, %dma_start3A_212] : memref<8x2048x256xf32, #tpu.memory_space<hbm>> -> memref<1x2048x256xf32, #tpu.memory_space<hbm>>
    %dma_start3A_214 = tpu.memref_squeeze %dma_start3A_213 : memref<1x2048x256xf32, #tpu.memory_space<hbm>> -> memref<2048x256xf32, #tpu.memory_space<hbm>>
    %dma_start3A_215 = arith.constant 0 : i32
    %dma_start3A_216 = tpu.memref_slice %dma_start3A_214[%add3A_199, %dma_start3A_215] : memref<2048x256xf32, #tpu.memory_space<hbm>> -> memref<128x256xf32, #tpu.memory_space<hbm>>
    %dma_start3A_217 = arith.constant 0 : i32
    %dma_start3A_218 = arith.constant 0 : i32
    %dma_start3A_219 = tpu.memref_slice %arg9[%dma_start3A_200, %dma_start3A_217, %dma_start3A_218] : memref<3x128x256xf32, #tpu.memory_space<vmem>> -> memref<1x128x256xf32, #tpu.memory_space<vmem>>
    %dma_start3A_220 = tpu.memref_squeeze %dma_start3A_219 : memref<1x128x256xf32, #tpu.memory_space<vmem>> -> memref<128x256xf32, #tpu.memory_space<vmem>>
    tpu.enqueue_dma source(%dma_start3A_220 : memref<128x256xf32, #tpu.memory_space<vmem>>) target(%dma_start3A_216 : memref<128x256xf32, #tpu.memory_space<hbm>>) target_semaphore(%arg15 : memref<!tpu.dma_semaphore, #tpu.memory_space<semaphore_mem>>)
    %dma_wait3A_221 = arith.constant 0 : i32
    %dma_wait3A_222 = arith.constant 0 : i32
    %dma_wait3A_223 = arith.constant 0 : i32
    %dma_wait3A_224 = tpu.memref_slice %arg9[%dma_wait3A_221, %dma_wait3A_222, %dma_wait3A_223] : memref<3x128x256xf32, #tpu.memory_space<vmem>> -> memref<1x128x256xf32, #tpu.memory_space<vmem>>
    %dma_wait3A_225 = tpu.memref_squeeze %dma_wait3A_224 : memref<1x128x256xf32, #tpu.memory_space<vmem>> -> memref<128x256xf32, #tpu.memory_space<vmem>>
    %dma_wait3A_226 = arith.constant 0 : i32
    %dma_wait3A_227 = arith.constant 0 : i32
    %dma_wait3A_228 = tpu.memref_slice %arg5[%select_n3A, %dma_wait3A_226, %dma_wait3A_227] : memref<8x2048x256xf32, #tpu.memory_space<hbm>> -> memref<1x2048x256xf32, #tpu.memory_space<hbm>>
    %dma_wait3A_229 = tpu.memref_squeeze %dma_wait3A_228 : memref<1x2048x256xf32, #tpu.memory_space<hbm>> -> memref<2048x256xf32, #tpu.memory_space<hbm>>
    %dma_wait3A_230 = arith.constant 0 : i32
    %dma_wait3A_231 = tpu.memref_slice %dma_wait3A_229[%add3A_199, %dma_wait3A_230] : memref<2048x256xf32, #tpu.memory_space<hbm>> -> memref<128x256xf32, #tpu.memory_space<hbm>>
    %dma_wait3A_232 = arith.constant 0 : i32
    %dma_wait3A_233 = arith.constant 0 : i32
    %dma_wait3A_234 = tpu.memref_slice %arg5[%select_n3A, %dma_wait3A_232, %dma_wait3A_233] : memref<8x2048x256xf32, #tpu.memory_space<hbm>> -> memref<1x2048x256xf32, #tpu.memory_space<hbm>>
    %dma_wait3A_235 = tpu.memref_squeeze %dma_wait3A_234 : memref<1x2048x256xf32, #tpu.memory_space<hbm>> -> memref<2048x256xf32, #tpu.memory_space<hbm>>
    %dma_wait3A_236 = arith.constant 0 : i32
    %dma_wait3A_237 = tpu.memref_slice %dma_wait3A_235[%add3A_199, %dma_wait3A_236] : memref<2048x256xf32, #tpu.memory_space<hbm>> -> memref<128x256xf32, #tpu.memory_space<hbm>>
    %dma_wait3A_238 = arith.constant 0 : i32
    %dma_wait3A_239 = arith.constant 0 : i32
    %dma_wait3A_240 = tpu.memref_slice %arg9[%dma_wait3A_221, %dma_wait3A_238, %dma_wait3A_239] : memref<3x128x256xf32, #tpu.memory_space<vmem>> -> memref<1x128x256xf32, #tpu.memory_space<vmem>>
    %dma_wait3A_241 = tpu.memref_squeeze %dma_wait3A_240 : memref<1x128x256xf32, #tpu.memory_space<vmem>> -> memref<128x256xf32, #tpu.memory_space<vmem>>
    tpu.wait_dma2 semaphore(%arg15 : memref<!tpu.dma_semaphore, #tpu.memory_space<semaphore_mem>>) src(%dma_wait3A_241 : memref<128x256xf32, #tpu.memory_space<vmem>>) dst(%dma_wait3A_237 : memref<128x256xf32, #tpu.memory_space<hbm>>)
    %dma_start3A_242 = arith.constant 3 : i32
    %dma_start3A_243 = arith.constant 0 : i32
    %dma_start3A_244 = arith.constant 0 : i32
    %dma_start3A_245 = arith.constant 0 : i32
    %dma_start3A_246 = tpu.memref_slice %arg9[%dma_start3A_243, %dma_start3A_244, %dma_start3A_245] : memref<3x128x256xf32, #tpu.memory_space<vmem>> -> memref<1x128x256xf32, #tpu.memory_space<vmem>>
    %dma_start3A_247 = tpu.memref_squeeze %dma_start3A_246 : memref<1x128x256xf32, #tpu.memory_space<vmem>> -> memref<128x256xf32, #tpu.memory_space<vmem>>
    %dma_start3A_248 = arith.constant 0 : i32
    %dma_start3A_249 = tpu.memref_slice %arg8[%dma_start3A_242, %dma_start3A_248] : memref<4x128xi32, #tpu.memory_space<vmem>> -> memref<1x128xi32, #tpu.memory_space<vmem>>
    %dma_start3A_250 = tpu.memref_squeeze %dma_start3A_249 : memref<1x128xi32, #tpu.memory_space<vmem>> -> memref<128xi32, #tpu.memory_space<vmem>>
    %dma_start3A_251 = arith.constant 0 : i32
    %dma_start3A_252 = arith.constant 0 : i32
    %dma_start3A_253 = tpu.memref_slice %arg3[%select_n3A, %dma_start3A_251, %dma_start3A_252] : memref<8x8192x256xf32, #tpu.memory_space<hbm>> -> memref<1x8192x256xf32, #tpu.memory_space<hbm>>
    %dma_start3A_254 = tpu.memref_squeeze %dma_start3A_253 : memref<1x8192x256xf32, #tpu.memory_space<hbm>> -> memref<8192x256xf32, #tpu.memory_space<hbm>>
    %dma_start3A_255 = arith.constant 0 : i32
    %dma_start3A_256 = arith.constant 0 : i32
    %dma_start3A_257 = tpu.memref_slice %dma_start3A_254[%dma_start3A_255, %dma_start3A_256] : memref<8192x256xf32, #tpu.memory_space<hbm>> -> memref<8192x256xf32, #tpu.memory_space<hbm>>
    tpu.enqueue_indirect_dma source(%dma_start3A_257 : memref<8192x256xf32, #tpu.memory_space<hbm>>) target(%dma_start3A_247 : memref<128x256xf32, #tpu.memory_space<vmem>>) offsets(%dma_start3A_250 : memref<128xi32, #tpu.memory_space<vmem>>) semaphore(%arg12 : memref<!tpu.dma_semaphore, #tpu.memory_space<semaphore_mem>>)
    %dma_wait3A_258 = arith.constant 0 : i32
    %dma_wait3A_259 = arith.constant 0 : i32
    %dma_wait3A_260 = tpu.memref_slice %arg10[%dma_wait3A_259] : memref<24576xf32, #tpu.memory_space<vmem>> -> memref<8192xf32, #tpu.memory_space<vmem>>
    %dma_wait3A_261 = arith.constant 0 : i32
    %dma_wait3A_262 = tpu.memref_slice %arg2[%dma_wait3A_258, %select_n3A, %dma_wait3A_261] : memref<3x8x8192xf32, #tpu.memory_space<hbm>> -> memref<1x1x8192xf32, #tpu.memory_space<hbm>>
    %dma_wait3A_263 = tpu.memref_squeeze %dma_wait3A_262 : memref<1x1x8192xf32, #tpu.memory_space<hbm>> -> memref<8192xf32, #tpu.memory_space<hbm>>
    %dma_wait3A_264 = arith.constant 0 : i32
    %dma_wait3A_265 = tpu.memref_slice %arg10[%dma_wait3A_264] : memref<24576xf32, #tpu.memory_space<vmem>> -> memref<8192xf32, #tpu.memory_space<vmem>>
    %dma_wait3A_266 = arith.constant 0 : i32
    %dma_wait3A_267 = tpu.memref_slice %arg2[%dma_wait3A_258, %select_n3A, %dma_wait3A_266] : memref<3x8x8192xf32, #tpu.memory_space<hbm>> -> memref<1x1x8192xf32, #tpu.memory_space<hbm>>
    %dma_wait3A_268 = tpu.memref_squeeze %dma_wait3A_267 : memref<1x1x8192xf32, #tpu.memory_space<hbm>> -> memref<8192xf32, #tpu.memory_space<hbm>>
    tpu.wait_dma2 semaphore(%arg16 : memref<!tpu.dma_semaphore, #tpu.memory_space<semaphore_mem>>) src(%dma_wait3A_268 : memref<8192xf32, #tpu.memory_space<hbm>>) dst(%dma_wait3A_265 : memref<8192xf32, #tpu.memory_space<vmem>>)
    %dma_wait3A_269 = arith.constant 1 : i32
    %dma_wait3A_270 = arith.constant 8192 : i32
    %dma_wait3A_271 = tpu.memref_slice %arg10[%dma_wait3A_270] : memref<24576xf32, #tpu.memory_space<vmem>> -> memref<8192xf32, #tpu.memory_space<vmem>>
    %dma_wait3A_272 = arith.constant 0 : i32
    %dma_wait3A_273 = tpu.memref_slice %arg2[%dma_wait3A_269, %select_n3A, %dma_wait3A_272] : memref<3x8x8192xf32, #tpu.memory_space<hbm>> -> memref<1x1x8192xf32, #tpu.memory_space<hbm>>
    %dma_wait3A_274 = tpu.memref_squeeze %dma_wait3A_273 : memref<1x1x8192xf32, #tpu.memory_space<hbm>> -> memref<8192xf32, #tpu.memory_space<hbm>>
    %dma_wait3A_275 = arith.constant 8192 : i32
    %dma_wait3A_276 = tpu.memref_slice %arg10[%dma_wait3A_275] : memref<24576xf32, #tpu.memory_space<vmem>> -> memref<8192xf32, #tpu.memory_space<vmem>>
    %dma_wait3A_277 = arith.constant 0 : i32
    %dma_wait3A_278 = tpu.memref_slice %arg2[%dma_wait3A_269, %select_n3A, %dma_wait3A_277] : memref<3x8x8192xf32, #tpu.memory_space<hbm>> -> memref<1x1x8192xf32, #tpu.memory_space<hbm>>
    %dma_wait3A_279 = tpu.memref_squeeze %dma_wait3A_278 : memref<1x1x8192xf32, #tpu.memory_space<hbm>> -> memref<8192xf32, #tpu.memory_space<hbm>>
    tpu.wait_dma2 semaphore(%arg16 : memref<!tpu.dma_semaphore, #tpu.memory_space<semaphore_mem>>) src(%dma_wait3A_279 : memref<8192xf32, #tpu.memory_space<hbm>>) dst(%dma_wait3A_276 : memref<8192xf32, #tpu.memory_space<vmem>>)
    %dma_wait3A_280 = arith.constant 2 : i32
    %dma_wait3A_281 = arith.constant 16384 : i32
    %dma_wait3A_282 = tpu.memref_slice %arg10[%dma_wait3A_281] : memref<24576xf32, #tpu.memory_space<vmem>> -> memref<8192xf32, #tpu.memory_space<vmem>>
    %dma_wait3A_283 = arith.constant 0 : i32
    %dma_wait3A_284 = tpu.memref_slice %arg2[%dma_wait3A_280, %select_n3A, %dma_wait3A_283] : memref<3x8x8192xf32, #tpu.memory_space<hbm>> -> memref<1x1x8192xf32, #tpu.memory_space<hbm>>
    %dma_wait3A_285 = tpu.memref_squeeze %dma_wait3A_284 : memref<1x1x8192xf32, #tpu.memory_space<hbm>> -> memref<8192xf32, #tpu.memory_space<hbm>>
    %dma_wait3A_286 = arith.constant 16384 : i32
    %dma_wait3A_287 = tpu.memref_slice %arg10[%dma_wait3A_286] : memref<24576xf32, #tpu.memory_space<vmem>> -> memref<8192xf32, #tpu.memory_space<vmem>>
    %dma_wait3A_288 = arith.constant 0 : i32
    %dma_wait3A_289 = tpu.memref_slice %arg2[%dma_wait3A_280, %select_n3A, %dma_wait3A_288] : memref<3x8x8192xf32, #tpu.memory_space<hbm>> -> memref<1x1x8192xf32, #tpu.memory_space<hbm>>
    %dma_wait3A_290 = tpu.memref_squeeze %dma_wait3A_289 : memref<1x1x8192xf32, #tpu.memory_space<hbm>> -> memref<8192xf32, #tpu.memory_space<hbm>>
    tpu.wait_dma2 semaphore(%arg16 : memref<!tpu.dma_semaphore, #tpu.memory_space<semaphore_mem>>) src(%dma_wait3A_290 : memref<8192xf32, #tpu.memory_space<hbm>>) dst(%dma_wait3A_287 : memref<8192xf32, #tpu.memory_space<vmem>>)
    %get3A = arith.constant 0 : i32
    %get3A_291 = arith.index_cast %get3A : i32 to index
    %get3A_292 = arith.constant 0 : index
    %get3A_293 = tpu.vector_load %arg8[%get3A_291, %get3A_292] {strides = array<i32>} : memref<4x128xi32, #tpu.memory_space<vmem>>, vector<16xi32>,
    %add3A_294 = arith.constant 0 : i32
    %add3A_295 = vector.broadcast %add3A_294 : i32 to vector<16xi32>
    %add3A_296 = arith.addi %get3A_293, %add3A_295 : vector<16xi32>
    %gather3A = tpu.vector_load_idx %arg10[%add3A_296] : memref<24576xf32, #tpu.memory_space<vmem>>[vector<16xi32>], vector<16xf32>,
    %swap3A = arith.constant 0 : index
    %swap3A_297 = tpu.vector_load %arg11[%swap3A] {strides = array<i32>} : memref<1536xf32, #tpu.memory_space<vmem>>, vector<16xf32>,
    tpu.vector_store %arg11[%swap3A], %gather3A {strides = array<i32>} : memref<1536xf32, #tpu.memory_space<vmem>>, vector<16xf32>,
    %add3A_298 = arith.constant 8192 : i32
    %add3A_299 = vector.broadcast %add3A_298 : i32 to vector<16xi32>
    %add3A_300 = arith.addi %get3A_293, %add3A_299 : vector<16xi32>
    %gather3A_301 = tpu.vector_load_idx %arg10[%add3A_300] : memref<24576xf32, #tpu.memory_space<vmem>>[vector<16xi32>], vector<16xf32>,
    %swap3A_302 = arith.constant 512 : index
    %swap3A_303 = tpu.vector_load %arg11[%swap3A_302] {strides = array<i32>} : memref<1536xf32, #tpu.memory_space<vmem>>, vector<16xf32>,
    tpu.vector_store %arg11[%swap3A_302], %gather3A_301 {strides = array<i32>} : memref<1536xf32, #tpu.memory_space<vmem>>, vector<16xf32>,
    %add3A_304 = arith.constant 16384 : i32
    %add3A_305 = vector.broadcast %add3A_304 : i32 to vector<16xi32>
    %add3A_306 = arith.addi %get3A_293, %add3A_305 : vector<16xi32>
    %gather3A_307 = tpu.vector_load_idx %arg10[%add3A_306] : memref<24576xf32, #tpu.memory_space<vmem>>[vector<16xi32>], vector<16xf32>,
    %swap3A_308 = arith.constant 1024 : index
    %swap3A_309 = tpu.vector_load %arg11[%swap3A_308] {strides = array<i32>} : memref<1536xf32, #tpu.memory_space<vmem>>, vector<16xf32>,
    tpu.vector_store %arg11[%swap3A_308], %gather3A_307 {strides = array<i32>} : memref<1536xf32, #tpu.memory_space<vmem>>, vector<16xf32>,
    %get3A_310 = arith.constant 0 : i32
    %get3A_311 = arith.index_cast %get3A_310 : i32 to index
    %get3A_312 = arith.constant 16 : index
    %get3A_313 = tpu.vector_load %arg8[%get3A_311, %get3A_312] {strides = array<i32>} : memref<4x128xi32, #tpu.memory_space<vmem>>, vector<16xi32>,
    %add3A_314 = arith.constant 0 : i32
    %add3A_315 = vector.broadcast %add3A_314 : i32 to vector<16xi32>
    %add3A_316 = arith.addi %get3A_313, %add3A_315 : vector<16xi32>
    %gather3A_317 = tpu.vector_load_idx %arg10[%add3A_316] : memref<24576xf32, #tpu.memory_space<vmem>>[vector<16xi32>], vector<16xf32>,
    %swap3A_318 = arith.constant 16 : index
    %swap3A_319 = tpu.vector_load %arg11[%swap3A_318] {strides = array<i32>} : memref<1536xf32, #tpu.memory_space<vmem>>, vector<16xf32>,
    tpu.vector_store %arg11[%swap3A_318], %gather3A_317 {strides = array<i32>} : memref<1536xf32, #tpu.memory_space<vmem>>, vector<16xf32>,
    %add3A_320 = arith.constant 8192 : i32
    %add3A_321 = vector.broadcast %add3A_320 : i32 to vector<16xi32>
    %add3A_322 = arith.addi %get3A_313, %add3A_321 : vector<16xi32>
    %gather3A_323 = tpu.vector_load_idx %arg10[%add3A_322] : memref<24576xf32, #tpu.memory_space<vmem>>[vector<16xi32>], vector<16xf32>,
    %swap3A_324 = arith.constant 528 : index
    %swap3A_325 = tpu.vector_load %arg11[%swap3A_324] {strides = array<i32>} : memref<1536xf32, #tpu.memory_space<vmem>>, vector<16xf32>,
    tpu.vector_store %arg11[%swap3A_324], %gather3A_323 {strides = array<i32>} : memref<1536xf32, #tpu.memory_space<vmem>>, vector<16xf32>,
    %add3A_326 = arith.constant 16384 : i32
    %add3A_327 = vector.broadcast %add3A_326 : i32 to vector<16xi32>
    %add3A_328 = arith.addi %get3A_313, %add3A_327 : vector<16xi32>
    %gather3A_329 = tpu.vector_load_idx %arg10[%add3A_328] : memref<24576xf32, #tpu.memory_space<vmem>>[vector<16xi32>], vector<16xf32>,
    %swap3A_330 = arith.constant 1040 : index
    %swap3A_331 = tpu.vector_load %arg11[%swap3A_330] {strides = array<i32>} : memref<1536xf32, #tpu.memory_space<vmem>>, vector<16xf32>,
    tpu.vector_store %arg11[%swap3A_330], %gather3A_329 {strides = array<i32>} : memref<1536xf32, #tpu.memory_space<vmem>>, vector<16xf32>,
    %get3A_332 = arith.constant 0 : i32
    %get3A_333 = arith.index_cast %get3A_332 : i32 to index
    %get3A_334 = arith.constant 32 : index
    %get3A_335 = tpu.vector_load %arg8[%get3A_333, %get3A_334] {strides = array<i32>} : memref<4x128xi32, #tpu.memory_space<vmem>>, vector<16xi32>,
    %add3A_336 = arith.constant 0 : i32
    %add3A_337 = vector.broadcast %add3A_336 : i32 to vector<16xi32>
    %add3A_338 = arith.addi %get3A_335, %add3A_337 : vector<16xi32>
    %gather3A_339 = tpu.vector_load_idx %arg10[%add3A_338] : memref<24576xf32, #tpu.memory_space<vmem>>[vector<16xi32>], vector<16xf32>,
    %swap3A_340 = arith.constant 32 : index
    %swap3A_341 = tpu.vector_load %arg11[%swap3A_340] {strides = array<i32>} : memref<1536xf32, #tpu.memory_space<vmem>>, vector<16xf32>,
    tpu.vector_store %arg11[%swap3A_340], %gather3A_339 {strides = array<i32>} : memref<1536xf32, #tpu.memory_space<vmem>>, vector<16xf32>,
    %add3A_342 = arith.constant 8192 : i32
    %add3A_343 = vector.broadcast %add3A_342 : i32 to vector<16xi32>
    %add3A_344 = arith.addi %get3A_335, %add3A_343 : vector<16xi32>
    %gather3A_345 = tpu.vector_load_idx %arg10[%add3A_344] : memref<24576xf32, #tpu.memory_space<vmem>>[vector<16xi32>], vector<16xf32>,
    %swap3A_346 = arith.constant 544 : index
    %swap3A_347 = tpu.vector_load %arg11[%swap3A_346] {strides = array<i32>} : memref<1536xf32, #tpu.memory_space<vmem>>, vector<16xf32>,
    tpu.vector_store %arg11[%swap3A_346], %gather3A_345 {strides = array<i32>} : memref<1536xf32, #tpu.memory_space<vmem>>, vector<16xf32>,
    %add3A_348 = arith.constant 16384 : i32
    %add3A_349 = vector.broadcast %add3A_348 : i32 to vector<16xi32>
    %add3A_350 = arith.addi %get3A_335, %add3A_349 : vector<16xi32>
    %gather3A_351 = tpu.vector_load_idx %arg10[%add3A_350] : memref<24576xf32, #tpu.memory_space<vmem>>[vector<16xi32>], vector<16xf32>,
    %swap3A_352 = arith.constant 1056 : index
    %swap3A_353 = tpu.vector_load %arg11[%swap3A_352] {strides = array<i32>} : memref<1536xf32, #tpu.memory_space<vmem>>, vector<16xf32>,
    tpu.vector_store %arg11[%swap3A_352], %gather3A_351 {strides = array<i32>} : memref<1536xf32, #tpu.memory_space<vmem>>, vector<16xf32>,
    %get3A_354 = arith.constant 0 : i32
    %get3A_355 = arith.index_cast %get3A_354 : i32 to index
    %get3A_356 = arith.constant 48 : index
    %get3A_357 = tpu.vector_load %arg8[%get3A_355, %get3A_356] {strides = array<i32>} : memref<4x128xi32, #tpu.memory_space<vmem>>, vector<16xi32>,
    %add3A_358 = arith.constant 0 : i32
    %add3A_359 = vector.broadcast %add3A_358 : i32 to vector<16xi32>
    %add3A_360 = arith.addi %get3A_357, %add3A_359 : vector<16xi32>
    %gather3A_361 = tpu.vector_load_idx %arg10[%add3A_360] : memref<24576xf32, #tpu.memory_space<vmem>>[vector<16xi32>], vector<16xf32>,
    %swap3A_362 = arith.constant 48 : index
    %swap3A_363 = tpu.vector_load %arg11[%swap3A_362] {strides = array<i32>} : memref<1536xf32, #tpu.memory_space<vmem>>, vector<16xf32>,
    tpu.vector_store %arg11[%swap3A_362], %gather3A_361 {strides = array<i32>} : memref<1536xf32, #tpu.memory_space<vmem>>, vector<16xf32>,
    %add3A_364 = arith.constant 8192 : i32
    %add3A_365 = vector.broadcast %add3A_364 : i32 to vector<16xi32>
    %add3A_366 = arith.addi %get3A_357, %add3A_365 : vector<16xi32>
    %gather3A_367 = tpu.vector_load_idx %arg10[%add3A_366] : memref<24576xf32, #tpu.memory_space<vmem>>[vector<16xi32>], vector<16xf32>,
    %swap3A_368 = arith.constant 560 : index
    %swap3A_369 = tpu.vector_load %arg11[%swap3A_368] {strides = array<i32>} : memref<1536xf32, #tpu.memory_space<vmem>>, vector<16xf32>,
    tpu.vector_store %arg11[%swap3A_368], %gather3A_367 {strides = array<i32>} : memref<1536xf32, #tpu.memory_space<vmem>>, vector<16xf32>,
    %add3A_370 = arith.constant 16384 : i32
    %add3A_371 = vector.broadcast %add3A_370 : i32 to vector<16xi32>
    %add3A_372 = arith.addi %get3A_357, %add3A_371 : vector<16xi32>
    %gather3A_373 = tpu.vector_load_idx %arg10[%add3A_372] : memref<24576xf32, #tpu.memory_space<vmem>>[vector<16xi32>], vector<16xf32>,
    %swap3A_374 = arith.constant 1072 : index
    %swap3A_375 = tpu.vector_load %arg11[%swap3A_374] {strides = array<i32>} : memref<1536xf32, #tpu.memory_space<vmem>>, vector<16xf32>,
    tpu.vector_store %arg11[%swap3A_374], %gather3A_373 {strides = array<i32>} : memref<1536xf32, #tpu.memory_space<vmem>>, vector<16xf32>,
    %get3A_376 = arith.constant 0 : i32
    %get3A_377 = arith.index_cast %get3A_376 : i32 to index
    %get3A_378 = arith.constant 64 : index
    %get3A_379 = tpu.vector_load %arg8[%get3A_377, %get3A_378] {strides = array<i32>} : memref<4x128xi32, #tpu.memory_space<vmem>>, vector<16xi32>,
    %add3A_380 = arith.constant 0 : i32
    %add3A_381 = vector.broadcast %add3A_380 : i32 to vector<16xi32>
    %add3A_382 = arith.addi %get3A_379, %add3A_381 : vector<16xi32>
    %gather3A_383 = tpu.vector_load_idx %arg10[%add3A_382] : memref<24576xf32, #tpu.memory_space<vmem>>[vector<16xi32>], vector<16xf32>,
    %swap3A_384 = arith.constant 64 : index
    %swap3A_385 = tpu.vector_load %arg11[%swap3A_384] {strides = array<i32>} : memref<1536xf32, #tpu.memory_space<vmem>>, vector<16xf32>,
    tpu.vector_store %arg11[%swap3A_384], %gather3A_383 {strides = array<i32>} : memref<1536xf32, #tpu.memory_space<vmem>>, vector<16xf32>,
    %add3A_386 = arith.constant 8192 : i32
    %add3A_387 = vector.broadcast %add3A_386 : i32 to vector<16xi32>
    %add3A_388 = arith.addi %get3A_379, %add3A_387 : vector<16xi32>
    %gather3A_389 = tpu.vector_load_idx %arg10[%add3A_388] : memref<24576xf32, #tpu.memory_space<vmem>>[vector<16xi32>], vector<16xf32>,
    %swap3A_390 = arith.constant 576 : index
    %swap3A_391 = tpu.vector_load %arg11[%swap3A_390] {strides = array<i32>} : memref<1536xf32, #tpu.memory_space<vmem>>, vector<16xf32>,
    tpu.vector_store %arg11[%swap3A_390], %gather3A_389 {strides = array<i32>} : memref<1536xf32, #tpu.memory_space<vmem>>, vector<16xf32>,
    %add3A_392 = arith.constant 16384 : i32
    %add3A_393 = vector.broadcast %add3A_392 : i32 to vector<16xi32>
    %add3A_394 = arith.addi %get3A_379, %add3A_393 : vector<16xi32>
    %gather3A_395 = tpu.vector_load_idx %arg10[%add3A_394] : memref<24576xf32, #tpu.memory_space<vmem>>[vector<16xi32>], vector<16xf32>,
    %swap3A_396 = arith.constant 1088 : index
    %swap3A_397 = tpu.vector_load %arg11[%swap3A_396] {strides = array<i32>} : memref<1536xf32, #tpu.memory_space<vmem>>, vector<16xf32>,
    tpu.vector_store %arg11[%swap3A_396], %gather3A_395 {strides = array<i32>} : memref<1536xf32, #tpu.memory_space<vmem>>, vector<16xf32>,
    %get3A_398 = arith.constant 0 : i32
    %get3A_399 = arith.index_cast %get3A_398 : i32 to index
    %get3A_400 = arith.constant 80 : index
    %get3A_401 = tpu.vector_load %arg8[%get3A_399, %get3A_400] {strides = array<i32>} : memref<4x128xi32, #tpu.memory_space<vmem>>, vector<16xi32>,
    %add3A_402 = arith.constant 0 : i32
    %add3A_403 = vector.broadcast %add3A_402 : i32 to vector<16xi32>
    %add3A_404 = arith.addi %get3A_401, %add3A_403 : vector<16xi32>
    %gather3A_405 = tpu.vector_load_idx %arg10[%add3A_404] : memref<24576xf32, #tpu.memory_space<vmem>>[vector<16xi32>], vector<16xf32>,
    %swap3A_406 = arith.constant 80 : index
    %swap3A_407 = tpu.vector_load %arg11[%swap3A_406] {strides = array<i32>} : memref<1536xf32, #tpu.memory_space<vmem>>, vector<16xf32>,
    tpu.vector_store %arg11[%swap3A_406], %gather3A_405 {strides = array<i32>} : memref<1536xf32, #tpu.memory_space<vmem>>, vector<16xf32>,
    %add3A_408 = arith.constant 8192 : i32
    %add3A_409 = vector.broadcast %add3A_408 : i32 to vector<16xi32>
    %add3A_410 = arith.addi %get3A_401, %add3A_409 : vector<16xi32>
    %gather3A_411 = tpu.vector_load_idx %arg10[%add3A_410] : memref<24576xf32, #tpu.memory_space<vmem>>[vector<16xi32>], vector<16xf32>,
    %swap3A_412 = arith.constant 592 : index
    %swap3A_413 = tpu.vector_load %arg11[%swap3A_412] {strides = array<i32>} : memref<1536xf32, #tpu.memory_space<vmem>>, vector<16xf32>,
    tpu.vector_store %arg11[%swap3A_412], %gather3A_411 {strides = array<i32>} : memref<1536xf32, #tpu.memory_space<vmem>>, vector<16xf32>,
    %add3A_414 = arith.constant 16384 : i32
    %add3A_415 = vector.broadcast %add3A_414 : i32 to vector<16xi32>
    %add3A_416 = arith.addi %get3A_401, %add3A_415 : vector<16xi32>
    %gather3A_417 = tpu.vector_load_idx %arg10[%add3A_416] : memref<24576xf32, #tpu.memory_space<vmem>>[vector<16xi32>], vector<16xf32>,
    %swap3A_418 = arith.constant 1104 : index
    %swap3A_419 = tpu.vector_load %arg11[%swap3A_418] {strides = array<i32>} : memref<1536xf32, #tpu.memory_space<vmem>>, vector<16xf32>,
    tpu.vector_store %arg11[%swap3A_418], %gather3A_417 {strides = array<i32>} : memref<1536xf32, #tpu.memory_space<vmem>>, vector<16xf32>,
    %get3A_420 = arith.constant 0 : i32
    %get3A_421 = arith.index_cast %get3A_420 : i32 to index
    %get3A_422 = arith.constant 96 : index
    %get3A_423 = tpu.vector_load %arg8[%get3A_421, %get3A_422] {strides = array<i32>} : memref<4x128xi32, #tpu.memory_space<vmem>>, vector<16xi32>,
    %add3A_424 = arith.constant 0 : i32
    %add3A_425 = vector.broadcast %add3A_424 : i32 to vector<16xi32>
    %add3A_426 = arith.addi %get3A_423, %add3A_425 : vector<16xi32>
    %gather3A_427 = tpu.vector_load_idx %arg10[%add3A_426] : memref<24576xf32, #tpu.memory_space<vmem>>[vector<16xi32>], vector<16xf32>,
    %swap3A_428 = arith.constant 96 : index
    %swap3A_429 = tpu.vector_load %arg11[%swap3A_428] {strides = array<i32>} : memref<1536xf32, #tpu.memory_space<vmem>>, vector<16xf32>,
    tpu.vector_store %arg11[%swap3A_428], %gather3A_427 {strides = array<i32>} : memref<1536xf32, #tpu.memory_space<vmem>>, vector<16xf32>,
    %add3A_430 = arith.constant 8192 : i32
    %add3A_431 = vector.broadcast %add3A_430 : i32 to vector<16xi32>
    %add3A_432 = arith.addi %get3A_423, %add3A_431 : vector<16xi32>
    %gather3A_433 = tpu.vector_load_idx %arg10[%add3A_432] : memref<24576xf32, #tpu.memory_space<vmem>>[vector<16xi32>], vector<16xf32>,
    %swap3A_434 = arith.constant 608 : index
    %swap3A_435 = tpu.vector_load %arg11[%swap3A_434] {strides = array<i32>} : memref<1536xf32, #tpu.memory_space<vmem>>, vector<16xf32>,
    tpu.vector_store %arg11[%swap3A_434], %gather3A_433 {strides = array<i32>} : memref<1536xf32, #tpu.memory_space<vmem>>, vector<16xf32>,
    %add3A_436 = arith.constant 16384 : i32
    %add3A_437 = vector.broadcast %add3A_436 : i32 to vector<16xi32>
    %add3A_438 = arith.addi %get3A_423, %add3A_437 : vector<16xi32>
    %gather3A_439 = tpu.vector_load_idx %arg10[%add3A_438] : memref<24576xf32, #tpu.memory_space<vmem>>[vector<16xi32>], vector<16xf32>,
    %swap3A_440 = arith.constant 1120 : index
    %swap3A_441 = tpu.vector_load %arg11[%swap3A_440] {strides = array<i32>} : memref<1536xf32, #tpu.memory_space<vmem>>, vector<16xf32>,
    tpu.vector_store %arg11[%swap3A_440], %gather3A_439 {strides = array<i32>} : memref<1536xf32, #tpu.memory_space<vmem>>, vector<16xf32>,
    %get3A_442 = arith.constant 0 : i32
    %get3A_443 = arith.index_cast %get3A_442 : i32 to index
    %get3A_444 = arith.constant 112 : index
    %get3A_445 = tpu.vector_load %arg8[%get3A_443, %get3A_444] {strides = array<i32>} : memref<4x128xi32, #tpu.memory_space<vmem>>, vector<16xi32>,
    %add3A_446 = arith.constant 0 : i32
    %add3A_447 = vector.broadcast %add3A_446 : i32 to vector<16xi32>
    %add3A_448 = arith.addi %get3A_445, %add3A_447 : vector<16xi32>
    %gather3A_449 = tpu.vector_load_idx %arg10[%add3A_448] : memref<24576xf32, #tpu.memory_space<vmem>>[vector<16xi32>], vector<16xf32>,
    %swap3A_450 = arith.constant 112 : index
    %swap3A_451 = tpu.vector_load %arg11[%swap3A_450] {strides = array<i32>} : memref<1536xf32, #tpu.memory_space<vmem>>, vector<16xf32>,
    tpu.vector_store %arg11[%swap3A_450], %gather3A_449 {strides = array<i32>} : memref<1536xf32, #tpu.memory_space<vmem>>, vector<16xf32>,
    %add3A_452 = arith.constant 8192 : i32
    %add3A_453 = vector.broadcast %add3A_452 : i32 to vector<16xi32>
    %add3A_454 = arith.addi %get3A_445, %add3A_453 : vector<16xi32>
    %gather3A_455 = tpu.vector_load_idx %arg10[%add3A_454] : memref<24576xf32, #tpu.memory_space<vmem>>[vector<16xi32>], vector<16xf32>,
    %swap3A_456 = arith.constant 624 : index
    %swap3A_457 = tpu.vector_load %arg11[%swap3A_456] {strides = array<i32>} : memref<1536xf32, #tpu.memory_space<vmem>>, vector<16xf32>,
    tpu.vector_store %arg11[%swap3A_456], %gather3A_455 {strides = array<i32>} : memref<1536xf32, #tpu.memory_space<vmem>>, vector<16xf32>,
    %add3A_458 = arith.constant 16384 : i32
    %add3A_459 = vector.broadcast %add3A_458 : i32 to vector<16xi32>
    %add3A_460 = arith.addi %get3A_445, %add3A_459 : vector<16xi32>
    %gather3A_461 = tpu.vector_load_idx %arg10[%add3A_460] : memref<24576xf32, #tpu.memory_space<vmem>>[vector<16xi32>], vector<16xf32>,
    %swap3A_462 = arith.constant 1136 : index
    %swap3A_463 = tpu.vector_load %arg11[%swap3A_462] {strides = array<i32>} : memref<1536xf32, #tpu.memory_space<vmem>>, vector<16xf32>,
    tpu.vector_store %arg11[%swap3A_462], %gather3A_461 {strides = array<i32>} : memref<1536xf32, #tpu.memory_space<vmem>>, vector<16xf32>,
    %dma_wait3A_464 = arith.constant 1 : i32
    %dma_wait3A_465 = arith.constant 1 : i32
    %dma_wait3A_466 = arith.constant 0 : i32
    %dma_wait3A_467 = arith.constant 0 : i32
    %dma_wait3A_468 = tpu.memref_slice %arg9[%dma_wait3A_465, %dma_wait3A_466, %dma_wait3A_467] : memref<3x128x256xf32, #tpu.memory_space<vmem>> -> memref<1x128x256xf32, #tpu.memory_space<vmem>>
    %dma_wait3A_469 = tpu.memref_squeeze %dma_wait3A_468 : memref<1x128x256xf32, #tpu.memory_space<vmem>> -> memref<128x256xf32, #tpu.memory_space<vmem>>
    %dma_wait3A_470 = arith.constant 0 : i32
    %dma_wait3A_471 = tpu.memref_slice %arg8[%dma_wait3A_464, %dma_wait3A_470] : memref<4x128xi32, #tpu.memory_space<vmem>> -> memref<1x128xi32, #tpu.memory_space<vmem>>
    %dma_wait3A_472 = tpu.memref_squeeze %dma_wait3A_471 : memref<1x128xi32, #tpu.memory_space<vmem>> -> memref<128xi32, #tpu.memory_space<vmem>>
    %dma_wait3A_473 = arith.constant 0 : i32
    %dma_wait3A_474 = arith.constant 0 : i32
    %dma_wait3A_475 = tpu.memref_slice %arg3[%select_n3A, %dma_wait3A_473, %dma_wait3A_474] : memref<8x8192x256xf32, #tpu.memory_space<hbm>> -> memref<1x8192x256xf32, #tpu.memory_space<hbm>>
    %dma_wait3A_476 = tpu.memref_squeeze %dma_wait3A_475 : memref<1x8192x256xf32, #tpu.memory_space<hbm>> -> memref<8192x256xf32, #tpu.memory_space<hbm>>
    %dma_wait3A_477 = arith.constant 0 : i32
    %dma_wait3A_478 = arith.constant 0 : i32
    %dma_wait3A_479 = tpu.memref_slice %dma_wait3A_476[%dma_wait3A_477, %dma_wait3A_478] : memref<8192x256xf32, #tpu.memory_space<hbm>> -> memref<8192x256xf32, #tpu.memory_space<hbm>>
    tpu.wait_indirect_dma semaphore(%arg13 : memref<!tpu.dma_semaphore, #tpu.memory_space<semaphore_mem>>) src(%dma_wait3A_479 : memref<8192x256xf32, #tpu.memory_space<hbm>>) dst(%dma_wait3A_469 : memref<128x256xf32, #tpu.memory_space<vmem>>)
    %add3A_480 = arith.constant 128 : i32
    %add3A_481 = arith.addi %mul3A_32, %add3A_480 : i32
    %dma_start3A_482 = arith.constant 1 : i32
    %dma_start3A_483 = arith.constant 0 : i32
    %dma_start3A_484 = arith.constant 0 : i32
    %dma_start3A_485 = tpu.memref_slice %arg9[%dma_start3A_482, %dma_start3A_483, %dma_start3A_484] : memref<3x128x256xf32, #tpu.memory_space<vmem>> -> memref<1x128x256xf32, #tpu.memory_space<vmem>>
    %dma_start3A_486 = tpu.memref_squeeze %dma_start3A_485 : memref<1x128x256xf32, #tpu.memory_space<vmem>> -> memref<128x256xf32, #tpu.memory_space<vmem>>
    %dma_start3A_487 = arith.constant 0 : i32
    %dma_start3A_488 = arith.constant 0 : i32
    %dma_start3A_489 = tpu.memref_slice %arg5[%select_n3A, %dma_start3A_487, %dma_start3A_488] : memref<8x2048x256xf32, #tpu.memory_space<hbm>> -> memref<1x2048x256xf32, #tpu.memory_space<hbm>>
    %dma_start3A_490 = tpu.memref_squeeze %dma_start3A_489 : memref<1x2048x256xf32, #tpu.memory_space<hbm>> -> memref<2048x256xf32, #tpu.memory_space<hbm>>
    %dma_start3A_491 = arith.constant 0 : i32
    %dma_start3A_492 = tpu.memref_slice %dma_start3A_490[%add3A_481, %dma_start3A_491] : memref<2048x256xf32, #tpu.memory_space<hbm>> -> memref<128x256xf32, #tpu.memory_space<hbm>>
    %dma_start3A_493 = arith.constant 0 : i32
    %dma_start3A_494 = arith.constant 0 : i32
    %dma_start3A_495 = tpu.memref_slice %arg5[%select_n3A, %dma_start3A_493, %dma_start3A_494] : memref<8x2048x256xf32, #tpu.memory_space<hbm>> -> memref<1x2048x256xf32, #tpu.memory_space<hbm>>
    %dma_start3A_496 = tpu.memref_squeeze %dma_start3A_495 : memref<1x2048x256xf32, #tpu.memory_space<hbm>> -> memref<2048x256xf32, #tpu.memory_space<hbm>>
    %dma_start3A_497 = arith.constant 0 : i32
    %dma_start3A_498 = tpu.memref_slice %dma_start3A_496[%add3A_481, %dma_start3A_497] : memref<2048x256xf32, #tpu.memory_space<hbm>> -> memref<128x256xf32, #tpu.memory_space<hbm>>
    %dma_start3A_499 = arith.constant 0 : i32
    %dma_start3A_500 = arith.constant 0 : i32
    %dma_start3A_501 = tpu.memref_slice %arg9[%dma_start3A_482, %dma_start3A_499, %dma_start3A_500] : memref<3x128x256xf32, #tpu.memory_space<vmem>> -> memref<1x128x256xf32, #tpu.memory_space<vmem>>
    %dma_start3A_502 = tpu.memref_squeeze %dma_start3A_501 : memref<1x128x256xf32, #tpu.memory_space<vmem>> -> memref<128x256xf32, #tpu.memory_space<vmem>>
    tpu.enqueue_dma source(%dma_start3A_502 : memref<128x256xf32, #tpu.memory_space<vmem>>) target(%dma_start3A_498 : memref<128x256xf32, #tpu.memory_space<hbm>>) target_semaphore(%arg15 : memref<!tpu.dma_semaphore, #tpu.memory_space<semaphore_mem>>)
    %get3A_503 = arith.constant 1 : i32
    %get3A_504 = arith.index_cast %get3A_503 : i32 to index
    %get3A_505 = arith.constant 0 : index
    %get3A_506 = tpu.vector_load %arg8[%get3A_504, %get3A_505] {strides = array<i32>} : memref<4x128xi32, #tpu.memory_space<vmem>>, vector<16xi32>,
    %add3A_507 = arith.constant 0 : i32
    %add3A_508 = vector.broadcast %add3A_507 : i32 to vector<16xi32>
    %add3A_509 = arith.addi %get3A_506, %add3A_508 : vector<16xi32>
    %gather3A_510 = tpu.vector_load_idx %arg10[%add3A_509] : memref<24576xf32, #tpu.memory_space<vmem>>[vector<16xi32>], vector<16xf32>,
    %swap3A_511 = arith.constant 128 : index
    %swap3A_512 = tpu.vector_load %arg11[%swap3A_511] {strides = array<i32>} : memref<1536xf32, #tpu.memory_space<vmem>>, vector<16xf32>,
    tpu.vector_store %arg11[%swap3A_511], %gather3A_510 {strides = array<i32>} : memref<1536xf32, #tpu.memory_space<vmem>>, vector<16xf32>,
    %add3A_513 = arith.constant 8192 : i32
    %add3A_514 = vector.broadcast %add3A_513 : i32 to vector<16xi32>
    %add3A_515 = arith.addi %get3A_506, %add3A_514 : vector<16xi32>
    %gather3A_516 = tpu.vector_load_idx %arg10[%add3A_515] : memref<24576xf32, #tpu.memory_space<vmem>>[vector<16xi32>], vector<16xf32>,
    %swap3A_517 = arith.constant 640 : index
    %swap3A_518 = tpu.vector_load %arg11[%swap3A_517] {strides = array<i32>} : memref<1536xf32, #tpu.memory_space<vmem>>, vector<16xf32>,
    tpu.vector_store %arg11[%swap3A_517], %gather3A_516 {strides = array<i32>} : memref<1536xf32, #tpu.memory_space<vmem>>, vector<16xf32>,
    %add3A_519 = arith.constant 16384 : i32
    %add3A_520 = vector.broadcast %add3A_519 : i32 to vector<16xi32>
    %add3A_521 = arith.addi %get3A_506, %add3A_520 : vector<16xi32>
    %gather3A_522 = tpu.vector_load_idx %arg10[%add3A_521] : memref<24576xf32, #tpu.memory_space<vmem>>[vector<16xi32>], vector<16xf32>,
    %swap3A_523 = arith.constant 1152 : index
    %swap3A_524 = tpu.vector_load %arg11[%swap3A_523] {strides = array<i32>} : memref<1536xf32, #tpu.memory_space<vmem>>, vector<16xf32>,
    tpu.vector_store %arg11[%swap3A_523], %gather3A_522 {strides = array<i32>} : memref<1536xf32, #tpu.memory_space<vmem>>, vector<16xf32>,
    %get3A_525 = arith.constant 1 : i32
    %get3A_526 = arith.index_cast %get3A_525 : i32 to index
    %get3A_527 = arith.constant 16 : index
    %get3A_528 = tpu.vector_load %arg8[%get3A_526, %get3A_527] {strides = array<i32>} : memref<4x128xi32, #tpu.memory_space<vmem>>, vector<16xi32>,
    %add3A_529 = arith.constant 0 : i32
    %add3A_530 = vector.broadcast %add3A_529 : i32 to vector<16xi32>
    %add3A_531 = arith.addi %get3A_528, %add3A_530 : vector<16xi32>
    %gather3A_532 = tpu.vector_load_idx %arg10[%add3A_531] : memref<24576xf32, #tpu.memory_space<vmem>>[vector<16xi32>], vector<16xf32>,
    %swap3A_533 = arith.constant 144 : index
    %swap3A_534 = tpu.vector_load %arg11[%swap3A_533] {strides = array<i32>} : memref<1536xf32, #tpu.memory_space<vmem>>, vector<16xf32>,
    tpu.vector_store %arg11[%swap3A_533], %gather3A_532 {strides = array<i32>} : memref<1536xf32, #tpu.memory_space<vmem>>, vector<16xf32>,
    %add3A_535 = arith.constant 8192 : i32
    %add3A_536 = vector.broadcast %add3A_535 : i32 to vector<16xi32>
    %add3A_537 = arith.addi %get3A_528, %add3A_536 : vector<16xi32>
    %gather3A_538 = tpu.vector_load_idx %arg10[%add3A_537] : memref<24576xf32, #tpu.memory_space<vmem>>[vector<16xi32>], vector<16xf32>,
    %swap3A_539 = arith.constant 656 : index
    %swap3A_540 = tpu.vector_load %arg11[%swap3A_539] {strides = array<i32>} : memref<1536xf32, #tpu.memory_space<vmem>>, vector<16xf32>,
    tpu.vector_store %arg11[%swap3A_539], %gather3A_538 {strides = array<i32>} : memref<1536xf32, #tpu.memory_space<vmem>>, vector<16xf32>,
    %add3A_541 = arith.constant 16384 : i32
    %add3A_542 = vector.broadcast %add3A_541 : i32 to vector<16xi32>
    %add3A_543 = arith.addi %get3A_528, %add3A_542 : vector<16xi32>
    %gather3A_544 = tpu.vector_load_idx %arg10[%add3A_543] : memref<24576xf32, #tpu.memory_space<vmem>>[vector<16xi32>], vector<16xf32>,
    %swap3A_545 = arith.constant 1168 : index
    %swap3A_546 = tpu.vector_load %arg11[%swap3A_545] {strides = array<i32>} : memref<1536xf32, #tpu.memory_space<vmem>>, vector<16xf32>,
    tpu.vector_store %arg11[%swap3A_545], %gather3A_544 {strides = array<i32>} : memref<1536xf32, #tpu.memory_space<vmem>>, vector<16xf32>,
    %get3A_547 = arith.constant 1 : i32
    %get3A_548 = arith.index_cast %get3A_547 : i32 to index
    %get3A_549 = arith.constant 32 : index
    %get3A_550 = tpu.vector_load %arg8[%get3A_548, %get3A_549] {strides = array<i32>} : memref<4x128xi32, #tpu.memory_space<vmem>>, vector<16xi32>,
    %add3A_551 = arith.constant 0 : i32
    %add3A_552 = vector.broadcast %add3A_551 : i32 to vector<16xi32>
    %add3A_553 = arith.addi %get3A_550, %add3A_552 : vector<16xi32>
    %gather3A_554 = tpu.vector_load_idx %arg10[%add3A_553] : memref<24576xf32, #tpu.memory_space<vmem>>[vector<16xi32>], vector<16xf32>,
    %swap3A_555 = arith.constant 160 : index
    %swap3A_556 = tpu.vector_load %arg11[%swap3A_555] {strides = array<i32>} : memref<1536xf32, #tpu.memory_space<vmem>>, vector<16xf32>,
    tpu.vector_store %arg11[%swap3A_555], %gather3A_554 {strides = array<i32>} : memref<1536xf32, #tpu.memory_space<vmem>>, vector<16xf32>,
    %add3A_557 = arith.constant 8192 : i32
    %add3A_558 = vector.broadcast %add3A_557 : i32 to vector<16xi32>
    %add3A_559 = arith.addi %get3A_550, %add3A_558 : vector<16xi32>
    %gather3A_560 = tpu.vector_load_idx %arg10[%add3A_559] : memref<24576xf32, #tpu.memory_space<vmem>>[vector<16xi32>], vector<16xf32>,
    %swap3A_561 = arith.constant 672 : index
    %swap3A_562 = tpu.vector_load %arg11[%swap3A_561] {strides = array<i32>} : memref<1536xf32, #tpu.memory_space<vmem>>, vector<16xf32>,
    tpu.vector_store %arg11[%swap3A_561], %gather3A_560 {strides = array<i32>} : memref<1536xf32, #tpu.memory_space<vmem>>, vector<16xf32>,
    %add3A_563 = arith.constant 16384 : i32
    %add3A_564 = vector.broadcast %add3A_563 : i32 to vector<16xi32>
    %add3A_565 = arith.addi %get3A_550, %add3A_564 : vector<16xi32>
    %gather3A_566 = tpu.vector_load_idx %arg10[%add3A_565] : memref<24576xf32, #tpu.memory_space<vmem>>[vector<16xi32>], vector<16xf32>,
    %swap3A_567 = arith.constant 1184 : index
    %swap3A_568 = tpu.vector_load %arg11[%swap3A_567] {strides = array<i32>} : memref<1536xf32, #tpu.memory_space<vmem>>, vector<16xf32>,
    tpu.vector_store %arg11[%swap3A_567], %gather3A_566 {strides = array<i32>} : memref<1536xf32, #tpu.memory_space<vmem>>, vector<16xf32>,
    %get3A_569 = arith.constant 1 : i32
    %get3A_570 = arith.index_cast %get3A_569 : i32 to index
    %get3A_571 = arith.constant 48 : index
    %get3A_572 = tpu.vector_load %arg8[%get3A_570, %get3A_571] {strides = array<i32>} : memref<4x128xi32, #tpu.memory_space<vmem>>, vector<16xi32>,
    %add3A_573 = arith.constant 0 : i32
    %add3A_574 = vector.broadcast %add3A_573 : i32 to vector<16xi32>
    %add3A_575 = arith.addi %get3A_572, %add3A_574 : vector<16xi32>
    %gather3A_576 = tpu.vector_load_idx %arg10[%add3A_575] : memref<24576xf32, #tpu.memory_space<vmem>>[vector<16xi32>], vector<16xf32>,
    %swap3A_577 = arith.constant 176 : index
    %swap3A_578 = tpu.vector_load %arg11[%swap3A_577] {strides = array<i32>} : memref<1536xf32, #tpu.memory_space<vmem>>, vector<16xf32>,
    tpu.vector_store %arg11[%swap3A_577], %gather3A_576 {strides = array<i32>} : memref<1536xf32, #tpu.memory_space<vmem>>, vector<16xf32>,
    %add3A_579 = arith.constant 8192 : i32
    %add3A_580 = vector.broadcast %add3A_579 : i32 to vector<16xi32>
    %add3A_581 = arith.addi %get3A_572, %add3A_580 : vector<16xi32>
    %gather3A_582 = tpu.vector_load_idx %arg10[%add3A_581] : memref<24576xf32, #tpu.memory_space<vmem>>[vector<16xi32>], vector<16xf32>,
    %swap3A_583 = arith.constant 688 : index
    %swap3A_584 = tpu.vector_load %arg11[%swap3A_583] {strides = array<i32>} : memref<1536xf32, #tpu.memory_space<vmem>>, vector<16xf32>,
    tpu.vector_store %arg11[%swap3A_583], %gather3A_582 {strides = array<i32>} : memref<1536xf32, #tpu.memory_space<vmem>>, vector<16xf32>,
    %add3A_585 = arith.constant 16384 : i32
    %add3A_586 = vector.broadcast %add3A_585 : i32 to vector<16xi32>
    %add3A_587 = arith.addi %get3A_572, %add3A_586 : vector<16xi32>
    %gather3A_588 = tpu.vector_load_idx %arg10[%add3A_587] : memref<24576xf32, #tpu.memory_space<vmem>>[vector<16xi32>], vector<16xf32>,
    %swap3A_589 = arith.constant 1200 : index
    %swap3A_590 = tpu.vector_load %arg11[%swap3A_589] {strides = array<i32>} : memref<1536xf32, #tpu.memory_space<vmem>>, vector<16xf32>,
    tpu.vector_store %arg11[%swap3A_589], %gather3A_588 {strides = array<i32>} : memref<1536xf32, #tpu.memory_space<vmem>>, vector<16xf32>,
    %get3A_591 = arith.constant 1 : i32
    %get3A_592 = arith.index_cast %get3A_591 : i32 to index
    %get3A_593 = arith.constant 64 : index
    %get3A_594 = tpu.vector_load %arg8[%get3A_592, %get3A_593] {strides = array<i32>} : memref<4x128xi32, #tpu.memory_space<vmem>>, vector<16xi32>,
    %add3A_595 = arith.constant 0 : i32
    %add3A_596 = vector.broadcast %add3A_595 : i32 to vector<16xi32>
    %add3A_597 = arith.addi %get3A_594, %add3A_596 : vector<16xi32>
    %gather3A_598 = tpu.vector_load_idx %arg10[%add3A_597] : memref<24576xf32, #tpu.memory_space<vmem>>[vector<16xi32>], vector<16xf32>,
    %swap3A_599 = arith.constant 192 : index
    %swap3A_600 = tpu.vector_load %arg11[%swap3A_599] {strides = array<i32>} : memref<1536xf32, #tpu.memory_space<vmem>>, vector<16xf32>,
    tpu.vector_store %arg11[%swap3A_599], %gather3A_598 {strides = array<i32>} : memref<1536xf32, #tpu.memory_space<vmem>>, vector<16xf32>,
    %add3A_601 = arith.constant 8192 : i32
    %add3A_602 = vector.broadcast %add3A_601 : i32 to vector<16xi32>
    %add3A_603 = arith.addi %get3A_594, %add3A_602 : vector<16xi32>
    %gather3A_604 = tpu.vector_load_idx %arg10[%add3A_603] : memref<24576xf32, #tpu.memory_space<vmem>>[vector<16xi32>], vector<16xf32>,
    %swap3A_605 = arith.constant 704 : index
    %swap3A_606 = tpu.vector_load %arg11[%swap3A_605] {strides = array<i32>} : memref<1536xf32, #tpu.memory_space<vmem>>, vector<16xf32>,
    tpu.vector_store %arg11[%swap3A_605], %gather3A_604 {strides = array<i32>} : memref<1536xf32, #tpu.memory_space<vmem>>, vector<16xf32>,
    %add3A_607 = arith.constant 16384 : i32
    %add3A_608 = vector.broadcast %add3A_607 : i32 to vector<16xi32>
    %add3A_609 = arith.addi %get3A_594, %add3A_608 : vector<16xi32>
    %gather3A_610 = tpu.vector_load_idx %arg10[%add3A_609] : memref<24576xf32, #tpu.memory_space<vmem>>[vector<16xi32>], vector<16xf32>,
    %swap3A_611 = arith.constant 1216 : index
    %swap3A_612 = tpu.vector_load %arg11[%swap3A_611] {strides = array<i32>} : memref<1536xf32, #tpu.memory_space<vmem>>, vector<16xf32>,
    tpu.vector_store %arg11[%swap3A_611], %gather3A_610 {strides = array<i32>} : memref<1536xf32, #tpu.memory_space<vmem>>, vector<16xf32>,
    %get3A_613 = arith.constant 1 : i32
    %get3A_614 = arith.index_cast %get3A_613 : i32 to index
    %get3A_615 = arith.constant 80 : index
    %get3A_616 = tpu.vector_load %arg8[%get3A_614, %get3A_615] {strides = array<i32>} : memref<4x128xi32, #tpu.memory_space<vmem>>, vector<16xi32>,
    %add3A_617 = arith.constant 0 : i32
    %add3A_618 = vector.broadcast %add3A_617 : i32 to vector<16xi32>
    %add3A_619 = arith.addi %get3A_616, %add3A_618 : vector<16xi32>
    %gather3A_620 = tpu.vector_load_idx %arg10[%add3A_619] : memref<24576xf32, #tpu.memory_space<vmem>>[vector<16xi32>], vector<16xf32>,
    %swap3A_621 = arith.constant 208 : index
    %swap3A_622 = tpu.vector_load %arg11[%swap3A_621] {strides = array<i32>} : memref<1536xf32, #tpu.memory_space<vmem>>, vector<16xf32>,
    tpu.vector_store %arg11[%swap3A_621], %gather3A_620 {strides = array<i32>} : memref<1536xf32, #tpu.memory_space<vmem>>, vector<16xf32>,
    %add3A_623 = arith.constant 8192 : i32
    %add3A_624 = vector.broadcast %add3A_623 : i32 to vector<16xi32>
    %add3A_625 = arith.addi %get3A_616, %add3A_624 : vector<16xi32>
    %gather3A_626 = tpu.vector_load_idx %arg10[%add3A_625] : memref<24576xf32, #tpu.memory_space<vmem>>[vector<16xi32>], vector<16xf32>,
    %swap3A_627 = arith.constant 720 : index
    %swap3A_628 = tpu.vector_load %arg11[%swap3A_627] {strides = array<i32>} : memref<1536xf32, #tpu.memory_space<vmem>>, vector<16xf32>,
    tpu.vector_store %arg11[%swap3A_627], %gather3A_626 {strides = array<i32>} : memref<1536xf32, #tpu.memory_space<vmem>>, vector<16xf32>,
    %add3A_629 = arith.constant 16384 : i32
    %add3A_630 = vector.broadcast %add3A_629 : i32 to vector<16xi32>
    %add3A_631 = arith.addi %get3A_616, %add3A_630 : vector<16xi32>
    %gather3A_632 = tpu.vector_load_idx %arg10[%add3A_631] : memref<24576xf32, #tpu.memory_space<vmem>>[vector<16xi32>], vector<16xf32>,
    %swap3A_633 = arith.constant 1232 : index
    %swap3A_634 = tpu.vector_load %arg11[%swap3A_633] {strides = array<i32>} : memref<1536xf32, #tpu.memory_space<vmem>>, vector<16xf32>,
    tpu.vector_store %arg11[%swap3A_633], %gather3A_632 {strides = array<i32>} : memref<1536xf32, #tpu.memory_space<vmem>>, vector<16xf32>,
    %get3A_635 = arith.constant 1 : i32
    %get3A_636 = arith.index_cast %get3A_635 : i32 to index
    %get3A_637 = arith.constant 96 : index
    %get3A_638 = tpu.vector_load %arg8[%get3A_636, %get3A_637] {strides = array<i32>} : memref<4x128xi32, #tpu.memory_space<vmem>>, vector<16xi32>,
    %add3A_639 = arith.constant 0 : i32
    %add3A_640 = vector.broadcast %add3A_639 : i32 to vector<16xi32>
    %add3A_641 = arith.addi %get3A_638, %add3A_640 : vector<16xi32>
    %gather3A_642 = tpu.vector_load_idx %arg10[%add3A_641] : memref<24576xf32, #tpu.memory_space<vmem>>[vector<16xi32>], vector<16xf32>,
    %swap3A_643 = arith.constant 224 : index
    %swap3A_644 = tpu.vector_load %arg11[%swap3A_643] {strides = array<i32>} : memref<1536xf32, #tpu.memory_space<vmem>>, vector<16xf32>,
    tpu.vector_store %arg11[%swap3A_643], %gather3A_642 {strides = array<i32>} : memref<1536xf32, #tpu.memory_space<vmem>>, vector<16xf32>,
    %add3A_645 = arith.constant 8192 : i32
    %add3A_646 = vector.broadcast %add3A_645 : i32 to vector<16xi32>
    %add3A_647 = arith.addi %get3A_638, %add3A_646 : vector<16xi32>
    %gather3A_648 = tpu.vector_load_idx %arg10[%add3A_647] : memref<24576xf32, #tpu.memory_space<vmem>>[vector<16xi32>], vector<16xf32>,
    %swap3A_649 = arith.constant 736 : index
    %swap3A_650 = tpu.vector_load %arg11[%swap3A_649] {strides = array<i32>} : memref<1536xf32, #tpu.memory_space<vmem>>, vector<16xf32>,
    tpu.vector_store %arg11[%swap3A_649], %gather3A_648 {strides = array<i32>} : memref<1536xf32, #tpu.memory_space<vmem>>, vector<16xf32>,
    %add3A_651 = arith.constant 16384 : i32
    %add3A_652 = vector.broadcast %add3A_651 : i32 to vector<16xi32>
    %add3A_653 = arith.addi %get3A_638, %add3A_652 : vector<16xi32>
    %gather3A_654 = tpu.vector_load_idx %arg10[%add3A_653] : memref<24576xf32, #tpu.memory_space<vmem>>[vector<16xi32>], vector<16xf32>,
    %swap3A_655 = arith.constant 1248 : index
    %swap3A_656 = tpu.vector_load %arg11[%swap3A_655] {strides = array<i32>} : memref<1536xf32, #tpu.memory_space<vmem>>, vector<16xf32>,
    tpu.vector_store %arg11[%swap3A_655], %gather3A_654 {strides = array<i32>} : memref<1536xf32, #tpu.memory_space<vmem>>, vector<16xf32>,
    %get3A_657 = arith.constant 1 : i32
    %get3A_658 = arith.index_cast %get3A_657 : i32 to index
    %get3A_659 = arith.constant 112 : index
    %get3A_660 = tpu.vector_load %arg8[%get3A_658, %get3A_659] {strides = array<i32>} : memref<4x128xi32, #tpu.memory_space<vmem>>, vector<16xi32>,
    %add3A_661 = arith.constant 0 : i32
    %add3A_662 = vector.broadcast %add3A_661 : i32 to vector<16xi32>
    %add3A_663 = arith.addi %get3A_660, %add3A_662 : vector<16xi32>
    %gather3A_664 = tpu.vector_load_idx %arg10[%add3A_663] : memref<24576xf32, #tpu.memory_space<vmem>>[vector<16xi32>], vector<16xf32>,
    %swap3A_665 = arith.constant 240 : index
    %swap3A_666 = tpu.vector_load %arg11[%swap3A_665] {strides = array<i32>} : memref<1536xf32, #tpu.memory_space<vmem>>, vector<16xf32>,
    tpu.vector_store %arg11[%swap3A_665], %gather3A_664 {strides = array<i32>} : memref<1536xf32, #tpu.memory_space<vmem>>, vector<16xf32>,
    %add3A_667 = arith.constant 8192 : i32
    %add3A_668 = vector.broadcast %add3A_667 : i32 to vector<16xi32>
    %add3A_669 = arith.addi %get3A_660, %add3A_668 : vector<16xi32>
    %gather3A_670 = tpu.vector_load_idx %arg10[%add3A_669] : memref<24576xf32, #tpu.memory_space<vmem>>[vector<16xi32>], vector<16xf32>,
    %swap3A_671 = arith.constant 752 : index
    %swap3A_672 = tpu.vector_load %arg11[%swap3A_671] {strides = array<i32>} : memref<1536xf32, #tpu.memory_space<vmem>>, vector<16xf32>,
    tpu.vector_store %arg11[%swap3A_671], %gather3A_670 {strides = array<i32>} : memref<1536xf32, #tpu.memory_space<vmem>>, vector<16xf32>,
    %add3A_673 = arith.constant 16384 : i32
    %add3A_674 = vector.broadcast %add3A_673 : i32 to vector<16xi32>
    %add3A_675 = arith.addi %get3A_660, %add3A_674 : vector<16xi32>
    %gather3A_676 = tpu.vector_load_idx %arg10[%add3A_675] : memref<24576xf32, #tpu.memory_space<vmem>>[vector<16xi32>], vector<16xf32>,
    %swap3A_677 = arith.constant 1264 : index
    %swap3A_678 = tpu.vector_load %arg11[%swap3A_677] {strides = array<i32>} : memref<1536xf32, #tpu.memory_space<vmem>>, vector<16xf32>,
    tpu.vector_store %arg11[%swap3A_677], %gather3A_676 {strides = array<i32>} : memref<1536xf32, #tpu.memory_space<vmem>>, vector<16xf32>,
    %dma_wait3A_679 = arith.constant 2 : i32
    %dma_wait3A_680 = arith.constant 2 : i32
    %dma_wait3A_681 = arith.constant 0 : i32
    %dma_wait3A_682 = arith.constant 0 : i32
    %dma_wait3A_683 = tpu.memref_slice %arg9[%dma_wait3A_680, %dma_wait3A_681, %dma_wait3A_682] : memref<3x128x256xf32, #tpu.memory_space<vmem>> -> memref<1x128x256xf32, #tpu.memory_space<vmem>>
    %dma_wait3A_684 = tpu.memref_squeeze %dma_wait3A_683 : memref<1x128x256xf32, #tpu.memory_space<vmem>> -> memref<128x256xf32, #tpu.memory_space<vmem>>
    %dma_wait3A_685 = arith.constant 0 : i32
    %dma_wait3A_686 = tpu.memref_slice %arg8[%dma_wait3A_679, %dma_wait3A_685] : memref<4x128xi32, #tpu.memory_space<vmem>> -> memref<1x128xi32, #tpu.memory_space<vmem>>
    %dma_wait3A_687 = tpu.memref_squeeze %dma_wait3A_686 : memref<1x128xi32, #tpu.memory_space<vmem>> -> memref<128xi32, #tpu.memory_space<vmem>>
    %dma_wait3A_688 = arith.constant 0 : i32
    %dma_wait3A_689 = arith.constant 0 : i32
    %dma_wait3A_690 = tpu.memref_slice %arg3[%select_n3A, %dma_wait3A_688, %dma_wait3A_689] : memref<8x8192x256xf32, #tpu.memory_space<hbm>> -> memref<1x8192x256xf32, #tpu.memory_space<hbm>>
    %dma_wait3A_691 = tpu.memref_squeeze %dma_wait3A_690 : memref<1x8192x256xf32, #tpu.memory_space<hbm>> -> memref<8192x256xf32, #tpu.memory_space<hbm>>
    %dma_wait3A_692 = arith.constant 0 : i32
    %dma_wait3A_693 = arith.constant 0 : i32
    %dma_wait3A_694 = tpu.memref_slice %dma_wait3A_691[%dma_wait3A_692, %dma_wait3A_693] : memref<8192x256xf32, #tpu.memory_space<hbm>> -> memref<8192x256xf32, #tpu.memory_space<hbm>>
    tpu.wait_indirect_dma semaphore(%arg14 : memref<!tpu.dma_semaphore, #tpu.memory_space<semaphore_mem>>) src(%dma_wait3A_694 : memref<8192x256xf32, #tpu.memory_space<hbm>>) dst(%dma_wait3A_684 : memref<128x256xf32, #tpu.memory_space<vmem>>)
    %add3A_695 = arith.constant 256 : i32
    %add3A_696 = arith.addi %mul3A_32, %add3A_695 : i32
    %dma_start3A_697 = arith.constant 2 : i32
    %dma_start3A_698 = arith.constant 0 : i32
    %dma_start3A_699 = arith.constant 0 : i32
    %dma_start3A_700 = tpu.memref_slice %arg9[%dma_start3A_697, %dma_start3A_698, %dma_start3A_699] : memref<3x128x256xf32, #tpu.memory_space<vmem>> -> memref<1x128x256xf32, #tpu.memory_space<vmem>>
    %dma_start3A_701 = tpu.memref_squeeze %dma_start3A_700 : memref<1x128x256xf32, #tpu.memory_space<vmem>> -> memref<128x256xf32, #tpu.memory_space<vmem>>
    %dma_start3A_702 = arith.constant 0 : i32
    %dma_start3A_703 = arith.constant 0 : i32
    %dma_start3A_704 = tpu.memref_slice %arg5[%select_n3A, %dma_start3A_702, %dma_start3A_703] : memref<8x2048x256xf32, #tpu.memory_space<hbm>> -> memref<1x2048x256xf32, #tpu.memory_space<hbm>>
    %dma_start3A_705 = tpu.memref_squeeze %dma_start3A_704 : memref<1x2048x256xf32, #tpu.memory_space<hbm>> -> memref<2048x256xf32, #tpu.memory_space<hbm>>
    %dma_start3A_706 = arith.constant 0 : i32
    %dma_start3A_707 = tpu.memref_slice %dma_start3A_705[%add3A_696, %dma_start3A_706] : memref<2048x256xf32, #tpu.memory_space<hbm>> -> memref<128x256xf32, #tpu.memory_space<hbm>>
    %dma_start3A_708 = arith.constant 0 : i32
    %dma_start3A_709 = arith.constant 0 : i32
    %dma_start3A_710 = tpu.memref_slice %arg5[%select_n3A, %dma_start3A_708, %dma_start3A_709] : memref<8x2048x256xf32, #tpu.memory_space<hbm>> -> memref<1x2048x256xf32, #tpu.memory_space<hbm>>
    %dma_start3A_711 = tpu.memref_squeeze %dma_start3A_710 : memref<1x2048x256xf32, #tpu.memory_space<hbm>> -> memref<2048x256xf32, #tpu.memory_space<hbm>>
    %dma_start3A_712 = arith.constant 0 : i32
    %dma_start3A_713 = tpu.memref_slice %dma_start3A_711[%add3A_696, %dma_start3A_712] : memref<2048x256xf32, #tpu.memory_space<hbm>> -> memref<128x256xf32, #tpu.memory_space<hbm>>
    %dma_start3A_714 = arith.constant 0 : i32
    %dma_start3A_715 = arith.constant 0 : i32
    %dma_start3A_716 = tpu.memref_slice %arg9[%dma_start3A_697, %dma_start3A_714, %dma_start3A_715] : memref<3x128x256xf32, #tpu.memory_space<vmem>> -> memref<1x128x256xf32, #tpu.memory_space<vmem>>
    %dma_start3A_717 = tpu.memref_squeeze %dma_start3A_716 : memref<1x128x256xf32, #tpu.memory_space<vmem>> -> memref<128x256xf32, #tpu.memory_space<vmem>>
    tpu.enqueue_dma source(%dma_start3A_717 : memref<128x256xf32, #tpu.memory_space<vmem>>) target(%dma_start3A_713 : memref<128x256xf32, #tpu.memory_space<hbm>>) target_semaphore(%arg15 : memref<!tpu.dma_semaphore, #tpu.memory_space<semaphore_mem>>)
    %get3A_718 = arith.constant 2 : i32
    %get3A_719 = arith.index_cast %get3A_718 : i32 to index
    %get3A_720 = arith.constant 0 : index
    %get3A_721 = tpu.vector_load %arg8[%get3A_719, %get3A_720] {strides = array<i32>} : memref<4x128xi32, #tpu.memory_space<vmem>>, vector<16xi32>,
    %add3A_722 = arith.constant 0 : i32
    %add3A_723 = vector.broadcast %add3A_722 : i32 to vector<16xi32>
    %add3A_724 = arith.addi %get3A_721, %add3A_723 : vector<16xi32>
    %gather3A_725 = tpu.vector_load_idx %arg10[%add3A_724] : memref<24576xf32, #tpu.memory_space<vmem>>[vector<16xi32>], vector<16xf32>,
    %swap3A_726 = arith.constant 256 : index
    %swap3A_727 = tpu.vector_load %arg11[%swap3A_726] {strides = array<i32>} : memref<1536xf32, #tpu.memory_space<vmem>>, vector<16xf32>,
    tpu.vector_store %arg11[%swap3A_726], %gather3A_725 {strides = array<i32>} : memref<1536xf32, #tpu.memory_space<vmem>>, vector<16xf32>,
    %add3A_728 = arith.constant 8192 : i32
    %add3A_729 = vector.broadcast %add3A_728 : i32 to vector<16xi32>
    %add3A_730 = arith.addi %get3A_721, %add3A_729 : vector<16xi32>
    %gather3A_731 = tpu.vector_load_idx %arg10[%add3A_730] : memref<24576xf32, #tpu.memory_space<vmem>>[vector<16xi32>], vector<16xf32>,
    %swap3A_732 = arith.constant 768 : index
    %swap3A_733 = tpu.vector_load %arg11[%swap3A_732] {strides = array<i32>} : memref<1536xf32, #tpu.memory_space<vmem>>, vector<16xf32>,
    tpu.vector_store %arg11[%swap3A_732], %gather3A_731 {strides = array<i32>} : memref<1536xf32, #tpu.memory_space<vmem>>, vector<16xf32>,
    %add3A_734 = arith.constant 16384 : i32
    %add3A_735 = vector.broadcast %add3A_734 : i32 to vector<16xi32>
    %add3A_736 = arith.addi %get3A_721, %add3A_735 : vector<16xi32>
    %gather3A_737 = tpu.vector_load_idx %arg10[%add3A_736] : memref<24576xf32, #tpu.memory_space<vmem>>[vector<16xi32>], vector<16xf32>,
    %swap3A_738 = arith.constant 1280 : index
    %swap3A_739 = tpu.vector_load %arg11[%swap3A_738] {strides = array<i32>} : memref<1536xf32, #tpu.memory_space<vmem>>, vector<16xf32>,
    tpu.vector_store %arg11[%swap3A_738], %gather3A_737 {strides = array<i32>} : memref<1536xf32, #tpu.memory_space<vmem>>, vector<16xf32>,
    %get3A_740 = arith.constant 2 : i32
    %get3A_741 = arith.index_cast %get3A_740 : i32 to index
    %get3A_742 = arith.constant 16 : index
    %get3A_743 = tpu.vector_load %arg8[%get3A_741, %get3A_742] {strides = array<i32>} : memref<4x128xi32, #tpu.memory_space<vmem>>, vector<16xi32>,
    %add3A_744 = arith.constant 0 : i32
    %add3A_745 = vector.broadcast %add3A_744 : i32 to vector<16xi32>
    %add3A_746 = arith.addi %get3A_743, %add3A_745 : vector<16xi32>
    %gather3A_747 = tpu.vector_load_idx %arg10[%add3A_746] : memref<24576xf32, #tpu.memory_space<vmem>>[vector<16xi32>], vector<16xf32>,
    %swap3A_748 = arith.constant 272 : index
    %swap3A_749 = tpu.vector_load %arg11[%swap3A_748] {strides = array<i32>} : memref<1536xf32, #tpu.memory_space<vmem>>, vector<16xf32>,
    tpu.vector_store %arg11[%swap3A_748], %gather3A_747 {strides = array<i32>} : memref<1536xf32, #tpu.memory_space<vmem>>, vector<16xf32>,
    %add3A_750 = arith.constant 8192 : i32
    %add3A_751 = vector.broadcast %add3A_750 : i32 to vector<16xi32>
    %add3A_752 = arith.addi %get3A_743, %add3A_751 : vector<16xi32>
    %gather3A_753 = tpu.vector_load_idx %arg10[%add3A_752] : memref<24576xf32, #tpu.memory_space<vmem>>[vector<16xi32>], vector<16xf32>,
    %swap3A_754 = arith.constant 784 : index
    %swap3A_755 = tpu.vector_load %arg11[%swap3A_754] {strides = array<i32>} : memref<1536xf32, #tpu.memory_space<vmem>>, vector<16xf32>,
    tpu.vector_store %arg11[%swap3A_754], %gather3A_753 {strides = array<i32>} : memref<1536xf32, #tpu.memory_space<vmem>>, vector<16xf32>,
    %add3A_756 = arith.constant 16384 : i32
    %add3A_757 = vector.broadcast %add3A_756 : i32 to vector<16xi32>
    %add3A_758 = arith.addi %get3A_743, %add3A_757 : vector<16xi32>
    %gather3A_759 = tpu.vector_load_idx %arg10[%add3A_758] : memref<24576xf32, #tpu.memory_space<vmem>>[vector<16xi32>], vector<16xf32>,
    %swap3A_760 = arith.constant 1296 : index
    %swap3A_761 = tpu.vector_load %arg11[%swap3A_760] {strides = array<i32>} : memref<1536xf32, #tpu.memory_space<vmem>>, vector<16xf32>,
    tpu.vector_store %arg11[%swap3A_760], %gather3A_759 {strides = array<i32>} : memref<1536xf32, #tpu.memory_space<vmem>>, vector<16xf32>,
    %get3A_762 = arith.constant 2 : i32
    %get3A_763 = arith.index_cast %get3A_762 : i32 to index
    %get3A_764 = arith.constant 32 : index
    %get3A_765 = tpu.vector_load %arg8[%get3A_763, %get3A_764] {strides = array<i32>} : memref<4x128xi32, #tpu.memory_space<vmem>>, vector<16xi32>,
    %add3A_766 = arith.constant 0 : i32
    %add3A_767 = vector.broadcast %add3A_766 : i32 to vector<16xi32>
    %add3A_768 = arith.addi %get3A_765, %add3A_767 : vector<16xi32>
    %gather3A_769 = tpu.vector_load_idx %arg10[%add3A_768] : memref<24576xf32, #tpu.memory_space<vmem>>[vector<16xi32>], vector<16xf32>,
    %swap3A_770 = arith.constant 288 : index
    %swap3A_771 = tpu.vector_load %arg11[%swap3A_770] {strides = array<i32>} : memref<1536xf32, #tpu.memory_space<vmem>>, vector<16xf32>,
    tpu.vector_store %arg11[%swap3A_770], %gather3A_769 {strides = array<i32>} : memref<1536xf32, #tpu.memory_space<vmem>>, vector<16xf32>,
    %add3A_772 = arith.constant 8192 : i32
    %add3A_773 = vector.broadcast %add3A_772 : i32 to vector<16xi32>
    %add3A_774 = arith.addi %get3A_765, %add3A_773 : vector<16xi32>
    %gather3A_775 = tpu.vector_load_idx %arg10[%add3A_774] : memref<24576xf32, #tpu.memory_space<vmem>>[vector<16xi32>], vector<16xf32>,
    %swap3A_776 = arith.constant 800 : index
    %swap3A_777 = tpu.vector_load %arg11[%swap3A_776] {strides = array<i32>} : memref<1536xf32, #tpu.memory_space<vmem>>, vector<16xf32>,
    tpu.vector_store %arg11[%swap3A_776], %gather3A_775 {strides = array<i32>} : memref<1536xf32, #tpu.memory_space<vmem>>, vector<16xf32>,
    %add3A_778 = arith.constant 16384 : i32
    %add3A_779 = vector.broadcast %add3A_778 : i32 to vector<16xi32>
    %add3A_780 = arith.addi %get3A_765, %add3A_779 : vector<16xi32>
    %gather3A_781 = tpu.vector_load_idx %arg10[%add3A_780] : memref<24576xf32, #tpu.memory_space<vmem>>[vector<16xi32>], vector<16xf32>,
    %swap3A_782 = arith.constant 1312 : index
    %swap3A_783 = tpu.vector_load %arg11[%swap3A_782] {strides = array<i32>} : memref<1536xf32, #tpu.memory_space<vmem>>, vector<16xf32>,
    tpu.vector_store %arg11[%swap3A_782], %gather3A_781 {strides = array<i32>} : memref<1536xf32, #tpu.memory_space<vmem>>, vector<16xf32>,
    %get3A_784 = arith.constant 2 : i32
    %get3A_785 = arith.index_cast %get3A_784 : i32 to index
    %get3A_786 = arith.constant 48 : index
    %get3A_787 = tpu.vector_load %arg8[%get3A_785, %get3A_786] {strides = array<i32>} : memref<4x128xi32, #tpu.memory_space<vmem>>, vector<16xi32>,
    %add3A_788 = arith.constant 0 : i32
    %add3A_789 = vector.broadcast %add3A_788 : i32 to vector<16xi32>
    %add3A_790 = arith.addi %get3A_787, %add3A_789 : vector<16xi32>
    %gather3A_791 = tpu.vector_load_idx %arg10[%add3A_790] : memref<24576xf32, #tpu.memory_space<vmem>>[vector<16xi32>], vector<16xf32>,
    %swap3A_792 = arith.constant 304 : index
    %swap3A_793 = tpu.vector_load %arg11[%swap3A_792] {strides = array<i32>} : memref<1536xf32, #tpu.memory_space<vmem>>, vector<16xf32>,
    tpu.vector_store %arg11[%swap3A_792], %gather3A_791 {strides = array<i32>} : memref<1536xf32, #tpu.memory_space<vmem>>, vector<16xf32>,
    %add3A_794 = arith.constant 8192 : i32
    %add3A_795 = vector.broadcast %add3A_794 : i32 to vector<16xi32>
    %add3A_796 = arith.addi %get3A_787, %add3A_795 : vector<16xi32>
    %gather3A_797 = tpu.vector_load_idx %arg10[%add3A_796] : memref<24576xf32, #tpu.memory_space<vmem>>[vector<16xi32>], vector<16xf32>,
    %swap3A_798 = arith.constant 816 : index
    %swap3A_799 = tpu.vector_load %arg11[%swap3A_798] {strides = array<i32>} : memref<1536xf32, #tpu.memory_space<vmem>>, vector<16xf32>,
    tpu.vector_store %arg11[%swap3A_798], %gather3A_797 {strides = array<i32>} : memref<1536xf32, #tpu.memory_space<vmem>>, vector<16xf32>,
    %add3A_800 = arith.constant 16384 : i32
    %add3A_801 = vector.broadcast %add3A_800 : i32 to vector<16xi32>
    %add3A_802 = arith.addi %get3A_787, %add3A_801 : vector<16xi32>
    %gather3A_803 = tpu.vector_load_idx %arg10[%add3A_802] : memref<24576xf32, #tpu.memory_space<vmem>>[vector<16xi32>], vector<16xf32>,
    %swap3A_804 = arith.constant 1328 : index
    %swap3A_805 = tpu.vector_load %arg11[%swap3A_804] {strides = array<i32>} : memref<1536xf32, #tpu.memory_space<vmem>>, vector<16xf32>,
    tpu.vector_store %arg11[%swap3A_804], %gather3A_803 {strides = array<i32>} : memref<1536xf32, #tpu.memory_space<vmem>>, vector<16xf32>,
    %get3A_806 = arith.constant 2 : i32
    %get3A_807 = arith.index_cast %get3A_806 : i32 to index
    %get3A_808 = arith.constant 64 : index
    %get3A_809 = tpu.vector_load %arg8[%get3A_807, %get3A_808] {strides = array<i32>} : memref<4x128xi32, #tpu.memory_space<vmem>>, vector<16xi32>,
    %add3A_810 = arith.constant 0 : i32
    %add3A_811 = vector.broadcast %add3A_810 : i32 to vector<16xi32>
    %add3A_812 = arith.addi %get3A_809, %add3A_811 : vector<16xi32>
    %gather3A_813 = tpu.vector_load_idx %arg10[%add3A_812] : memref<24576xf32, #tpu.memory_space<vmem>>[vector<16xi32>], vector<16xf32>,
    %swap3A_814 = arith.constant 320 : index
    %swap3A_815 = tpu.vector_load %arg11[%swap3A_814] {strides = array<i32>} : memref<1536xf32, #tpu.memory_space<vmem>>, vector<16xf32>,
    tpu.vector_store %arg11[%swap3A_814], %gather3A_813 {strides = array<i32>} : memref<1536xf32, #tpu.memory_space<vmem>>, vector<16xf32>,
    %add3A_816 = arith.constant 8192 : i32
    %add3A_817 = vector.broadcast %add3A_816 : i32 to vector<16xi32>
    %add3A_818 = arith.addi %get3A_809, %add3A_817 : vector<16xi32>
    %gather3A_819 = tpu.vector_load_idx %arg10[%add3A_818] : memref<24576xf32, #tpu.memory_space<vmem>>[vector<16xi32>], vector<16xf32>,
    %swap3A_820 = arith.constant 832 : index
    %swap3A_821 = tpu.vector_load %arg11[%swap3A_820] {strides = array<i32>} : memref<1536xf32, #tpu.memory_space<vmem>>, vector<16xf32>,
    tpu.vector_store %arg11[%swap3A_820], %gather3A_819 {strides = array<i32>} : memref<1536xf32, #tpu.memory_space<vmem>>, vector<16xf32>,
    %add3A_822 = arith.constant 16384 : i32
    %add3A_823 = vector.broadcast %add3A_822 : i32 to vector<16xi32>
    %add3A_824 = arith.addi %get3A_809, %add3A_823 : vector<16xi32>
    %gather3A_825 = tpu.vector_load_idx %arg10[%add3A_824] : memref<24576xf32, #tpu.memory_space<vmem>>[vector<16xi32>], vector<16xf32>,
    %swap3A_826 = arith.constant 1344 : index
    %swap3A_827 = tpu.vector_load %arg11[%swap3A_826] {strides = array<i32>} : memref<1536xf32, #tpu.memory_space<vmem>>, vector<16xf32>,
    tpu.vector_store %arg11[%swap3A_826], %gather3A_825 {strides = array<i32>} : memref<1536xf32, #tpu.memory_space<vmem>>, vector<16xf32>,
    %get3A_828 = arith.constant 2 : i32
    %get3A_829 = arith.index_cast %get3A_828 : i32 to index
    %get3A_830 = arith.constant 80 : index
    %get3A_831 = tpu.vector_load %arg8[%get3A_829, %get3A_830] {strides = array<i32>} : memref<4x128xi32, #tpu.memory_space<vmem>>, vector<16xi32>,
    %add3A_832 = arith.constant 0 : i32
    %add3A_833 = vector.broadcast %add3A_832 : i32 to vector<16xi32>
    %add3A_834 = arith.addi %get3A_831, %add3A_833 : vector<16xi32>
    %gather3A_835 = tpu.vector_load_idx %arg10[%add3A_834] : memref<24576xf32, #tpu.memory_space<vmem>>[vector<16xi32>], vector<16xf32>,
    %swap3A_836 = arith.constant 336 : index
    %swap3A_837 = tpu.vector_load %arg11[%swap3A_836] {strides = array<i32>} : memref<1536xf32, #tpu.memory_space<vmem>>, vector<16xf32>,
    tpu.vector_store %arg11[%swap3A_836], %gather3A_835 {strides = array<i32>} : memref<1536xf32, #tpu.memory_space<vmem>>, vector<16xf32>,
    %add3A_838 = arith.constant 8192 : i32
    %add3A_839 = vector.broadcast %add3A_838 : i32 to vector<16xi32>
    %add3A_840 = arith.addi %get3A_831, %add3A_839 : vector<16xi32>
    %gather3A_841 = tpu.vector_load_idx %arg10[%add3A_840] : memref<24576xf32, #tpu.memory_space<vmem>>[vector<16xi32>], vector<16xf32>,
    %swap3A_842 = arith.constant 848 : index
    %swap3A_843 = tpu.vector_load %arg11[%swap3A_842] {strides = array<i32>} : memref<1536xf32, #tpu.memory_space<vmem>>, vector<16xf32>,
    tpu.vector_store %arg11[%swap3A_842], %gather3A_841 {strides = array<i32>} : memref<1536xf32, #tpu.memory_space<vmem>>, vector<16xf32>,
    %add3A_844 = arith.constant 16384 : i32
    %add3A_845 = vector.broadcast %add3A_844 : i32 to vector<16xi32>
    %add3A_846 = arith.addi %get3A_831, %add3A_845 : vector<16xi32>
    %gather3A_847 = tpu.vector_load_idx %arg10[%add3A_846] : memref<24576xf32, #tpu.memory_space<vmem>>[vector<16xi32>], vector<16xf32>,
    %swap3A_848 = arith.constant 1360 : index
    %swap3A_849 = tpu.vector_load %arg11[%swap3A_848] {strides = array<i32>} : memref<1536xf32, #tpu.memory_space<vmem>>, vector<16xf32>,
    tpu.vector_store %arg11[%swap3A_848], %gather3A_847 {strides = array<i32>} : memref<1536xf32, #tpu.memory_space<vmem>>, vector<16xf32>,
    %get3A_850 = arith.constant 2 : i32
    %get3A_851 = arith.index_cast %get3A_850 : i32 to index
    %get3A_852 = arith.constant 96 : index
    %get3A_853 = tpu.vector_load %arg8[%get3A_851, %get3A_852] {strides = array<i32>} : memref<4x128xi32, #tpu.memory_space<vmem>>, vector<16xi32>,
    %add3A_854 = arith.constant 0 : i32
    %add3A_855 = vector.broadcast %add3A_854 : i32 to vector<16xi32>
    %add3A_856 = arith.addi %get3A_853, %add3A_855 : vector<16xi32>
    %gather3A_857 = tpu.vector_load_idx %arg10[%add3A_856] : memref<24576xf32, #tpu.memory_space<vmem>>[vector<16xi32>], vector<16xf32>,
    %swap3A_858 = arith.constant 352 : index
    %swap3A_859 = tpu.vector_load %arg11[%swap3A_858] {strides = array<i32>} : memref<1536xf32, #tpu.memory_space<vmem>>, vector<16xf32>,
    tpu.vector_store %arg11[%swap3A_858], %gather3A_857 {strides = array<i32>} : memref<1536xf32, #tpu.memory_space<vmem>>, vector<16xf32>,
    %add3A_860 = arith.constant 8192 : i32
    %add3A_861 = vector.broadcast %add3A_860 : i32 to vector<16xi32>
    %add3A_862 = arith.addi %get3A_853, %add3A_861 : vector<16xi32>
    %gather3A_863 = tpu.vector_load_idx %arg10[%add3A_862] : memref<24576xf32, #tpu.memory_space<vmem>>[vector<16xi32>], vector<16xf32>,
    %swap3A_864 = arith.constant 864 : index
    %swap3A_865 = tpu.vector_load %arg11[%swap3A_864] {strides = array<i32>} : memref<1536xf32, #tpu.memory_space<vmem>>, vector<16xf32>,
    tpu.vector_store %arg11[%swap3A_864], %gather3A_863 {strides = array<i32>} : memref<1536xf32, #tpu.memory_space<vmem>>, vector<16xf32>,
    %add3A_866 = arith.constant 16384 : i32
    %add3A_867 = vector.broadcast %add3A_866 : i32 to vector<16xi32>
    %add3A_868 = arith.addi %get3A_853, %add3A_867 : vector<16xi32>
    %gather3A_869 = tpu.vector_load_idx %arg10[%add3A_868] : memref<24576xf32, #tpu.memory_space<vmem>>[vector<16xi32>], vector<16xf32>,
    %swap3A_870 = arith.constant 1376 : index
    %swap3A_871 = tpu.vector_load %arg11[%swap3A_870] {strides = array<i32>} : memref<1536xf32, #tpu.memory_space<vmem>>, vector<16xf32>,
    tpu.vector_store %arg11[%swap3A_870], %gather3A_869 {strides = array<i32>} : memref<1536xf32, #tpu.memory_space<vmem>>, vector<16xf32>,
    %get3A_872 = arith.constant 2 : i32
    %get3A_873 = arith.index_cast %get3A_872 : i32 to index
    %get3A_874 = arith.constant 112 : index
    %get3A_875 = tpu.vector_load %arg8[%get3A_873, %get3A_874] {strides = array<i32>} : memref<4x128xi32, #tpu.memory_space<vmem>>, vector<16xi32>,
    %add3A_876 = arith.constant 0 : i32
    %add3A_877 = vector.broadcast %add3A_876 : i32 to vector<16xi32>
    %add3A_878 = arith.addi %get3A_875, %add3A_877 : vector<16xi32>
    %gather3A_879 = tpu.vector_load_idx %arg10[%add3A_878] : memref<24576xf32, #tpu.memory_space<vmem>>[vector<16xi32>], vector<16xf32>,
    %swap3A_880 = arith.constant 368 : index
    %swap3A_881 = tpu.vector_load %arg11[%swap3A_880] {strides = array<i32>} : memref<1536xf32, #tpu.memory_space<vmem>>, vector<16xf32>,
    tpu.vector_store %arg11[%swap3A_880], %gather3A_879 {strides = array<i32>} : memref<1536xf32, #tpu.memory_space<vmem>>, vector<16xf32>,
    %add3A_882 = arith.constant 8192 : i32
    %add3A_883 = vector.broadcast %add3A_882 : i32 to vector<16xi32>
    %add3A_884 = arith.addi %get3A_875, %add3A_883 : vector<16xi32>
    %gather3A_885 = tpu.vector_load_idx %arg10[%add3A_884] : memref<24576xf32, #tpu.memory_space<vmem>>[vector<16xi32>], vector<16xf32>,
    %swap3A_886 = arith.constant 880 : index
    %swap3A_887 = tpu.vector_load %arg11[%swap3A_886] {strides = array<i32>} : memref<1536xf32, #tpu.memory_space<vmem>>, vector<16xf32>,
    tpu.vector_store %arg11[%swap3A_886], %gather3A_885 {strides = array<i32>} : memref<1536xf32, #tpu.memory_space<vmem>>, vector<16xf32>,
    %add3A_888 = arith.constant 16384 : i32
    %add3A_889 = vector.broadcast %add3A_888 : i32 to vector<16xi32>
    %add3A_890 = arith.addi %get3A_875, %add3A_889 : vector<16xi32>
    %gather3A_891 = tpu.vector_load_idx %arg10[%add3A_890] : memref<24576xf32, #tpu.memory_space<vmem>>[vector<16xi32>], vector<16xf32>,
    %swap3A_892 = arith.constant 1392 : index
    %swap3A_893 = tpu.vector_load %arg11[%swap3A_892] {strides = array<i32>} : memref<1536xf32, #tpu.memory_space<vmem>>, vector<16xf32>,
    tpu.vector_store %arg11[%swap3A_892], %gather3A_891 {strides = array<i32>} : memref<1536xf32, #tpu.memory_space<vmem>>, vector<16xf32>,
    %dma_wait3A_894 = arith.constant 3 : i32
    %dma_wait3A_895 = arith.constant 0 : i32
    %dma_wait3A_896 = arith.constant 0 : i32
    %dma_wait3A_897 = arith.constant 0 : i32
    %dma_wait3A_898 = tpu.memref_slice %arg9[%dma_wait3A_895, %dma_wait3A_896, %dma_wait3A_897] : memref<3x128x256xf32, #tpu.memory_space<vmem>> -> memref<1x128x256xf32, #tpu.memory_space<vmem>>
    %dma_wait3A_899 = tpu.memref_squeeze %dma_wait3A_898 : memref<1x128x256xf32, #tpu.memory_space<vmem>> -> memref<128x256xf32, #tpu.memory_space<vmem>>
    %dma_wait3A_900 = arith.constant 0 : i32
    %dma_wait3A_901 = tpu.memref_slice %arg8[%dma_wait3A_894, %dma_wait3A_900] : memref<4x128xi32, #tpu.memory_space<vmem>> -> memref<1x128xi32, #tpu.memory_space<vmem>>
    %dma_wait3A_902 = tpu.memref_squeeze %dma_wait3A_901 : memref<1x128xi32, #tpu.memory_space<vmem>> -> memref<128xi32, #tpu.memory_space<vmem>>
    %dma_wait3A_903 = arith.constant 0 : i32
    %dma_wait3A_904 = arith.constant 0 : i32
    %dma_wait3A_905 = tpu.memref_slice %arg3[%select_n3A, %dma_wait3A_903, %dma_wait3A_904] : memref<8x8192x256xf32, #tpu.memory_space<hbm>> -> memref<1x8192x256xf32, #tpu.memory_space<hbm>>
    %dma_wait3A_906 = tpu.memref_squeeze %dma_wait3A_905 : memref<1x8192x256xf32, #tpu.memory_space<hbm>> -> memref<8192x256xf32, #tpu.memory_space<hbm>>
    %dma_wait3A_907 = arith.constant 0 : i32
    %dma_wait3A_908 = arith.constant 0 : i32
    %dma_wait3A_909 = tpu.memref_slice %dma_wait3A_906[%dma_wait3A_907, %dma_wait3A_908] : memref<8192x256xf32, #tpu.memory_space<hbm>> -> memref<8192x256xf32, #tpu.memory_space<hbm>>
    tpu.wait_indirect_dma semaphore(%arg12 : memref<!tpu.dma_semaphore, #tpu.memory_space<semaphore_mem>>) src(%dma_wait3A_909 : memref<8192x256xf32, #tpu.memory_space<hbm>>) dst(%dma_wait3A_899 : memref<128x256xf32, #tpu.memory_space<vmem>>)
    %add3A_910 = arith.constant 384 : i32
    %add3A_911 = arith.addi %mul3A_32, %add3A_910 : i32
    %dma_start3A_912 = arith.constant 0 : i32
    %dma_start3A_913 = arith.constant 0 : i32
    %dma_start3A_914 = arith.constant 0 : i32
    %dma_start3A_915 = tpu.memref_slice %arg9[%dma_start3A_912, %dma_start3A_913, %dma_start3A_914] : memref<3x128x256xf32, #tpu.memory_space<vmem>> -> memref<1x128x256xf32, #tpu.memory_space<vmem>>
    %dma_start3A_916 = tpu.memref_squeeze %dma_start3A_915 : memref<1x128x256xf32, #tpu.memory_space<vmem>> -> memref<128x256xf32, #tpu.memory_space<vmem>>
    %dma_start3A_917 = arith.constant 0 : i32
    %dma_start3A_918 = arith.constant 0 : i32
    %dma_start3A_919 = tpu.memref_slice %arg5[%select_n3A, %dma_start3A_917, %dma_start3A_918] : memref<8x2048x256xf32, #tpu.memory_space<hbm>> -> memref<1x2048x256xf32, #tpu.memory_space<hbm>>
    %dma_start3A_920 = tpu.memref_squeeze %dma_start3A_919 : memref<1x2048x256xf32, #tpu.memory_space<hbm>> -> memref<2048x256xf32, #tpu.memory_space<hbm>>
    %dma_start3A_921 = arith.constant 0 : i32
    %dma_start3A_922 = tpu.memref_slice %dma_start3A_920[%add3A_911, %dma_start3A_921] : memref<2048x256xf32, #tpu.memory_space<hbm>> -> memref<128x256xf32, #tpu.memory_space<hbm>>
    %dma_start3A_923 = arith.constant 0 : i32
    %dma_start3A_924 = arith.constant 0 : i32
    %dma_start3A_925 = tpu.memref_slice %arg5[%select_n3A, %dma_start3A_923, %dma_start3A_924] : memref<8x2048x256xf32, #tpu.memory_space<hbm>> -> memref<1x2048x256xf32, #tpu.memory_space<hbm>>
    %dma_start3A_926 = tpu.memref_squeeze %dma_start3A_925 : memref<1x2048x256xf32, #tpu.memory_space<hbm>> -> memref<2048x256xf32, #tpu.memory_space<hbm>>
    %dma_start3A_927 = arith.constant 0 : i32
    %dma_start3A_928 = tpu.memref_slice %dma_start3A_926[%add3A_911, %dma_start3A_927] : memref<2048x256xf32, #tpu.memory_space<hbm>> -> memref<128x256xf32, #tpu.memory_space<hbm>>
    %dma_start3A_929 = arith.constant 0 : i32
    %dma_start3A_930 = arith.constant 0 : i32
    %dma_start3A_931 = tpu.memref_slice %arg9[%dma_start3A_912, %dma_start3A_929, %dma_start3A_930] : memref<3x128x256xf32, #tpu.memory_space<vmem>> -> memref<1x128x256xf32, #tpu.memory_space<vmem>>
    %dma_start3A_932 = tpu.memref_squeeze %dma_start3A_931 : memref<1x128x256xf32, #tpu.memory_space<vmem>> -> memref<128x256xf32, #tpu.memory_space<vmem>>
    tpu.enqueue_dma source(%dma_start3A_932 : memref<128x256xf32, #tpu.memory_space<vmem>>) target(%dma_start3A_928 : memref<128x256xf32, #tpu.memory_space<hbm>>) target_semaphore(%arg15 : memref<!tpu.dma_semaphore, #tpu.memory_space<semaphore_mem>>)
    %get3A_933 = arith.constant 3 : i32
    %get3A_934 = arith.index_cast %get3A_933 : i32 to index
    %get3A_935 = arith.constant 0 : index
    %get3A_936 = tpu.vector_load %arg8[%get3A_934, %get3A_935] {strides = array<i32>} : memref<4x128xi32, #tpu.memory_space<vmem>>, vector<16xi32>,
    %add3A_937 = arith.constant 0 : i32
    %add3A_938 = vector.broadcast %add3A_937 : i32 to vector<16xi32>
    %add3A_939 = arith.addi %get3A_936, %add3A_938 : vector<16xi32>
    %gather3A_940 = tpu.vector_load_idx %arg10[%add3A_939] : memref<24576xf32, #tpu.memory_space<vmem>>[vector<16xi32>], vector<16xf32>,
    %swap3A_941 = arith.constant 384 : index
    %swap3A_942 = tpu.vector_load %arg11[%swap3A_941] {strides = array<i32>} : memref<1536xf32, #tpu.memory_space<vmem>>, vector<16xf32>,
    tpu.vector_store %arg11[%swap3A_941], %gather3A_940 {strides = array<i32>} : memref<1536xf32, #tpu.memory_space<vmem>>, vector<16xf32>,
    %add3A_943 = arith.constant 8192 : i32
    %add3A_944 = vector.broadcast %add3A_943 : i32 to vector<16xi32>
    %add3A_945 = arith.addi %get3A_936, %add3A_944 : vector<16xi32>
    %gather3A_946 = tpu.vector_load_idx %arg10[%add3A_945] : memref<24576xf32, #tpu.memory_space<vmem>>[vector<16xi32>], vector<16xf32>,
    %swap3A_947 = arith.constant 896 : index
    %swap3A_948 = tpu.vector_load %arg11[%swap3A_947] {strides = array<i32>} : memref<1536xf32, #tpu.memory_space<vmem>>, vector<16xf32>,
    tpu.vector_store %arg11[%swap3A_947], %gather3A_946 {strides = array<i32>} : memref<1536xf32, #tpu.memory_space<vmem>>, vector<16xf32>,
    %add3A_949 = arith.constant 16384 : i32
    %add3A_950 = vector.broadcast %add3A_949 : i32 to vector<16xi32>
    %add3A_951 = arith.addi %get3A_936, %add3A_950 : vector<16xi32>
    %gather3A_952 = tpu.vector_load_idx %arg10[%add3A_951] : memref<24576xf32, #tpu.memory_space<vmem>>[vector<16xi32>], vector<16xf32>,
    %swap3A_953 = arith.constant 1408 : index
    %swap3A_954 = tpu.vector_load %arg11[%swap3A_953] {strides = array<i32>} : memref<1536xf32, #tpu.memory_space<vmem>>, vector<16xf32>,
    tpu.vector_store %arg11[%swap3A_953], %gather3A_952 {strides = array<i32>} : memref<1536xf32, #tpu.memory_space<vmem>>, vector<16xf32>,
    %get3A_955 = arith.constant 3 : i32
    %get3A_956 = arith.index_cast %get3A_955 : i32 to index
    %get3A_957 = arith.constant 16 : index
    %get3A_958 = tpu.vector_load %arg8[%get3A_956, %get3A_957] {strides = array<i32>} : memref<4x128xi32, #tpu.memory_space<vmem>>, vector<16xi32>,
    %add3A_959 = arith.constant 0 : i32
    %add3A_960 = vector.broadcast %add3A_959 : i32 to vector<16xi32>
    %add3A_961 = arith.addi %get3A_958, %add3A_960 : vector<16xi32>
    %gather3A_962 = tpu.vector_load_idx %arg10[%add3A_961] : memref<24576xf32, #tpu.memory_space<vmem>>[vector<16xi32>], vector<16xf32>,
    %swap3A_963 = arith.constant 400 : index
    %swap3A_964 = tpu.vector_load %arg11[%swap3A_963] {strides = array<i32>} : memref<1536xf32, #tpu.memory_space<vmem>>, vector<16xf32>,
    tpu.vector_store %arg11[%swap3A_963], %gather3A_962 {strides = array<i32>} : memref<1536xf32, #tpu.memory_space<vmem>>, vector<16xf32>,
    %add3A_965 = arith.constant 8192 : i32
    %add3A_966 = vector.broadcast %add3A_965 : i32 to vector<16xi32>
    %add3A_967 = arith.addi %get3A_958, %add3A_966 : vector<16xi32>
    %gather3A_968 = tpu.vector_load_idx %arg10[%add3A_967] : memref<24576xf32, #tpu.memory_space<vmem>>[vector<16xi32>], vector<16xf32>,
    %swap3A_969 = arith.constant 912 : index
    %swap3A_970 = tpu.vector_load %arg11[%swap3A_969] {strides = array<i32>} : memref<1536xf32, #tpu.memory_space<vmem>>, vector<16xf32>,
    tpu.vector_store %arg11[%swap3A_969], %gather3A_968 {strides = array<i32>} : memref<1536xf32, #tpu.memory_space<vmem>>, vector<16xf32>,
    %add3A_971 = arith.constant 16384 : i32
    %add3A_972 = vector.broadcast %add3A_971 : i32 to vector<16xi32>
    %add3A_973 = arith.addi %get3A_958, %add3A_972 : vector<16xi32>
    %gather3A_974 = tpu.vector_load_idx %arg10[%add3A_973] : memref<24576xf32, #tpu.memory_space<vmem>>[vector<16xi32>], vector<16xf32>,
    %swap3A_975 = arith.constant 1424 : index
    %swap3A_976 = tpu.vector_load %arg11[%swap3A_975] {strides = array<i32>} : memref<1536xf32, #tpu.memory_space<vmem>>, vector<16xf32>,
    tpu.vector_store %arg11[%swap3A_975], %gather3A_974 {strides = array<i32>} : memref<1536xf32, #tpu.memory_space<vmem>>, vector<16xf32>,
    %get3A_977 = arith.constant 3 : i32
    %get3A_978 = arith.index_cast %get3A_977 : i32 to index
    %get3A_979 = arith.constant 32 : index
    %get3A_980 = tpu.vector_load %arg8[%get3A_978, %get3A_979] {strides = array<i32>} : memref<4x128xi32, #tpu.memory_space<vmem>>, vector<16xi32>,
    %add3A_981 = arith.constant 0 : i32
    %add3A_982 = vector.broadcast %add3A_981 : i32 to vector<16xi32>
    %add3A_983 = arith.addi %get3A_980, %add3A_982 : vector<16xi32>
    %gather3A_984 = tpu.vector_load_idx %arg10[%add3A_983] : memref<24576xf32, #tpu.memory_space<vmem>>[vector<16xi32>], vector<16xf32>,
    %swap3A_985 = arith.constant 416 : index
    %swap3A_986 = tpu.vector_load %arg11[%swap3A_985] {strides = array<i32>} : memref<1536xf32, #tpu.memory_space<vmem>>, vector<16xf32>,
    tpu.vector_store %arg11[%swap3A_985], %gather3A_984 {strides = array<i32>} : memref<1536xf32, #tpu.memory_space<vmem>>, vector<16xf32>,
    %add3A_987 = arith.constant 8192 : i32
    %add3A_988 = vector.broadcast %add3A_987 : i32 to vector<16xi32>
    %add3A_989 = arith.addi %get3A_980, %add3A_988 : vector<16xi32>
    %gather3A_990 = tpu.vector_load_idx %arg10[%add3A_989] : memref<24576xf32, #tpu.memory_space<vmem>>[vector<16xi32>], vector<16xf32>,
    %swap3A_991 = arith.constant 928 : index
    %swap3A_992 = tpu.vector_load %arg11[%swap3A_991] {strides = array<i32>} : memref<1536xf32, #tpu.memory_space<vmem>>, vector<16xf32>,
    tpu.vector_store %arg11[%swap3A_991], %gather3A_990 {strides = array<i32>} : memref<1536xf32, #tpu.memory_space<vmem>>, vector<16xf32>,
    %add3A_993 = arith.constant 16384 : i32
    %add3A_994 = vector.broadcast %add3A_993 : i32 to vector<16xi32>
    %add3A_995 = arith.addi %get3A_980, %add3A_994 : vector<16xi32>
    %gather3A_996 = tpu.vector_load_idx %arg10[%add3A_995] : memref<24576xf32, #tpu.memory_space<vmem>>[vector<16xi32>], vector<16xf32>,
    %swap3A_997 = arith.constant 1440 : index
    %swap3A_998 = tpu.vector_load %arg11[%swap3A_997] {strides = array<i32>} : memref<1536xf32, #tpu.memory_space<vmem>>, vector<16xf32>,
    tpu.vector_store %arg11[%swap3A_997], %gather3A_996 {strides = array<i32>} : memref<1536xf32, #tpu.memory_space<vmem>>, vector<16xf32>,
    %get3A_999 = arith.constant 3 : i32
    %get3A_1000 = arith.index_cast %get3A_999 : i32 to index
    %get3A_1001 = arith.constant 48 : index
    %get3A_1002 = tpu.vector_load %arg8[%get3A_1000, %get3A_1001] {strides = array<i32>} : memref<4x128xi32, #tpu.memory_space<vmem>>, vector<16xi32>,
    %add3A_1003 = arith.constant 0 : i32
    %add3A_1004 = vector.broadcast %add3A_1003 : i32 to vector<16xi32>
    %add3A_1005 = arith.addi %get3A_1002, %add3A_1004 : vector<16xi32>
    %gather3A_1006 = tpu.vector_load_idx %arg10[%add3A_1005] : memref<24576xf32, #tpu.memory_space<vmem>>[vector<16xi32>], vector<16xf32>,
    %swap3A_1007 = arith.constant 432 : index
    %swap3A_1008 = tpu.vector_load %arg11[%swap3A_1007] {strides = array<i32>} : memref<1536xf32, #tpu.memory_space<vmem>>, vector<16xf32>,
    tpu.vector_store %arg11[%swap3A_1007], %gather3A_1006 {strides = array<i32>} : memref<1536xf32, #tpu.memory_space<vmem>>, vector<16xf32>,
    %add3A_1009 = arith.constant 8192 : i32
    %add3A_1010 = vector.broadcast %add3A_1009 : i32 to vector<16xi32>
    %add3A_1011 = arith.addi %get3A_1002, %add3A_1010 : vector<16xi32>
    %gather3A_1012 = tpu.vector_load_idx %arg10[%add3A_1011] : memref<24576xf32, #tpu.memory_space<vmem>>[vector<16xi32>], vector<16xf32>,
    %swap3A_1013 = arith.constant 944 : index
    %swap3A_1014 = tpu.vector_load %arg11[%swap3A_1013] {strides = array<i32>} : memref<1536xf32, #tpu.memory_space<vmem>>, vector<16xf32>,
    tpu.vector_store %arg11[%swap3A_1013], %gather3A_1012 {strides = array<i32>} : memref<1536xf32, #tpu.memory_space<vmem>>, vector<16xf32>,
    %add3A_1015 = arith.constant 16384 : i32
    %add3A_1016 = vector.broadcast %add3A_1015 : i32 to vector<16xi32>
    %add3A_1017 = arith.addi %get3A_1002, %add3A_1016 : vector<16xi32>
    %gather3A_1018 = tpu.vector_load_idx %arg10[%add3A_1017] : memref<24576xf32, #tpu.memory_space<vmem>>[vector<16xi32>], vector<16xf32>,
    %swap3A_1019 = arith.constant 1456 : index
    %swap3A_1020 = tpu.vector_load %arg11[%swap3A_1019] {strides = array<i32>} : memref<1536xf32, #tpu.memory_space<vmem>>, vector<16xf32>,
    tpu.vector_store %arg11[%swap3A_1019], %gather3A_1018 {strides = array<i32>} : memref<1536xf32, #tpu.memory_space<vmem>>, vector<16xf32>,
    %get3A_1021 = arith.constant 3 : i32
    %get3A_1022 = arith.index_cast %get3A_1021 : i32 to index
    %get3A_1023 = arith.constant 64 : index
    %get3A_1024 = tpu.vector_load %arg8[%get3A_1022, %get3A_1023] {strides = array<i32>} : memref<4x128xi32, #tpu.memory_space<vmem>>, vector<16xi32>,
    %add3A_1025 = arith.constant 0 : i32
    %add3A_1026 = vector.broadcast %add3A_1025 : i32 to vector<16xi32>
    %add3A_1027 = arith.addi %get3A_1024, %add3A_1026 : vector<16xi32>
    %gather3A_1028 = tpu.vector_load_idx %arg10[%add3A_1027] : memref<24576xf32, #tpu.memory_space<vmem>>[vector<16xi32>], vector<16xf32>,
    %swap3A_1029 = arith.constant 448 : index
    %swap3A_1030 = tpu.vector_load %arg11[%swap3A_1029] {strides = array<i32>} : memref<1536xf32, #tpu.memory_space<vmem>>, vector<16xf32>,
    tpu.vector_store %arg11[%swap3A_1029], %gather3A_1028 {strides = array<i32>} : memref<1536xf32, #tpu.memory_space<vmem>>, vector<16xf32>,
    %add3A_1031 = arith.constant 8192 : i32
    %add3A_1032 = vector.broadcast %add3A_1031 : i32 to vector<16xi32>
    %add3A_1033 = arith.addi %get3A_1024, %add3A_1032 : vector<16xi32>
    %gather3A_1034 = tpu.vector_load_idx %arg10[%add3A_1033] : memref<24576xf32, #tpu.memory_space<vmem>>[vector<16xi32>], vector<16xf32>,
    %swap3A_1035 = arith.constant 960 : index
    %swap3A_1036 = tpu.vector_load %arg11[%swap3A_1035] {strides = array<i32>} : memref<1536xf32, #tpu.memory_space<vmem>>, vector<16xf32>,
    tpu.vector_store %arg11[%swap3A_1035], %gather3A_1034 {strides = array<i32>} : memref<1536xf32, #tpu.memory_space<vmem>>, vector<16xf32>,
    %add3A_1037 = arith.constant 16384 : i32
    %add3A_1038 = vector.broadcast %add3A_1037 : i32 to vector<16xi32>
    %add3A_1039 = arith.addi %get3A_1024, %add3A_1038 : vector<16xi32>
    %gather3A_1040 = tpu.vector_load_idx %arg10[%add3A_1039] : memref<24576xf32, #tpu.memory_space<vmem>>[vector<16xi32>], vector<16xf32>,
    %swap3A_1041 = arith.constant 1472 : index
    %swap3A_1042 = tpu.vector_load %arg11[%swap3A_1041] {strides = array<i32>} : memref<1536xf32, #tpu.memory_space<vmem>>, vector<16xf32>,
    tpu.vector_store %arg11[%swap3A_1041], %gather3A_1040 {strides = array<i32>} : memref<1536xf32, #tpu.memory_space<vmem>>, vector<16xf32>,
    %get3A_1043 = arith.constant 3 : i32
    %get3A_1044 = arith.index_cast %get3A_1043 : i32 to index
    %get3A_1045 = arith.constant 80 : index
    %get3A_1046 = tpu.vector_load %arg8[%get3A_1044, %get3A_1045] {strides = array<i32>} : memref<4x128xi32, #tpu.memory_space<vmem>>, vector<16xi32>,
    %add3A_1047 = arith.constant 0 : i32
    %add3A_1048 = vector.broadcast %add3A_1047 : i32 to vector<16xi32>
    %add3A_1049 = arith.addi %get3A_1046, %add3A_1048 : vector<16xi32>
    %gather3A_1050 = tpu.vector_load_idx %arg10[%add3A_1049] : memref<24576xf32, #tpu.memory_space<vmem>>[vector<16xi32>], vector<16xf32>,
    %swap3A_1051 = arith.constant 464 : index
    %swap3A_1052 = tpu.vector_load %arg11[%swap3A_1051] {strides = array<i32>} : memref<1536xf32, #tpu.memory_space<vmem>>, vector<16xf32>,
    tpu.vector_store %arg11[%swap3A_1051], %gather3A_1050 {strides = array<i32>} : memref<1536xf32, #tpu.memory_space<vmem>>, vector<16xf32>,
    %add3A_1053 = arith.constant 8192 : i32
    %add3A_1054 = vector.broadcast %add3A_1053 : i32 to vector<16xi32>
    %add3A_1055 = arith.addi %get3A_1046, %add3A_1054 : vector<16xi32>
    %gather3A_1056 = tpu.vector_load_idx %arg10[%add3A_1055] : memref<24576xf32, #tpu.memory_space<vmem>>[vector<16xi32>], vector<16xf32>,
    %swap3A_1057 = arith.constant 976 : index
    %swap3A_1058 = tpu.vector_load %arg11[%swap3A_1057] {strides = array<i32>} : memref<1536xf32, #tpu.memory_space<vmem>>, vector<16xf32>,
    tpu.vector_store %arg11[%swap3A_1057], %gather3A_1056 {strides = array<i32>} : memref<1536xf32, #tpu.memory_space<vmem>>, vector<16xf32>,
    %add3A_1059 = arith.constant 16384 : i32
    %add3A_1060 = vector.broadcast %add3A_1059 : i32 to vector<16xi32>
    %add3A_1061 = arith.addi %get3A_1046, %add3A_1060 : vector<16xi32>
    %gather3A_1062 = tpu.vector_load_idx %arg10[%add3A_1061] : memref<24576xf32, #tpu.memory_space<vmem>>[vector<16xi32>], vector<16xf32>,
    %swap3A_1063 = arith.constant 1488 : index
    %swap3A_1064 = tpu.vector_load %arg11[%swap3A_1063] {strides = array<i32>} : memref<1536xf32, #tpu.memory_space<vmem>>, vector<16xf32>,
    tpu.vector_store %arg11[%swap3A_1063], %gather3A_1062 {strides = array<i32>} : memref<1536xf32, #tpu.memory_space<vmem>>, vector<16xf32>,
    %get3A_1065 = arith.constant 3 : i32
    %get3A_1066 = arith.index_cast %get3A_1065 : i32 to index
    %get3A_1067 = arith.constant 96 : index
    %get3A_1068 = tpu.vector_load %arg8[%get3A_1066, %get3A_1067] {strides = array<i32>} : memref<4x128xi32, #tpu.memory_space<vmem>>, vector<16xi32>,
    %add3A_1069 = arith.constant 0 : i32
    %add3A_1070 = vector.broadcast %add3A_1069 : i32 to vector<16xi32>
    %add3A_1071 = arith.addi %get3A_1068, %add3A_1070 : vector<16xi32>
    %gather3A_1072 = tpu.vector_load_idx %arg10[%add3A_1071] : memref<24576xf32, #tpu.memory_space<vmem>>[vector<16xi32>], vector<16xf32>,
    %swap3A_1073 = arith.constant 480 : index
    %swap3A_1074 = tpu.vector_load %arg11[%swap3A_1073] {strides = array<i32>} : memref<1536xf32, #tpu.memory_space<vmem>>, vector<16xf32>,
    tpu.vector_store %arg11[%swap3A_1073], %gather3A_1072 {strides = array<i32>} : memref<1536xf32, #tpu.memory_space<vmem>>, vector<16xf32>,
    %add3A_1075 = arith.constant 8192 : i32
    %add3A_1076 = vector.broadcast %add3A_1075 : i32 to vector<16xi32>
    %add3A_1077 = arith.addi %get3A_1068, %add3A_1076 : vector<16xi32>
    %gather3A_1078 = tpu.vector_load_idx %arg10[%add3A_1077] : memref<24576xf32, #tpu.memory_space<vmem>>[vector<16xi32>], vector<16xf32>,
    %swap3A_1079 = arith.constant 992 : index
    %swap3A_1080 = tpu.vector_load %arg11[%swap3A_1079] {strides = array<i32>} : memref<1536xf32, #tpu.memory_space<vmem>>, vector<16xf32>,
    tpu.vector_store %arg11[%swap3A_1079], %gather3A_1078 {strides = array<i32>} : memref<1536xf32, #tpu.memory_space<vmem>>, vector<16xf32>,
    %add3A_1081 = arith.constant 16384 : i32
    %add3A_1082 = vector.broadcast %add3A_1081 : i32 to vector<16xi32>
    %add3A_1083 = arith.addi %get3A_1068, %add3A_1082 : vector<16xi32>
    %gather3A_1084 = tpu.vector_load_idx %arg10[%add3A_1083] : memref<24576xf32, #tpu.memory_space<vmem>>[vector<16xi32>], vector<16xf32>,
    %swap3A_1085 = arith.constant 1504 : index
    %swap3A_1086 = tpu.vector_load %arg11[%swap3A_1085] {strides = array<i32>} : memref<1536xf32, #tpu.memory_space<vmem>>, vector<16xf32>,
    tpu.vector_store %arg11[%swap3A_1085], %gather3A_1084 {strides = array<i32>} : memref<1536xf32, #tpu.memory_space<vmem>>, vector<16xf32>,
    %get3A_1087 = arith.constant 3 : i32
    %get3A_1088 = arith.index_cast %get3A_1087 : i32 to index
    %get3A_1089 = arith.constant 112 : index
    %get3A_1090 = tpu.vector_load %arg8[%get3A_1088, %get3A_1089] {strides = array<i32>} : memref<4x128xi32, #tpu.memory_space<vmem>>, vector<16xi32>,
    %add3A_1091 = arith.constant 0 : i32
    %add3A_1092 = vector.broadcast %add3A_1091 : i32 to vector<16xi32>
    %add3A_1093 = arith.addi %get3A_1090, %add3A_1092 : vector<16xi32>
    %gather3A_1094 = tpu.vector_load_idx %arg10[%add3A_1093] : memref<24576xf32, #tpu.memory_space<vmem>>[vector<16xi32>], vector<16xf32>,
    %swap3A_1095 = arith.constant 496 : index
    %swap3A_1096 = tpu.vector_load %arg11[%swap3A_1095] {strides = array<i32>} : memref<1536xf32, #tpu.memory_space<vmem>>, vector<16xf32>,
    tpu.vector_store %arg11[%swap3A_1095], %gather3A_1094 {strides = array<i32>} : memref<1536xf32, #tpu.memory_space<vmem>>, vector<16xf32>,
    %add3A_1097 = arith.constant 8192 : i32
    %add3A_1098 = vector.broadcast %add3A_1097 : i32 to vector<16xi32>
    %add3A_1099 = arith.addi %get3A_1090, %add3A_1098 : vector<16xi32>
    %gather3A_1100 = tpu.vector_load_idx %arg10[%add3A_1099] : memref<24576xf32, #tpu.memory_space<vmem>>[vector<16xi32>], vector<16xf32>,
    %swap3A_1101 = arith.constant 1008 : index
    %swap3A_1102 = tpu.vector_load %arg11[%swap3A_1101] {strides = array<i32>} : memref<1536xf32, #tpu.memory_space<vmem>>, vector<16xf32>,
    tpu.vector_store %arg11[%swap3A_1101], %gather3A_1100 {strides = array<i32>} : memref<1536xf32, #tpu.memory_space<vmem>>, vector<16xf32>,
    %add3A_1103 = arith.constant 16384 : i32
    %add3A_1104 = vector.broadcast %add3A_1103 : i32 to vector<16xi32>
    %add3A_1105 = arith.addi %get3A_1090, %add3A_1104 : vector<16xi32>
    %gather3A_1106 = tpu.vector_load_idx %arg10[%add3A_1105] : memref<24576xf32, #tpu.memory_space<vmem>>[vector<16xi32>], vector<16xf32>,
    %swap3A_1107 = arith.constant 1520 : index
    %swap3A_1108 = tpu.vector_load %arg11[%swap3A_1107] {strides = array<i32>} : memref<1536xf32, #tpu.memory_space<vmem>>, vector<16xf32>,
    tpu.vector_store %arg11[%swap3A_1107], %gather3A_1106 {strides = array<i32>} : memref<1536xf32, #tpu.memory_space<vmem>>, vector<16xf32>,
    %dma_start3A_1109 = arith.constant 0 : i32
    %dma_start3A_1110 = arith.constant 0 : i32
    %dma_start3A_1111 = tpu.memref_slice %arg11[%dma_start3A_1110] : memref<1536xf32, #tpu.memory_space<vmem>> -> memref<512xf32, #tpu.memory_space<vmem>>
    %dma_start3A_1112 = arith.constant 0 : i32
    %dma_start3A_1113 = tpu.memref_slice %arg6[%dma_start3A_1109, %select_n3A, %dma_start3A_1112] : memref<3x8x2048xf32, #tpu.memory_space<hbm>> -> memref<1x1x2048xf32, #tpu.memory_space<hbm>>
    %dma_start3A_1114 = tpu.memref_squeeze %dma_start3A_1113 : memref<1x1x2048xf32, #tpu.memory_space<hbm>> -> memref<2048xf32, #tpu.memory_space<hbm>>
    %dma_start3A_1115 = tpu.memref_slice %dma_start3A_1114[%mul3A_32] : memref<2048xf32, #tpu.memory_space<hbm>> -> memref<512xf32, #tpu.memory_space<hbm>>
    %dma_start3A_1116 = arith.constant 0 : i32
    %dma_start3A_1117 = tpu.memref_slice %arg6[%dma_start3A_1109, %select_n3A, %dma_start3A_1116] : memref<3x8x2048xf32, #tpu.memory_space<hbm>> -> memref<1x1x2048xf32, #tpu.memory_space<hbm>>
    %dma_start3A_1118 = tpu.memref_squeeze %dma_start3A_1117 : memref<1x1x2048xf32, #tpu.memory_space<hbm>> -> memref<2048xf32, #tpu.memory_space<hbm>>
    %dma_start3A_1119 = tpu.memref_slice %dma_start3A_1118[%mul3A_32] : memref<2048xf32, #tpu.memory_space<hbm>> -> memref<512xf32, #tpu.memory_space<hbm>>
    %dma_start3A_1120 = arith.constant 0 : i32
    %dma_start3A_1121 = tpu.memref_slice %arg11[%dma_start3A_1120] : memref<1536xf32, #tpu.memory_space<vmem>> -> memref<512xf32, #tpu.memory_space<vmem>>
    tpu.enqueue_dma source(%dma_start3A_1121 : memref<512xf32, #tpu.memory_space<vmem>>) target(%dma_start3A_1119 : memref<512xf32, #tpu.memory_space<hbm>>) target_semaphore(%arg16 : memref<!tpu.dma_semaphore, #tpu.memory_space<semaphore_mem>>)
    %dma_start3A_1122 = arith.constant 1 : i32
    %dma_start3A_1123 = arith.constant 512 : i32
    %dma_start3A_1124 = tpu.memref_slice %arg11[%dma_start3A_1123] : memref<1536xf32, #tpu.memory_space<vmem>> -> memref<512xf32, #tpu.memory_space<vmem>>
    %dma_start3A_1125 = arith.constant 0 : i32
    %dma_start3A_1126 = tpu.memref_slice %arg6[%dma_start3A_1122, %select_n3A, %dma_start3A_1125] : memref<3x8x2048xf32, #tpu.memory_space<hbm>> -> memref<1x1x2048xf32, #tpu.memory_space<hbm>>
    %dma_start3A_1127 = tpu.memref_squeeze %dma_start3A_1126 : memref<1x1x2048xf32, #tpu.memory_space<hbm>> -> memref<2048xf32, #tpu.memory_space<hbm>>
    %dma_start3A_1128 = tpu.memref_slice %dma_start3A_1127[%mul3A_32] : memref<2048xf32, #tpu.memory_space<hbm>> -> memref<512xf32, #tpu.memory_space<hbm>>
    %dma_start3A_1129 = arith.constant 0 : i32
    %dma_start3A_1130 = tpu.memref_slice %arg6[%dma_start3A_1122, %select_n3A, %dma_start3A_1129] : memref<3x8x2048xf32, #tpu.memory_space<hbm>> -> memref<1x1x2048xf32, #tpu.memory_space<hbm>>
    %dma_start3A_1131 = tpu.memref_squeeze %dma_start3A_1130 : memref<1x1x2048xf32, #tpu.memory_space<hbm>> -> memref<2048xf32, #tpu.memory_space<hbm>>
    %dma_start3A_1132 = tpu.memref_slice %dma_start3A_1131[%mul3A_32] : memref<2048xf32, #tpu.memory_space<hbm>> -> memref<512xf32, #tpu.memory_space<hbm>>
    %dma_start3A_1133 = arith.constant 512 : i32
    %dma_start3A_1134 = tpu.memref_slice %arg11[%dma_start3A_1133] : memref<1536xf32, #tpu.memory_space<vmem>> -> memref<512xf32, #tpu.memory_space<vmem>>
    tpu.enqueue_dma source(%dma_start3A_1134 : memref<512xf32, #tpu.memory_space<vmem>>) target(%dma_start3A_1132 : memref<512xf32, #tpu.memory_space<hbm>>) target_semaphore(%arg16 : memref<!tpu.dma_semaphore, #tpu.memory_space<semaphore_mem>>)
    %dma_start3A_1135 = arith.constant 2 : i32
    %dma_start3A_1136 = arith.constant 1024 : i32
    %dma_start3A_1137 = tpu.memref_slice %arg11[%dma_start3A_1136] : memref<1536xf32, #tpu.memory_space<vmem>> -> memref<512xf32, #tpu.memory_space<vmem>>
    %dma_start3A_1138 = arith.constant 0 : i32
    %dma_start3A_1139 = tpu.memref_slice %arg6[%dma_start3A_1135, %select_n3A, %dma_start3A_1138] : memref<3x8x2048xf32, #tpu.memory_space<hbm>> -> memref<1x1x2048xf32, #tpu.memory_space<hbm>>
    %dma_start3A_1140 = tpu.memref_squeeze %dma_start3A_1139 : memref<1x1x2048xf32, #tpu.memory_space<hbm>> -> memref<2048xf32, #tpu.memory_space<hbm>>
    %dma_start3A_1141 = tpu.memref_slice %dma_start3A_1140[%mul3A_32] : memref<2048xf32, #tpu.memory_space<hbm>> -> memref<512xf32, #tpu.memory_space<hbm>>
    %dma_start3A_1142 = arith.constant 0 : i32
    %dma_start3A_1143 = tpu.memref_slice %arg6[%dma_start3A_1135, %select_n3A, %dma_start3A_1142] : memref<3x8x2048xf32, #tpu.memory_space<hbm>> -> memref<1x1x2048xf32, #tpu.memory_space<hbm>>
    %dma_start3A_1144 = tpu.memref_squeeze %dma_start3A_1143 : memref<1x1x2048xf32, #tpu.memory_space<hbm>> -> memref<2048xf32, #tpu.memory_space<hbm>>
    %dma_start3A_1145 = tpu.memref_slice %dma_start3A_1144[%mul3A_32] : memref<2048xf32, #tpu.memory_space<hbm>> -> memref<512xf32, #tpu.memory_space<hbm>>
    %dma_start3A_1146 = arith.constant 1024 : i32
    %dma_start3A_1147 = tpu.memref_slice %arg11[%dma_start3A_1146] : memref<1536xf32, #tpu.memory_space<vmem>> -> memref<512xf32, #tpu.memory_space<vmem>>
    tpu.enqueue_dma source(%dma_start3A_1147 : memref<512xf32, #tpu.memory_space<vmem>>) target(%dma_start3A_1145 : memref<512xf32, #tpu.memory_space<hbm>>) target_semaphore(%arg16 : memref<!tpu.dma_semaphore, #tpu.memory_space<semaphore_mem>>)
    %dma_wait3A_1148 = arith.constant 1 : i32
    %dma_wait3A_1149 = arith.constant 0 : i32
    %dma_wait3A_1150 = arith.constant 0 : i32
    %dma_wait3A_1151 = tpu.memref_slice %arg9[%dma_wait3A_1148, %dma_wait3A_1149, %dma_wait3A_1150] : memref<3x128x256xf32, #tpu.memory_space<vmem>> -> memref<1x128x256xf32, #tpu.memory_space<vmem>>
    %dma_wait3A_1152 = tpu.memref_squeeze %dma_wait3A_1151 : memref<1x128x256xf32, #tpu.memory_space<vmem>> -> memref<128x256xf32, #tpu.memory_space<vmem>>
    %dma_wait3A_1153 = arith.constant 0 : i32
    %dma_wait3A_1154 = arith.constant 0 : i32
    %dma_wait3A_1155 = tpu.memref_slice %arg5[%select_n3A, %dma_wait3A_1153, %dma_wait3A_1154] : memref<8x2048x256xf32, #tpu.memory_space<hbm>> -> memref<1x2048x256xf32, #tpu.memory_space<hbm>>
    %dma_wait3A_1156 = tpu.memref_squeeze %dma_wait3A_1155 : memref<1x2048x256xf32, #tpu.memory_space<hbm>> -> memref<2048x256xf32, #tpu.memory_space<hbm>>
    %dma_wait3A_1157 = arith.constant 0 : i32
    %dma_wait3A_1158 = tpu.memref_slice %dma_wait3A_1156[%add3A_481, %dma_wait3A_1157] : memref<2048x256xf32, #tpu.memory_space<hbm>> -> memref<128x256xf32, #tpu.memory_space<hbm>>
    %dma_wait3A_1159 = arith.constant 0 : i32
    %dma_wait3A_1160 = arith.constant 0 : i32
    %dma_wait3A_1161 = tpu.memref_slice %arg5[%select_n3A, %dma_wait3A_1159, %dma_wait3A_1160] : memref<8x2048x256xf32, #tpu.memory_space<hbm>> -> memref<1x2048x256xf32, #tpu.memory_space<hbm>>
    %dma_wait3A_1162 = tpu.memref_squeeze %dma_wait3A_1161 : memref<1x2048x256xf32, #tpu.memory_space<hbm>> -> memref<2048x256xf32, #tpu.memory_space<hbm>>
    %dma_wait3A_1163 = arith.constant 0 : i32
    %dma_wait3A_1164 = tpu.memref_slice %dma_wait3A_1162[%add3A_481, %dma_wait3A_1163] : memref<2048x256xf32, #tpu.memory_space<hbm>> -> memref<128x256xf32, #tpu.memory_space<hbm>>
    %dma_wait3A_1165 = arith.constant 0 : i32
    %dma_wait3A_1166 = arith.constant 0 : i32
    %dma_wait3A_1167 = tpu.memref_slice %arg9[%dma_wait3A_1148, %dma_wait3A_1165, %dma_wait3A_1166] : memref<3x128x256xf32, #tpu.memory_space<vmem>> -> memref<1x128x256xf32, #tpu.memory_space<vmem>>
    %dma_wait3A_1168 = tpu.memref_squeeze %dma_wait3A_1167 : memref<1x128x256xf32, #tpu.memory_space<vmem>> -> memref<128x256xf32, #tpu.memory_space<vmem>>
    tpu.wait_dma2 semaphore(%arg15 : memref<!tpu.dma_semaphore, #tpu.memory_space<semaphore_mem>>) src(%dma_wait3A_1168 : memref<128x256xf32, #tpu.memory_space<vmem>>) dst(%dma_wait3A_1164 : memref<128x256xf32, #tpu.memory_space<hbm>>)
    %dma_wait3A_1169 = arith.constant 2 : i32
    %dma_wait3A_1170 = arith.constant 0 : i32
    %dma_wait3A_1171 = arith.constant 0 : i32
    %dma_wait3A_1172 = tpu.memref_slice %arg9[%dma_wait3A_1169, %dma_wait3A_1170, %dma_wait3A_1171] : memref<3x128x256xf32, #tpu.memory_space<vmem>> -> memref<1x128x256xf32, #tpu.memory_space<vmem>>
    %dma_wait3A_1173 = tpu.memref_squeeze %dma_wait3A_1172 : memref<1x128x256xf32, #tpu.memory_space<vmem>> -> memref<128x256xf32, #tpu.memory_space<vmem>>
    %dma_wait3A_1174 = arith.constant 0 : i32
    %dma_wait3A_1175 = arith.constant 0 : i32
    %dma_wait3A_1176 = tpu.memref_slice %arg5[%select_n3A, %dma_wait3A_1174, %dma_wait3A_1175] : memref<8x2048x256xf32, #tpu.memory_space<hbm>> -> memref<1x2048x256xf32, #tpu.memory_space<hbm>>
    %dma_wait3A_1177 = tpu.memref_squeeze %dma_wait3A_1176 : memref<1x2048x256xf32, #tpu.memory_space<hbm>> -> memref<2048x256xf32, #tpu.memory_space<hbm>>
    %dma_wait3A_1178 = arith.constant 0 : i32
    %dma_wait3A_1179 = tpu.memref_slice %dma_wait3A_1177[%add3A_696, %dma_wait3A_1178] : memref<2048x256xf32, #tpu.memory_space<hbm>> -> memref<128x256xf32, #tpu.memory_space<hbm>>
    %dma_wait3A_1180 = arith.constant 0 : i32
    %dma_wait3A_1181 = arith.constant 0 : i32
    %dma_wait3A_1182 = tpu.memref_slice %arg5[%select_n3A, %dma_wait3A_1180, %dma_wait3A_1181] : memref<8x2048x256xf32, #tpu.memory_space<hbm>> -> memref<1x2048x256xf32, #tpu.memory_space<hbm>>
    %dma_wait3A_1183 = tpu.memref_squeeze %dma_wait3A_1182 : memref<1x2048x256xf32, #tpu.memory_space<hbm>> -> memref<2048x256xf32, #tpu.memory_space<hbm>>
    %dma_wait3A_1184 = arith.constant 0 : i32
    %dma_wait3A_1185 = tpu.memref_slice %dma_wait3A_1183[%add3A_696, %dma_wait3A_1184] : memref<2048x256xf32, #tpu.memory_space<hbm>> -> memref<128x256xf32, #tpu.memory_space<hbm>>
    %dma_wait3A_1186 = arith.constant 0 : i32
    %dma_wait3A_1187 = arith.constant 0 : i32
    %dma_wait3A_1188 = tpu.memref_slice %arg9[%dma_wait3A_1169, %dma_wait3A_1186, %dma_wait3A_1187] : memref<3x128x256xf32, #tpu.memory_space<vmem>> -> memref<1x128x256xf32, #tpu.memory_space<vmem>>
    %dma_wait3A_1189 = tpu.memref_squeeze %dma_wait3A_1188 : memref<1x128x256xf32, #tpu.memory_space<vmem>> -> memref<128x256xf32, #tpu.memory_space<vmem>>
    tpu.wait_dma2 semaphore(%arg15 : memref<!tpu.dma_semaphore, #tpu.memory_space<semaphore_mem>>) src(%dma_wait3A_1189 : memref<128x256xf32, #tpu.memory_space<vmem>>) dst(%dma_wait3A_1185 : memref<128x256xf32, #tpu.memory_space<hbm>>)
    %dma_wait3A_1190 = arith.constant 0 : i32
    %dma_wait3A_1191 = arith.constant 0 : i32
    %dma_wait3A_1192 = arith.constant 0 : i32
    %dma_wait3A_1193 = tpu.memref_slice %arg9[%dma_wait3A_1190, %dma_wait3A_1191, %dma_wait3A_1192] : memref<3x128x256xf32, #tpu.memory_space<vmem>> -> memref<1x128x256xf32, #tpu.memory_space<vmem>>
    %dma_wait3A_1194 = tpu.memref_squeeze %dma_wait3A_1193 : memref<1x128x256xf32, #tpu.memory_space<vmem>> -> memref<128x256xf32, #tpu.memory_space<vmem>>
    %dma_wait3A_1195 = arith.constant 0 : i32
    %dma_wait3A_1196 = arith.constant 0 : i32
    %dma_wait3A_1197 = tpu.memref_slice %arg5[%select_n3A, %dma_wait3A_1195, %dma_wait3A_1196] : memref<8x2048x256xf32, #tpu.memory_space<hbm>> -> memref<1x2048x256xf32, #tpu.memory_space<hbm>>
    %dma_wait3A_1198 = tpu.memref_squeeze %dma_wait3A_1197 : memref<1x2048x256xf32, #tpu.memory_space<hbm>> -> memref<2048x256xf32, #tpu.memory_space<hbm>>
    %dma_wait3A_1199 = arith.constant 0 : i32
    %dma_wait3A_1200 = tpu.memref_slice %dma_wait3A_1198[%add3A_911, %dma_wait3A_1199] : memref<2048x256xf32, #tpu.memory_space<hbm>> -> memref<128x256xf32, #tpu.memory_space<hbm>>
    %dma_wait3A_1201 = arith.constant 0 : i32
    %dma_wait3A_1202 = arith.constant 0 : i32
    %dma_wait3A_1203 = tpu.memref_slice %arg5[%select_n3A, %dma_wait3A_1201, %dma_wait3A_1202] : memref<8x2048x256xf32, #tpu.memory_space<hbm>> -> memref<1x2048x256xf32, #tpu.memory_space<hbm>>
    %dma_wait3A_1204 = tpu.memref_squeeze %dma_wait3A_1203 : memref<1x2048x256xf32, #tpu.memory_space<hbm>> -> memref<2048x256xf32, #tpu.memory_space<hbm>>
    %dma_wait3A_1205 = arith.constant 0 : i32
    %dma_wait3A_1206 = tpu.memref_slice %dma_wait3A_1204[%add3A_911, %dma_wait3A_1205] : memref<2048x256xf32, #tpu.memory_space<hbm>> -> memref<128x256xf32, #tpu.memory_space<hbm>>
    %dma_wait3A_1207 = arith.constant 0 : i32
    %dma_wait3A_1208 = arith.constant 0 : i32
    %dma_wait3A_1209 = tpu.memref_slice %arg9[%dma_wait3A_1190, %dma_wait3A_1207, %dma_wait3A_1208] : memref<3x128x256xf32, #tpu.memory_space<vmem>> -> memref<1x128x256xf32, #tpu.memory_space<vmem>>
    %dma_wait3A_1210 = tpu.memref_squeeze %dma_wait3A_1209 : memref<1x128x256xf32, #tpu.memory_space<vmem>> -> memref<128x256xf32, #tpu.memory_space<vmem>>
    tpu.wait_dma2 semaphore(%arg15 : memref<!tpu.dma_semaphore, #tpu.memory_space<semaphore_mem>>) src(%dma_wait3A_1210 : memref<128x256xf32, #tpu.memory_space<vmem>>) dst(%dma_wait3A_1206 : memref<128x256xf32, #tpu.memory_space<hbm>>)
    %dma_wait3A_1211 = arith.constant 0 : i32
    %dma_wait3A_1212 = arith.constant 0 : i32
    %dma_wait3A_1213 = tpu.memref_slice %arg8[%dma_wait3A_1211, %dma_wait3A_1212] : memref<4x128xi32, #tpu.memory_space<vmem>> -> memref<1x128xi32, #tpu.memory_space<vmem>>
    %dma_wait3A_1214 = tpu.memref_squeeze %dma_wait3A_1213 : memref<1x128xi32, #tpu.memory_space<vmem>> -> memref<128xi32, #tpu.memory_space<vmem>>
    %dma_wait3A_1215 = arith.constant 0 : i32
    %dma_wait3A_1216 = tpu.memref_slice %arg7[%select_n3A, %dma_wait3A_1215] : memref<8x2048xi32, #tpu.memory_space<hbm>> -> memref<1x2048xi32, #tpu.memory_space<hbm>>
    %dma_wait3A_1217 = tpu.memref_squeeze %dma_wait3A_1216 : memref<1x2048xi32, #tpu.memory_space<hbm>> -> memref<2048xi32, #tpu.memory_space<hbm>>
    %dma_wait3A_1218 = tpu.memref_slice %dma_wait3A_1217[%add3A_36] : memref<2048xi32, #tpu.memory_space<hbm>> -> memref<128xi32, #tpu.memory_space<hbm>>
    %dma_wait3A_1219 = arith.constant 0 : i32
    %dma_wait3A_1220 = tpu.memref_slice %arg7[%select_n3A, %dma_wait3A_1219] : memref<8x2048xi32, #tpu.memory_space<hbm>> -> memref<1x2048xi32, #tpu.memory_space<hbm>>
    %dma_wait3A_1221 = tpu.memref_squeeze %dma_wait3A_1220 : memref<1x2048xi32, #tpu.memory_space<hbm>> -> memref<2048xi32, #tpu.memory_space<hbm>>
    %dma_wait3A_1222 = tpu.memref_slice %dma_wait3A_1221[%add3A_36] : memref<2048xi32, #tpu.memory_space<hbm>> -> memref<128xi32, #tpu.memory_space<hbm>>
    %dma_wait3A_1223 = arith.constant 0 : i32
    %dma_wait3A_1224 = tpu.memref_slice %arg8[%dma_wait3A_1211, %dma_wait3A_1223] : memref<4x128xi32, #tpu.memory_space<vmem>> -> memref<1x128xi32, #tpu.memory_space<vmem>>
    %dma_wait3A_1225 = tpu.memref_squeeze %dma_wait3A_1224 : memref<1x128xi32, #tpu.memory_space<vmem>> -> memref<128xi32, #tpu.memory_space<vmem>>
    tpu.wait_dma2 semaphore(%arg17 : memref<!tpu.dma_semaphore, #tpu.memory_space<semaphore_mem>>) src(%dma_wait3A_1225 : memref<128xi32, #tpu.memory_space<vmem>>) dst(%dma_wait3A_1222 : memref<128xi32, #tpu.memory_space<hbm>>)
    %dma_wait3A_1226 = arith.constant 1 : i32
    %dma_wait3A_1227 = arith.constant 0 : i32
    %dma_wait3A_1228 = tpu.memref_slice %arg8[%dma_wait3A_1226, %dma_wait3A_1227] : memref<4x128xi32, #tpu.memory_space<vmem>> -> memref<1x128xi32, #tpu.memory_space<vmem>>
    %dma_wait3A_1229 = tpu.memref_squeeze %dma_wait3A_1228 : memref<1x128xi32, #tpu.memory_space<vmem>> -> memref<128xi32, #tpu.memory_space<vmem>>
    %dma_wait3A_1230 = arith.constant 0 : i32
    %dma_wait3A_1231 = tpu.memref_slice %arg7[%select_n3A, %dma_wait3A_1230] : memref<8x2048xi32, #tpu.memory_space<hbm>> -> memref<1x2048xi32, #tpu.memory_space<hbm>>
    %dma_wait3A_1232 = tpu.memref_squeeze %dma_wait3A_1231 : memref<1x2048xi32, #tpu.memory_space<hbm>> -> memref<2048xi32, #tpu.memory_space<hbm>>
    %dma_wait3A_1233 = tpu.memref_slice %dma_wait3A_1232[%add3A_52] : memref<2048xi32, #tpu.memory_space<hbm>> -> memref<128xi32, #tpu.memory_space<hbm>>
    %dma_wait3A_1234 = arith.constant 0 : i32
    %dma_wait3A_1235 = tpu.memref_slice %arg7[%select_n3A, %dma_wait3A_1234] : memref<8x2048xi32, #tpu.memory_space<hbm>> -> memref<1x2048xi32, #tpu.memory_space<hbm>>
    %dma_wait3A_1236 = tpu.memref_squeeze %dma_wait3A_1235 : memref<1x2048xi32, #tpu.memory_space<hbm>> -> memref<2048xi32, #tpu.memory_space<hbm>>
    %dma_wait3A_1237 = tpu.memref_slice %dma_wait3A_1236[%add3A_52] : memref<2048xi32, #tpu.memory_space<hbm>> -> memref<128xi32, #tpu.memory_space<hbm>>
    %dma_wait3A_1238 = arith.constant 0 : i32
    %dma_wait3A_1239 = tpu.memref_slice %arg8[%dma_wait3A_1226, %dma_wait3A_1238] : memref<4x128xi32, #tpu.memory_space<vmem>> -> memref<1x128xi32, #tpu.memory_space<vmem>>
    %dma_wait3A_1240 = tpu.memref_squeeze %dma_wait3A_1239 : memref<1x128xi32, #tpu.memory_space<vmem>> -> memref<128xi32, #tpu.memory_space<vmem>>
    tpu.wait_dma2 semaphore(%arg17 : memref<!tpu.dma_semaphore, #tpu.memory_space<semaphore_mem>>) src(%dma_wait3A_1240 : memref<128xi32, #tpu.memory_space<vmem>>) dst(%dma_wait3A_1237 : memref<128xi32, #tpu.memory_space<hbm>>)
    %dma_wait3A_1241 = arith.constant 2 : i32
    %dma_wait3A_1242 = arith.constant 0 : i32
    %dma_wait3A_1243 = tpu.memref_slice %arg8[%dma_wait3A_1241, %dma_wait3A_1242] : memref<4x128xi32, #tpu.memory_space<vmem>> -> memref<1x128xi32, #tpu.memory_space<vmem>>
    %dma_wait3A_1244 = tpu.memref_squeeze %dma_wait3A_1243 : memref<1x128xi32, #tpu.memory_space<vmem>> -> memref<128xi32, #tpu.memory_space<vmem>>
    %dma_wait3A_1245 = arith.constant 0 : i32
    %dma_wait3A_1246 = tpu.memref_slice %arg7[%select_n3A, %dma_wait3A_1245] : memref<8x2048xi32, #tpu.memory_space<hbm>> -> memref<1x2048xi32, #tpu.memory_space<hbm>>
    %dma_wait3A_1247 = tpu.memref_squeeze %dma_wait3A_1246 : memref<1x2048xi32, #tpu.memory_space<hbm>> -> memref<2048xi32, #tpu.memory_space<hbm>>
    %dma_wait3A_1248 = tpu.memref_slice %dma_wait3A_1247[%add3A_69] : memref<2048xi32, #tpu.memory_space<hbm>> -> memref<128xi32, #tpu.memory_space<hbm>>
    %dma_wait3A_1249 = arith.constant 0 : i32
    %dma_wait3A_1250 = tpu.memref_slice %arg7[%select_n3A, %dma_wait3A_1249] : memref<8x2048xi32, #tpu.memory_space<hbm>> -> memref<1x2048xi32, #tpu.memory_space<hbm>>
    %dma_wait3A_1251 = tpu.memref_squeeze %dma_wait3A_1250 : memref<1x2048xi32, #tpu.memory_space<hbm>> -> memref<2048xi32, #tpu.memory_space<hbm>>
    %dma_wait3A_1252 = tpu.memref_slice %dma_wait3A_1251[%add3A_69] : memref<2048xi32, #tpu.memory_space<hbm>> -> memref<128xi32, #tpu.memory_space<hbm>>
    %dma_wait3A_1253 = arith.constant 0 : i32
    %dma_wait3A_1254 = tpu.memref_slice %arg8[%dma_wait3A_1241, %dma_wait3A_1253] : memref<4x128xi32, #tpu.memory_space<vmem>> -> memref<1x128xi32, #tpu.memory_space<vmem>>
    %dma_wait3A_1255 = tpu.memref_squeeze %dma_wait3A_1254 : memref<1x128xi32, #tpu.memory_space<vmem>> -> memref<128xi32, #tpu.memory_space<vmem>>
    tpu.wait_dma2 semaphore(%arg17 : memref<!tpu.dma_semaphore, #tpu.memory_space<semaphore_mem>>) src(%dma_wait3A_1255 : memref<128xi32, #tpu.memory_space<vmem>>) dst(%dma_wait3A_1252 : memref<128xi32, #tpu.memory_space<hbm>>)
    %dma_wait3A_1256 = arith.constant 3 : i32
    %dma_wait3A_1257 = arith.constant 0 : i32
    %dma_wait3A_1258 = tpu.memref_slice %arg8[%dma_wait3A_1256, %dma_wait3A_1257] : memref<4x128xi32, #tpu.memory_space<vmem>> -> memref<1x128xi32, #tpu.memory_space<vmem>>
    %dma_wait3A_1259 = tpu.memref_squeeze %dma_wait3A_1258 : memref<1x128xi32, #tpu.memory_space<vmem>> -> memref<128xi32, #tpu.memory_space<vmem>>
    %dma_wait3A_1260 = arith.constant 0 : i32
    %dma_wait3A_1261 = tpu.memref_slice %arg7[%select_n3A, %dma_wait3A_1260] : memref<8x2048xi32, #tpu.memory_space<hbm>> -> memref<1x2048xi32, #tpu.memory_space<hbm>>
    %dma_wait3A_1262 = tpu.memref_squeeze %dma_wait3A_1261 : memref<1x2048xi32, #tpu.memory_space<hbm>> -> memref<2048xi32, #tpu.memory_space<hbm>>
    %dma_wait3A_1263 = tpu.memref_slice %dma_wait3A_1262[%add3A_86] : memref<2048xi32, #tpu.memory_space<hbm>> -> memref<128xi32, #tpu.memory_space<hbm>>
    %dma_wait3A_1264 = arith.constant 0 : i32
    %dma_wait3A_1265 = tpu.memref_slice %arg7[%select_n3A, %dma_wait3A_1264] : memref<8x2048xi32, #tpu.memory_space<hbm>> -> memref<1x2048xi32, #tpu.memory_space<hbm>>
    %dma_wait3A_1266 = tpu.memref_squeeze %dma_wait3A_1265 : memref<1x2048xi32, #tpu.memory_space<hbm>> -> memref<2048xi32, #tpu.memory_space<hbm>>
    %dma_wait3A_1267 = tpu.memref_slice %dma_wait3A_1266[%add3A_86] : memref<2048xi32, #tpu.memory_space<hbm>> -> memref<128xi32, #tpu.memory_space<hbm>>
    %dma_wait3A_1268 = arith.constant 0 : i32
    %dma_wait3A_1269 = tpu.memref_slice %arg8[%dma_wait3A_1256, %dma_wait3A_1268] : memref<4x128xi32, #tpu.memory_space<vmem>> -> memref<1x128xi32, #tpu.memory_space<vmem>>
    %dma_wait3A_1270 = tpu.memref_squeeze %dma_wait3A_1269 : memref<1x128xi32, #tpu.memory_space<vmem>> -> memref<128xi32, #tpu.memory_space<vmem>>
    tpu.wait_dma2 semaphore(%arg17 : memref<!tpu.dma_semaphore, #tpu.memory_space<semaphore_mem>>) src(%dma_wait3A_1270 : memref<128xi32, #tpu.memory_space<vmem>>) dst(%dma_wait3A_1267 : memref<128xi32, #tpu.memory_space<hbm>>)
    %dma_wait3A_1271 = arith.constant 0 : i32
    %dma_wait3A_1272 = arith.constant 0 : i32
    %dma_wait3A_1273 = tpu.memref_slice %arg11[%dma_wait3A_1272] : memref<1536xf32, #tpu.memory_space<vmem>> -> memref<512xf32, #tpu.memory_space<vmem>>
    %dma_wait3A_1274 = arith.constant 0 : i32
    %dma_wait3A_1275 = tpu.memref_slice %arg6[%dma_wait3A_1271, %select_n3A, %dma_wait3A_1274] : memref<3x8x2048xf32, #tpu.memory_space<hbm>> -> memref<1x1x2048xf32, #tpu.memory_space<hbm>>
    %dma_wait3A_1276 = tpu.memref_squeeze %dma_wait3A_1275 : memref<1x1x2048xf32, #tpu.memory_space<hbm>> -> memref<2048xf32, #tpu.memory_space<hbm>>
    %dma_wait3A_1277 = tpu.memref_slice %dma_wait3A_1276[%mul3A_32] : memref<2048xf32, #tpu.memory_space<hbm>> -> memref<512xf32, #tpu.memory_space<hbm>>
    %dma_wait3A_1278 = arith.constant 0 : i32
    %dma_wait3A_1279 = tpu.memref_slice %arg6[%dma_wait3A_1271, %select_n3A, %dma_wait3A_1278] : memref<3x8x2048xf32, #tpu.memory_space<hbm>> -> memref<1x1x2048xf32, #tpu.memory_space<hbm>>
    %dma_wait3A_1280 = tpu.memref_squeeze %dma_wait3A_1279 : memref<1x1x2048xf32, #tpu.memory_space<hbm>> -> memref<2048xf32, #tpu.memory_space<hbm>>
    %dma_wait3A_1281 = tpu.memref_slice %dma_wait3A_1280[%mul3A_32] : memref<2048xf32, #tpu.memory_space<hbm>> -> memref<512xf32, #tpu.memory_space<hbm>>
    %dma_wait3A_1282 = arith.constant 0 : i32
    %dma_wait3A_1283 = tpu.memref_slice %arg11[%dma_wait3A_1282] : memref<1536xf32, #tpu.memory_space<vmem>> -> memref<512xf32, #tpu.memory_space<vmem>>
    tpu.wait_dma2 semaphore(%arg16 : memref<!tpu.dma_semaphore, #tpu.memory_space<semaphore_mem>>) src(%dma_wait3A_1283 : memref<512xf32, #tpu.memory_space<vmem>>) dst(%dma_wait3A_1281 : memref<512xf32, #tpu.memory_space<hbm>>)
    %dma_wait3A_1284 = arith.constant 1 : i32
    %dma_wait3A_1285 = arith.constant 512 : i32
    %dma_wait3A_1286 = tpu.memref_slice %arg11[%dma_wait3A_1285] : memref<1536xf32, #tpu.memory_space<vmem>> -> memref<512xf32, #tpu.memory_space<vmem>>
    %dma_wait3A_1287 = arith.constant 0 : i32
    %dma_wait3A_1288 = tpu.memref_slice %arg6[%dma_wait3A_1284, %select_n3A, %dma_wait3A_1287] : memref<3x8x2048xf32, #tpu.memory_space<hbm>> -> memref<1x1x2048xf32, #tpu.memory_space<hbm>>
    %dma_wait3A_1289 = tpu.memref_squeeze %dma_wait3A_1288 : memref<1x1x2048xf32, #tpu.memory_space<hbm>> -> memref<2048xf32, #tpu.memory_space<hbm>>
    %dma_wait3A_1290 = tpu.memref_slice %dma_wait3A_1289[%mul3A_32] : memref<2048xf32, #tpu.memory_space<hbm>> -> memref<512xf32, #tpu.memory_space<hbm>>
    %dma_wait3A_1291 = arith.constant 0 : i32
    %dma_wait3A_1292 = tpu.memref_slice %arg6[%dma_wait3A_1284, %select_n3A, %dma_wait3A_1291] : memref<3x8x2048xf32, #tpu.memory_space<hbm>> -> memref<1x1x2048xf32, #tpu.memory_space<hbm>>
    %dma_wait3A_1293 = tpu.memref_squeeze %dma_wait3A_1292 : memref<1x1x2048xf32, #tpu.memory_space<hbm>> -> memref<2048xf32, #tpu.memory_space<hbm>>
    %dma_wait3A_1294 = tpu.memref_slice %dma_wait3A_1293[%mul3A_32] : memref<2048xf32, #tpu.memory_space<hbm>> -> memref<512xf32, #tpu.memory_space<hbm>>
    %dma_wait3A_1295 = arith.constant 512 : i32
    %dma_wait3A_1296 = tpu.memref_slice %arg11[%dma_wait3A_1295] : memref<1536xf32, #tpu.memory_space<vmem>> -> memref<512xf32, #tpu.memory_space<vmem>>
    tpu.wait_dma2 semaphore(%arg16 : memref<!tpu.dma_semaphore, #tpu.memory_space<semaphore_mem>>) src(%dma_wait3A_1296 : memref<512xf32, #tpu.memory_space<vmem>>) dst(%dma_wait3A_1294 : memref<512xf32, #tpu.memory_space<hbm>>)
    %dma_wait3A_1297 = arith.constant 2 : i32
    %dma_wait3A_1298 = arith.constant 1024 : i32
    %dma_wait3A_1299 = tpu.memref_slice %arg11[%dma_wait3A_1298] : memref<1536xf32, #tpu.memory_space<vmem>> -> memref<512xf32, #tpu.memory_space<vmem>>
    %dma_wait3A_1300 = arith.constant 0 : i32
    %dma_wait3A_1301 = tpu.memref_slice %arg6[%dma_wait3A_1297, %select_n3A, %dma_wait3A_1300] : memref<3x8x2048xf32, #tpu.memory_space<hbm>> -> memref<1x1x2048xf32, #tpu.memory_space<hbm>>
    %dma_wait3A_1302 = tpu.memref_squeeze %dma_wait3A_1301 : memref<1x1x2048xf32, #tpu.memory_space<hbm>> -> memref<2048xf32, #tpu.memory_space<hbm>>
    %dma_wait3A_1303 = tpu.memref_slice %dma_wait3A_1302[%mul3A_32] : memref<2048xf32, #tpu.memory_space<hbm>> -> memref<512xf32, #tpu.memory_space<hbm>>
    %dma_wait3A_1304 = arith.constant 0 : i32
    %dma_wait3A_1305 = tpu.memref_slice %arg6[%dma_wait3A_1297, %select_n3A, %dma_wait3A_1304] : memref<3x8x2048xf32, #tpu.memory_space<hbm>> -> memref<1x1x2048xf32, #tpu.memory_space<hbm>>
    %dma_wait3A_1306 = tpu.memref_squeeze %dma_wait3A_1305 : memref<1x1x2048xf32, #tpu.memory_space<hbm>> -> memref<2048xf32, #tpu.memory_space<hbm>>
    %dma_wait3A_1307 = tpu.memref_slice %dma_wait3A_1306[%mul3A_32] : memref<2048xf32, #tpu.memory_space<hbm>> -> memref<512xf32, #tpu.memory_space<hbm>>
    %dma_wait3A_1308 = arith.constant 1024 : i32
    %dma_wait3A_1309 = tpu.memref_slice %arg11[%dma_wait3A_1308] : memref<1536xf32, #tpu.memory_space<vmem>> -> memref<512xf32, #tpu.memory_space<vmem>>
    tpu.wait_dma2 semaphore(%arg16 : memref<!tpu.dma_semaphore, #tpu.memory_space<semaphore_mem>>) src(%dma_wait3A_1309 : memref<512xf32, #tpu.memory_space<vmem>>) dst(%dma_wait3A_1307 : memref<512xf32, #tpu.memory_space<hbm>>)
    return
  }
}

</mosaic_0001>

<sc_bundles>
// kernel: kernel.3.cloned.1.call-start
scs
__scs_entry_jumppad:
0x0: {  	(pc) =	sbr.rel $0x88, $3  }
0x1: {  	(tag) =	ssettag $0x0;
	lr =	simm.s32 $0x1  }
0x2: {  	[smem:$0x3F9F] =	sst lr;
	_ =	strace $0xD0000000  }
0x3: {  	_ = 	snop  }
0x4: {  	_ = 	snop  }
0x5: {  	_ = 	snop  }
0x6: {  	_ = 	snop  }
0x7: {  	_ = 	snop  }
__scs_overlays_trampoline_lowered:
0x8: {  	[smem:$0x3FAE] =	sst s0  }
0x9: {  	[smem:$0x3FAF] =	sst s1  }
0xa: {  	[smem:$0x3FB0] =	sst s2  }
0xb: {  	[smem:$0x3FB1] =	sst s3  }
0xc: {  	[smem:$0x3FB2] =	sst s4  }
0xd: {  	[smem:$0x3FB3] =	sst s5  }
0xe: {  	[smem:$0x3FB4] =	sst s6  }
0xf: {  	[smem:$0x3FB5] =	sst s7  }
0x10: {  	[smem:$0x3FB6] =	sst s8  }
0x11: {  	[smem:$0x3FB7] =	sst s9;
	s0 =	simm.s32 @!p0 $0x0  }
0x12: {  	s1 =	sld [smem:$0x3F9D];
	s0 =	simm.s32 @p0 $0x1  }
0x13: {  	[smem:$0x3FB8] =	sst s0;
	s0 =	simm.s32 @!p1 $0x0  }
0x14: {  	s2 =	sld [smem:$0x3F9C];
	s0 =	simm.s32 @p1 $0x1  }
0x15: {  	[smem:$0x3FB9] =	sst s0;
	s0 =	simm.s32 @!p2 $0x0  }
0x16: {  	s3 =	sld [smem:$0x3FDB];
	s0 =	simm.s32 @p2 $0x1  }
0x17: {  	s4 =	simm.s32 $0x1BF5;
	[smem:$0x3FBB] =	sst s0  }
0x18: {  	s0 =	sld [smem:$0x3F9E];
	_ =	swait.ge [sflag:s4], $0x0  }
0x19: {  	s7 =	sld [smem:$0x3F9F]  }
0x1a: {  	s8 =	sadd.s32 $0xFFFFE003, lr  }
0x1b: {  	s9 =	sadd.s32 $0xFFFFFEF7, lr;
	s5 =	simm.s32 $0xFFFFFFFF;
	p2 =	slt.u32 s8, $0xFFFFF086  }
0x1c: {  	p1 =	slt.u32 s9, $0xF7A;
	s5 =	simm.s32 @!p2 $0x0  }
0x1d: {  	s5 =	simm.s32 @p1 $0x1;
	p0 =	seq.s32 s7, s2  }
0x1e: {  	s7 =	smul.u32 @!p0 $0xF7A, s2;
	p2 =	seq.s32 @!p0 s5, $0x0  }
0x1f: {  	s9 =	smul.u32 $0xF7A, s1;
	s8 =	simm.s32 @!p0 $0x1BF5;
	p2 =	por !p2, p0  }
0x20: {  	[sflag:s8] =	ssyncset.s32 @!p0 $0xFFFFF086;
	s6 =	sadd.s32 @!p0 s3, s7;
	s7 =	simm.s32 @!p0 $0x108  }
0x21: {  	s3 =	sadd.s32 s3, s9;
	s6 =	sadd.s32 @!p0 $0x88, s6;
	s7 =	simm.s32 @p2 $0x1082  }
0x22: {  	[simem:s7], [sflag:s8] =	dma.local @!p0 [hbm:s6], $0xF7A  }
0x23: {  	s9 =	sor.u32 $0xD0000000, s2;
	s6 =	simm.s32 $0x108;
	_ =	swait.ge @!p0 [sflag:s8], $0x0  }
0x24: {  	s3 =	sadd.s32 $0x88, s3;
	s6 =	simm.s32 @!p1 $0x1082;
	[sflag:s4] =	ssyncset.s32 $0xFFFFF086  }
0x25: {  	[simem:s6], [sflag:s4] =	dma.local [hbm:s3], $0xF7A  }
0x26: {  	[smem:$0x3F9F] =	sst s1;
	(tag) =	ssettag s2;
	_ =	strace s9  }
0x27: {  	s1 =	sld [smem:$0x3FAF]  }
0x28: {  	s2 =	sld [smem:$0x3FB0]  }
0x29: {  	s4 =	sld [smem:$0x3FB2]  }
0x2a: {  	p0 =	seq.s32 s5, $0x0;
	s5 =	sld [smem:$0x3FB3]  }
0x2b: {  	s6 =	sld [smem:$0x3FB4]  }
0x2c: {  	s7 =	sld [smem:$0x3FB5]  }
0x2d: {  	s3 =	simm.s32 $0x108;
	s8 =	sld [smem:$0x3FB6]  }
0x2e: {  	s3 =	simm.s32 @!p0 $0x1082;
	s9 =	sld [smem:$0x3FB7]  }
0x2f: {  	lr =	sadd.s32 s0, s3;
	s0 =	sld [smem:$0x3FAE]  }
0x30: {  	s3 =	sld [smem:$0x3FB1]  }
0x31: {  	[smem:$0x3FBA] =	sst s10  }
0x32: {  	s10 =	sld [smem:$0x3FB8];
	_ =	sdelay $0x3  }
0x33: {  	p0 =	seq.s32 s10, $0x1;
	s10 =	sld [smem:$0x3FBA];
	_ =	sdelay $0x3  }
0x34: {  	[smem:$0x3FBA] =	sst s10  }
0x35: {  	s10 =	sld [smem:$0x3FB9];
	_ =	sdelay $0x3  }
0x36: {  	p1 =	seq.s32 s10, $0x1;
	s10 =	sld [smem:$0x3FBA];
	_ =	sdelay $0x3  }
0x37: {  	[smem:$0x3FBA] =	sst s10  }
0x38: {  	s10 =	sld [smem:$0x3FBB]  }
0x39: {  	_ = 	snop;
	(pc) =	sbr.ind lr, $3  }
0x3a: {  	_ = 	snop  }
0x3b: {  	_ = 	snop  }
0x3c: {  	p2 =	seq.s32 s10, $0x1;
	s10 =	sld [smem:$0x3FBA]  }
0x3d: {  	_ =	shalt  }
0x3e: {  	_ =	shalt  }
0x3f: {  	_ =	shalt  }
0x40: {  	_ =	shalt  }
0x41: {  	_ =	shalt  }
0x42: {  	_ =	shalt  }
0x43: {  	_ =	shalt  }
0x44: {  	_ =	shalt  }
0x45: {  	_ =	shalt  }
0x46: {  	_ =	shalt  }
0x47: {  	_ =	shalt  }
0x48: {  	_ =	shalt  }
0x49: {  	_ =	shalt  }
0x4a: {  	_ =	shalt  }
0x4b: {  	_ =	shalt  }
0x4c: {  	_ =	shalt  }
0x4d: {  	_ =	shalt  }
0x4e: {  	_ =	shalt  }
0x4f: {  	_ =	shalt  }
0x50: {  	_ =	shalt  }
0x51: {  	_ =	shalt  }
0x52: {  	_ =	shalt  }
0x53: {  	_ =	shalt  }
0x54: {  	_ =	shalt  }
0x55: {  	_ =	shalt  }
0x56: {  	_ =	shalt  }
0x57: {  	_ =	shalt  }
0x58: {  	_ =	shalt  }
0x59: {  	_ =	shalt  }
0x5a: {  	_ =	shalt  }
0x5b: {  	_ =	shalt  }
0x5c: {  	_ =	shalt  }
0x5d: {  	_ =	shalt  }
0x5e: {  	_ =	shalt  }
0x5f: {  	_ =	shalt  }
0x60: {  	_ =	shalt  }
0x61: {  	_ =	shalt  }
0x62: {  	_ =	shalt  }
0x63: {  	_ =	shalt  }
0x64: {  	_ =	shalt  }
0x65: {  	_ =	shalt  }
0x66: {  	_ =	shalt  }
0x67: {  	_ =	shalt  }
0x68: {  	_ =	shalt  }
0x69: {  	_ =	shalt  }
0x6a: {  	_ =	shalt  }
0x6b: {  	_ =	shalt  }
0x6c: {  	_ =	shalt  }
0x6d: {  	_ =	shalt  }
0x6e: {  	_ =	shalt  }
0x6f: {  	_ =	shalt  }
0x70: {  	_ =	shalt  }
0x71: {  	_ =	shalt  }
0x72: {  	_ =	shalt  }
0x73: {  	_ =	shalt  }
0x74: {  	_ =	shalt  }
0x75: {  	_ =	shalt  }
0x76: {  	_ =	shalt  }
0x77: {  	_ =	shalt  }
0x78: {  	_ =	shalt  }
0x79: {  	_ =	shalt  }
0x7a: {  	_ =	shalt  }
0x7b: {  	_ =	shalt  }
0x7c: {  	_ =	shalt  }
0x7d: {  	_ =	shalt  }
0x7e: {  	_ =	shalt  }
0x7f: {  	_ =	shalt  }
0x80: {  	_ =	shalt  }
0x81: {  	_ =	shalt  }
0x82: {  	_ =	shalt  }
0x83: {  	_ =	shalt  }
0x84: {  	_ =	shalt  }
0x85: {  	_ =	shalt  }
0x86: {  	_ =	shalt  }
0x87: {  	_ =	shalt  }
.Lfunc_end0:
.L_simem_size_0:
called_computation_lowered:
.L_overlay_start_0:
0x88: {  	s2 =	sld [smem:$0x3FD9]  }
0x89: {  	s3 =	sld [smem:$0x3FFE];
	_ =	sdelay $0x1  }
0x8a: {  	s1 =	srdreg.scid  }
0x8b: {  	s0 =	sand.u32 $0x1, s1  }
0x8c: {  	s14 =	sshll.u32 s0, $0xA;
	s2 =	sadd.s32 s3, s2  }
0x8d: {  	s2 =	sadd.s32 s2, s14  }
0x8e: {  	[smem:$0x3FC6] =	sst s2  }
0x8f: {  	_ = 	snop  }
0x90: {  	s2 =	sld [smem:$0x3FD0];
	_ =	sdelay $0x1  }
0x91: {  	s15 =	sld [smem:$0x3FC9]  }
0x92: {  	s5 =	simm.s32 $0xA;
	s6 =	simm.s32 $0x10;
	s4 =	sld [smem:$0x3FC8]  }
0x93: {  	[smem:s6], [sflag:s5] =	dma.local [hbm:s2], $0x1  }
0x94: {  	_ =	swait.eq [sflag:s5], $0x1  }
0x95: {  	s16 =	sld [smem:$0x10];
	[sflag:s5] =	ssyncset.done $0x0  }
0x96: {  	s17 =	sld [smem:$0x11];
	[sflag:s5] =	ssyncadd.s32 $0xFFFFFFFF  }
0x97: {  	s18 =	sld [smem:$0x12];
	(tm) =	ssettm $0x1  }
0x98: {  	s7 =	sld [smem:$0x3FFB];
	_ =	sdelay $0x3  }
0x99: {  	_ =	strace s7  }
0x9a: {  	s7 =	sld [smem:$0x3FFC];
	_ =	sdelay $0x3  }
0x9b: {  	_ =	strace s7  }
0x9c: {  	s7 =	sld [smem:$0x3FFD];
	_ =	sdelay $0x3  }
0x9d: {  	_ =	strace s7  }
0x9e: {  	_ =	strace $0x8FFFFFFF  }
0x9f: {  	s19 =	sld [smem:$0x3FDB];
	_ =	sdelay $0x1  }
0xa0: {  	s8 =	simm.s32 $_scs_section_size  }
0xa1: {  	s9 =	simm.s32 $_size__tile_overlayer_lowered;
	s10 =	simm.s32 $_tile_overlayer_lowered  }
0xa2: {  	s22 =	simm.s32 $0x1BFF;
	s21 =	sshll.u32 s10, $0x1;
	s7 =	sadd.s32 s8, s19  }
0xa3: {  	s11 =	simm.s32 $0x0;
	s20 =	sshll.u32 s9, $0x1;
	s9 =	sadd.s32 s21, s7  }
0xa4: {  	[timem:s11], [sflag:s22] =	dma.local [hbm:s9], s20  }
0xa5: {  	_ =	swait.ge [sflag:s22], s20  }
0xa6: {  	s8 =	ssub.s32 $0x0, s20;
	[sflag:s22] =	ssyncset.done $0x0  }
0xa7: {  	[sflag:s22] =	ssyncadd.s32 s8;
	_ =	sdelay $0x1  }
0xa8: {  	s23 =	simm.s32 $0x1B8B  }
0xa9: {  	_ =	swait.ge [sflag:s23], $0x1  }
0xaa: {  	[sflag:s23] =	ssyncset.done $0x0  }
0xab: {  	s25 =	simm.s32 $0x1B8E;
	s24 =	sld [smem:$0x3FFE];
	[sflag:s23] =	ssyncadd.s32 $0xFFFFFFFF  }
0xac: {  	s26 =	simm.s32 $execute0_lowered;
	[smem:$0x3FD2] =	sst s25  }
0xad: {  	s9 =	sshll.u32 s26, $0x1;
	_ =	strace $0x80000046;
	[dreg:$0x1] =	wrdreg $0xFFFFFFFF  }
0xae: {  	s28 =	simm.s32 $_size_execute0_lowered;
	s7 =	sadd.s32 s7, s9;
	[dreg:$0x0] =	wrdreg $0x0  }
0xaf: {  	s9 =	sshll.u32 s28, $0x1;
	[dreg:$0x2] =	wrdreg s7  }
0xb0: {  	[dreg:$0x3] =	wrdreg s9  }
0xb1: {  	[dreg:$0x4] =	wrdreg $0xC0  }
0xb2: {  	_ =	task [dreg:s11], $0x5FFFF  }
0xb3: {  	[dreg:$0x1] =	wrdreg $0xFFFFFFFF  }
0xb4: {  	[dreg:$0x0] =	wrdreg $0x60  }
0xb5: {  	[dreg:$0x2] =	wrdreg s15  }
0xb6: {  	[dreg:$0x3] =	wrdreg s4  }
0xb7: {  	[dreg:$0x4] =	wrdreg s24  }
0xb8: {  	[dreg:$0x5] =	wrdreg s18  }
0xb9: {  	[dreg:$0x6] =	wrdreg s17  }
0xba: {  	[dreg:$0x7] =	wrdreg s16  }
0xbb: {  	[dreg:$0x8] =	wrdreg $0x9  }
0xbc: {  	_ =	task.clear_ibuf [dreg:s11], $0x9FFFF;
	_ =	strace $0x90000046  }
0xbd: {  	s29 =	simm.s32 $0x9;
	_ =	strace $0x80000048  }
0xbe: {  	_ =	swait.ge [sflag:s29], $0x1  }
0xbf: {  	[sflag:s29] =	ssyncadd.s32 $0xFFFFFFFF  }
0xc0: {  	_ =	strace $0x90000048  }
0xc1: {  	_ =	sfence  }
0xc2: {  	s30 =	sld [smem:$0x0];
	_ =	sdelay $0x2  }
0xc3: {  	s31 =	sshll.u32 s1, $0xD;
	s1 =	sshrl.u32 s1, $0x2  }
0xc4: {  	s3 =	sand.u32 $0x4000, s31;
	s1 =	sadd.s32 s1, s30  }
0xc5: {  	s0 =	sor.u32 s3, s0;
	s1 =	sshll.u32 s1, $0x11  }
0xc6: {  	s0 =	sor.u32 s1, s0  }
0xc7: {  	s0 =	sadd.s32 $0x8F2B, s0  }
0xc8: {  	[sflag:s0] =	ssyncadd.remote.s32 $0x1  }
0xc9: {  	_ =	sfence.sel $0xFFFF  }
0xca: {  	[dreg:$0x0] =	wrdreg $0xFFFFFFFF;
	(pc) =	sbr.abs _section_cstart, $3  }
0xcb: {  	[dreg:$0x1] =	wrdreg $0xFFFFFFFF  }
0xcc: {  	_ =	task.clear_ibuf [dreg:s11], $0x2FFFF;
	_ =	strace $0x9FFFFFFF  }
0xcd: {  	(tm) =	ssettm $0x7FFFFFFF  }
tec
execute0_lowered:
.L_overlay_start_1:
0x0: {  	(tag) =	ssettag $0x1  }
0x1: {  	s4 =	rddreg [dreg:$0x0]  }
0x2: {  	s5 =	rddreg [dreg:$0x1]  }
0x3: {  	s3 =	rddreg [dreg:$0x2]  }
0x4: {  	s1 =	rddreg [dreg:$0x3]  }
0x5: {  	s0 =	rddreg [dreg:$0x4];
	s2 =	srdreg.scid  }
0x6: {  	s7 =	rddreg [dreg:$0x5];
	s9 =	sand.u32 $0x1, s2;
	s2 =	simm.s32 $0x0  }
0x7: {  	s20 =	simm.s32 $0x100;
	[smem:$0x7FF] =	sst s2  }
0x8: {  	s21 =	simm.s32 $0x180;
	_ =	strace $0x80000047;
	[dreg:$0xd] =	wrdreg s20  }
0x9: {  	s22 =	simm.s32 $0x1A200;
	[dreg:$0xe] =	wrdreg s21  }
0xa: {  	s23 =	simm.s32 $0x1C200;
	[dreg:$0xf] =	wrdreg s22  }
0xb: {  	s24 =	simm.s32 $0x8A00;
	[dreg:$0x10] =	wrdreg s23  }
0xc: {  	s8 =	stileid.u32;
	s25 =	simm.s32 $0x9200;
	[dreg:$0x11] =	wrdreg s24  }
0xd: {  	s26 =	simm.s32 $0x9A00;
	s6 =	sshll.u32 s8, $0x1;
	[dreg:$0x12] =	wrdreg s25  }
0xe: {  	s13 =	simm.s32 $0xAA00;
	s14 =	sand.u32 $0x2, s6;
	[dreg:$0x13] =	wrdreg s26  }
0xf: {  	s6 =	sor.u32 s9, s14;
	[dreg:$0x15] =	wrdreg s13;
	s14 =	simm.s32 $0xB200  }
0x10: {  	s20 =	simm.s32 $0xDA00;
	[dreg:$0x16] =	wrdreg s14  }
0x11: {  	s21 =	simm.s32 $0xE200;
	[dreg:$0x1b] =	wrdreg s20  }
0x12: {  	s22 =	simm.s32 $0xEA00;
	[dreg:$0x1c] =	wrdreg s21  }
0x13: {  	s13 =	simm.s32 $0xF200;
	[dreg:$0x1d] =	wrdreg s22  }
0x14: {  	s24 =	simm.s32 $0xFA00;
	[dreg:$0x1e] =	wrdreg s13  }
0x15: {  	s25 =	simm.s32 $0x10A00;
	[dreg:$0x1f] =	wrdreg s24  }
0x16: {  	s26 =	simm.s32 $0x11200;
	[smem:$0x7E3] =	sst s25  }
0x17: {  	[smem:$0x7E4] =	sst s26;
	s13 =	simm.s32 $0x12A00  }
0x18: {  	s20 =	simm.s32 $0x13A00;
	[smem:$0x7E8] =	sst s13  }
0x19: {  	s21 =	simm.s32 $0x14200;
	[smem:$0x7EA] =	sst s20  }
0x1a: {  	s22 =	simm.s32 $0x14A00;
	[smem:$0x7EC] =	sst s21  }
0x1b: {  	s24 =	simm.s32 $0x15A00;
	[smem:$0x7ED] =	sst s22  }
0x1c: {  	s25 =	simm.s32 $0x16200;
	[smem:$0x7EF] =	sst s24  }
0x1d: {  	s26 =	simm.s32 $0x16A00;
	[smem:$0x7F0] =	sst s25  }
0x1e: {  	s8 =	sshrl.u32 s8, $0x1;
	[smem:$0x7F1] =	sst s26;
	s22 =	simm.s32 $0x1E200  }
0x1f: {  	s10 =	sshll.u32 s6, $0x6;
	s24 =	simm.s32 $0x1E400;
	[smem:$0x7F8] =	sst s22  }
0x20: {  	s10 =	sadd.s32 s10, s3;
	s26 =	simm.s32 $0x1E600;
	[smem:$0x7FA] =	sst s24  }
0x21: {  	s3 =	sshll.u32 s8, $0x4;
	s10 =	sadd.s32 $0x800, s10;
	[smem:$0x7FD] =	sst s26  }
0x22: {  	s23 =	sshll.u32 s8, $0x12;
	s11 =	sadd.s32 s4, s3;
	[dreg:$0x7] =	wrdreg s10  }
0x23: {  	s8 =	sshll.u32 s8, $0x10;
	s12 =	sadd.s32 s7, s3;
	[smem:$0x7E1] =	sst s11  }
0x24: {  	s1 =	sadd.s32 s1, s8;
	s8 =	simm.s32 $0x11A00;
	[smem:$0x7E2] =	sst s12  }
0x25: {  	s7 =	sadd.s32 s5, s23;
	s23 =	simm.s32 $0x15200;
	[smem:$0x7E5] =	sst s8  }
0x26: {  	s28 =	simm.s32 $0x4A00;
	s4 =	sshll.u32 s6, $0x9;
	[smem:$0x7EE] =	sst s23  }
0x27: {  	s29 =	simm.s32 $0x5200;
	s15 =	sadd.s32 $0x2000, s11;
	[smem:$0x7FB] =	sst s4  }
0x28: {  	s30 =	simm.s32 $0x5A00;
	s16 =	sadd.s32 $0x4000, s11;
	[dreg:$0x8] =	wrdreg s15  }
0x29: {  	s31 =	simm.s32 $0x6A00;
	s17 =	sadd.s32 s4, s12;
	[dreg:$0x9] =	wrdreg s16  }
0x2a: {  	s9 =	ssub.s32 $0x2, s9;
	s14 =	sor.u32 $0x180, s4;
	[dreg:$0xa] =	wrdreg s17  }
0x2b: {  	s10 =	sor.u32 $0x80, s4;
	s8 =	simm.s32 $0x17200;
	[smem:$0x7E7] =	sst s14  }
0x2c: {  	s11 =	sor.u32 $0x100, s4;
	s18 =	sadd.s32 s10, s12;
	[smem:$0x7F2] =	sst s8  }
0x2d: {  	s13 =	simm.s32 $0x18200;
	s19 =	sadd.s32 s11, s12;
	[dreg:$0xb] =	wrdreg s18  }
0x2e: {  	s6 =	sshll.u32 s6, $0xE;
	s12 =	simm.s32 $0xA200;
	[dreg:$0xc] =	wrdreg s19  }
0x2f: {  	s22 =	simm.s32 $0x2200;
	s15 =	simm.s32 $0xBA00;
	[dreg:$0x14] =	wrdreg s12  }
0x30: {  	s24 =	simm.s32 $0x3200;
	s16 =	simm.s32 $0xC200;
	[dreg:$0x17] =	wrdreg s15  }
0x31: {  	s26 =	simm.s32 $0x4200;
	s17 =	simm.s32 $0xCA00;
	[dreg:$0x18] =	wrdreg s16  }
0x32: {  	[dreg:$0x19] =	wrdreg s17;
	s18 =	simm.s32 $0xD200;
	s19 =	sshrl.u32 s9, $0x1  }
0x33: {  	s15 =	sshll.u32 s10, $0x5;
	s12 =	simm.s32 $0x12200;
	s16 =	sshll.u32 s11, $0x5  }
0x34: {  	s17 =	simm.s32 $0x13200;
	s11 =	simm.s32 $0x80;
	[dreg:$0x1a] =	wrdreg s18  }
0x35: {  	s10 =	simm.s32 $0x17A00;
	s9 =	ssub.s32 s9, s19;
	[smem:$0x7E6] =	sst s12  }
0x36: {  	s19 =	sshll.u32 s14, $0x5;
	s18 =	sadd.s32 s0, s3;
	[smem:$0x7E9] =	sst s17  }
0x37: {  	s12 =	simm.s32 $0x400;
	s14 =	simm.s32 $0x200;
	[smem:$0x7F3] =	sst s10  }
0x38: {  	s17 =	sadd.s32 s6, s1;
	s20 =	sadd.s32 s16, s1;
	s0 =	simm.s32 $0x1  }
0x39: {  	s6 =	simm.s32 $0x5;
	s16 =	simm.s32 $0x6;
	[smem:$0x7EB] =	sst s18  }
0x3a: {  	s10 =	simm.s32 $0x8200;
	s3 =	sadd.s32 $0x800, s18;
	[smem:$0x7F4] =	sst s17  }
0x3b: {  	s5 =	sadd.s32 $0x1000, s18;
	s18 =	sadd.s32 s15, s1;
	[smem:$0x7F6] =	sst s20  }
0x3c: {  	s9 =	smax.u32 s9, $0x1;
	s21 =	sadd.s32 s19, s1;
	[smem:$0x7F5] =	sst s18  }
0x3d: {  	s15 =	simm.s32 $0x3;
	[smem:$0x7F7] =	sst s21;
	s23 =	sadd.s32 s4, s3  }
0x3e: {  	v2 =	vlaneseq.u32;
	s25 =	sadd.s32 s4, s5;
	s3 =	simm.s32 $0x4;
	s21 =	simm.s32 $0x1A00  }
0x3f: {  	vm0 =	vmmov $0xffff;
	v1 =	vshrl.u32 v2, $0x3;
	s4 =	simm.s32 $0x7A00;
	s5 =	simm.s32 $0x10200;
	[smem:$0x7F9] =	sst s23  }
0x40: {  	v0 =	vand.u32 $0x7, v2;
	v2 =	vor.u32 $0x8, v2;
	v1 =	vmul.u32 $0x8, v1;
	[smem:$0x7FC] =	sst s25;
	s23 =	simm.s32 $0x2A00;
	s25 =	simm.s32 $0x3A00  }
.LBB2_1:
0x41: {  	s17 =	rddreg [dreg:$0x7];
	s1 =	simm.s32 $0x7  }
0x42: {  	[tilespmem:s2], [sflag:$0x7] =	stream.linear.gather [hbm4b:s17+s2], $0x200, $0x38;
	[tilespmem:$0x1E800] =	vst v63  }
0x43: {  	_ =	swait.ge [sflag:s1], $0x200  }
0x44: {  	s20 =	rddreg [dreg:$0xa]  }
0x45: {  	[sflag:s1] =	ssyncset.done $0x0;
	s8 =	rddreg [dreg:$0xb]  }
0x46: {  	s18 =	rddreg [dreg:$0xc];
	[sflag:s1] =	ssyncadd.s32 $0xFFFFFE00  }
0x47: {  	[hbm4b:s20+s2] =	stream.linear.scatter [tilespmem:s2], [sflag:$0x6], $0x80, $0x38;
	[tilespmem:$0x1E800] =	vst v63  }
0x48: {  	s1 =	sld [smem:$0x7E2]  }
0x49: {  	[hbm4b:s8+s2] =	stream.linear.scatter [tilespmem:s11], [sflag:$0x6], $0x80, $0x38;
	[tilespmem:$0x1E800] =	vst v63  }
0x4a: {  	s8 =	sld [smem:$0x7E7]  }
0x4b: {  	s19 =	rddreg [dreg:$0xd]  }
0x4c: {  	[hbm4b:s18+s2] =	stream.linear.scatter [tilespmem:s19], [sflag:$0x6], $0x80, $0x38;
	[tilespmem:$0x1E800] =	vst v63  }
0x4d: {  	s20 =	rddreg [dreg:$0xe];
	s18 =	sadd.s32 s8, s1  }
0x4e: {  	[hbm4b:s18+s2] =	stream.linear.scatter [tilespmem:s20], [sflag:$0x6], $0x80, $0x38;
	[tilespmem:$0x1E800] =	vst v63  }
0x4f: {  	s18 =	sld [smem:$0x7E1]  }
0x50: {  	s19 =	rddreg [dreg:$0x8]  }
0x51: {  	s1 =	rddreg [dreg:$0xf]  }
0x52: {  	[tilespmem:s13], [sflag:$0x5] =	stream.strided.gather [hbm4b:s18+s11], $0x2000, s12, s11, $0x38;
	[tilespmem:$0x1E800] =	vst v63  }
0x53: {  	s8 =	rddreg [dreg:$0x9]  }
0x54: {  	[tilespmem:s1], [sflag:$0x5] =	stream.strided.gather [hbm4b:s19+s11], $0x2000, s12, s11, $0x38;
	[tilespmem:$0x1E800] =	vst v63  }
0x55: {  	s20 =	rddreg [dreg:$0x10]  }
0x56: {  	[tilespmem:s20], [sflag:$0x5] =	stream.strided.gather [hbm4b:s8+s11], $0x2000, s12, s11, $0x38;
	[tilespmem:$0x1E800] =	vst v63  }
0x57: {  	v3 =	vld [tilespmem:$0x0];
	_ =	sdelay $0x4  }
0x58: {  	v4 =	vshll.u32 v3, $0x1  }
0x59: {  	v3 =	vand.u32 $0x7, v3;
	v4 =	vand.u32 $0xFFFFFFF0, v4  }
0x5a: {  	v3 =	vor.u32 v3, v4  }
0x5b: {  	v4 =	vperm.xlane v3, v0;
	_ =	sdelay $0x1  }
0x5c: {  	v3 =	vperm.xlane v3, v2;
	v4 =	vadd.s32 v1, v4;
	_ =	sdelay $0x1  }
0x5d: {  	v3 =	vadd.s32 v1, v3;
	_ =	sdelay $0x2  }
0x5e: {  	[tilespmem:s14], [sflag:$0x1] =	stream.indirect_vreg.gather [hbm4b:s7+s2], $0x80, v4, vm0, $0xb8;
	[tilespmem:$0x1E800] =	vst v63  }
0x5f: {  	s19 =	simm.s32 $0xA00  }
0x60: {  	[tilespmem:s19], [sflag:$0x1] =	stream.indirect_vreg.gather [hbm4b:s7+s2], $0x80, v3, vm0, $0xb8;
	[tilespmem:$0x1E800] =	vst v63  }
0x61: {  	v3 =	vld [tilespmem:$0x10];
	_ =	sdelay $0x4  }
0x62: {  	v54 =	vshll.u32 v3, $0x1  }
0x63: {  	v3 =	vand.u32 $0x7, v3;
	v4 =	vand.u32 $0xFFFFFFF0, v54  }
0x64: {  	v3 =	vor.u32 v3, v4  }
0x65: {  	v4 =	vperm.xlane v3, v0;
	_ =	sdelay $0x1  }
0x66: {  	v3 =	vperm.xlane v3, v2;
	v4 =	vadd.s32 v1, v4;
	_ =	sdelay $0x1  }
0x67: {  	v3 =	vadd.s32 v1, v3;
	_ =	sdelay $0x1  }
0x68: {  	s20 =	simm.s32 $0x1200  }
0x69: {  	[tilespmem:s20], [sflag:$0x1] =	stream.indirect_vreg.gather [hbm4b:s7+s2], $0x80, v4, vm0, $0xb8;
	[tilespmem:$0x1E800] =	vst v63  }
0x6a: {  	_ = 	snop  }
0x6b: {  	[tilespmem:s21], [sflag:$0x1] =	stream.indirect_vreg.gather [hbm4b:s7+s2], $0x80, v3, vm0, $0xb8;
	[tilespmem:$0x1E800] =	vst v63  }
0x6c: {  	v3 =	vld [tilespmem:$0x20];
	_ =	sdelay $0x4  }
0x6d: {  	v55 =	vshll.u32 v3, $0x1  }
0x6e: {  	v3 =	vand.u32 $0x7, v3;
	v4 =	vand.u32 $0xFFFFFFF0, v55  }
0x6f: {  	v3 =	vor.u32 v3, v4  }
0x70: {  	v4 =	vperm.xlane v3, v0;
	_ =	sdelay $0x1  }
0x71: {  	v3 =	vperm.xlane v3, v2;
	v4 =	vadd.s32 v1, v4;
	_ =	sdelay $0x1  }
0x72: {  	v3 =	vadd.s32 v1, v3;
	_ =	sdelay $0x2  }
0x73: {  	[tilespmem:s22], [sflag:$0x1] =	stream.indirect_vreg.gather [hbm4b:s7+s2], $0x80, v4, vm0, $0xb8;
	[tilespmem:$0x1E800] =	vst v63  }
0x74: {  	_ = 	snop  }
0x75: {  	[tilespmem:s23], [sflag:$0x1] =	stream.indirect_vreg.gather [hbm4b:s7+s2], $0x80, v3, vm0, $0xb8;
	[tilespmem:$0x1E800] =	vst v63  }
0x76: {  	v3 =	vld [tilespmem:$0x30];
	_ =	sdelay $0x4  }
0x77: {  	v56 =	vshll.u32 v3, $0x1  }
0x78: {  	v3 =	vand.u32 $0x7, v3;
	v4 =	vand.u32 $0xFFFFFFF0, v56  }
0x79: {  	v3 =	vor.u32 v3, v4  }
0x7a: {  	v4 =	vperm.xlane v3, v0;
	_ =	sdelay $0x1  }
0x7b: {  	v3 =	vperm.xlane v3, v2;
	v4 =	vadd.s32 v1, v4;
	_ =	sdelay $0x1  }
0x7c: {  	v3 =	vadd.s32 v1, v3;
	_ =	sdelay $0x2  }
0x7d: {  	[tilespmem:s24], [sflag:$0x1] =	stream.indirect_vreg.gather [hbm4b:s7+s2], $0x80, v4, vm0, $0xb8;
	[tilespmem:$0x1E800] =	vst v63  }
0x7e: {  	_ = 	snop  }
0x7f: {  	[tilespmem:s25], [sflag:$0x1] =	stream.indirect_vreg.gather [hbm4b:s7+s2], $0x80, v3, vm0, $0xb8;
	[tilespmem:$0x1E800] =	vst v63  }
0x80: {  	v3 =	vld [tilespmem:$0x40];
	_ =	sdelay $0x4  }
0x81: {  	v57 =	vshll.u32 v3, $0x1  }
0x82: {  	v3 =	vand.u32 $0x7, v3;
	v4 =	vand.u32 $0xFFFFFFF0, v57  }
0x83: {  	v3 =	vor.u32 v3, v4  }
0x84: {  	v4 =	vperm.xlane v3, v0;
	_ =	sdelay $0x1  }
0x85: {  	v3 =	vperm.xlane v3, v2;
	v4 =	vadd.s32 v1, v4;
	_ =	sdelay $0x1  }
0x86: {  	v3 =	vadd.s32 v1, v3;
	_ =	sdelay $0x2  }
0x87: {  	[tilespmem:s26], [sflag:$0x1] =	stream.indirect_vreg.gather [hbm4b:s7+s2], $0x80, v4, vm0, $0xb8;
	[tilespmem:$0x1E800] =	vst v63  }
0x88: {  	_ = 	snop  }
0x89: {  	[tilespmem:s28], [sflag:$0x1] =	stream.indirect_vreg.gather [hbm4b:s7+s2], $0x80, v3, vm0, $0xb8;
	[tilespmem:$0x1E800] =	vst v63  }
0x8a: {  	v3 =	vld [tilespmem:$0x50];
	_ =	sdelay $0x4  }
0x8b: {  	v58 =	vshll.u32 v3, $0x1  }
0x8c: {  	v3 =	vand.u32 $0x7, v3;
	v4 =	vand.u32 $0xFFFFFFF0, v58  }
0x8d: {  	v3 =	vor.u32 v3, v4  }
0x8e: {  	v4 =	vperm.xlane v3, v0;
	_ =	sdelay $0x1  }
0x8f: {  	v3 =	vperm.xlane v3, v2;
	v4 =	vadd.s32 v1, v4;
	_ =	sdelay $0x1  }
0x90: {  	v3 =	vadd.s32 v1, v3;
	_ =	sdelay $0x2  }
0x91: {  	[tilespmem:s29], [sflag:$0x1] =	stream.indirect_vreg.gather [hbm4b:s7+s2], $0x80, v4, vm0, $0xb8;
	[tilespmem:$0x1E800] =	vst v63  }
0x92: {  	_ = 	snop  }
0x93: {  	[tilespmem:s30], [sflag:$0x1] =	stream.indirect_vreg.gather [hbm4b:s7+s2], $0x80, v3, vm0, $0xb8;
	[tilespmem:$0x1E800] =	vst v63  }
0x94: {  	v3 =	vld [tilespmem:$0x60];
	_ =	sdelay $0x4  }
0x95: {  	v59 =	vshll.u32 v3, $0x1  }
0x96: {  	v3 =	vand.u32 $0x7, v3;
	v4 =	vand.u32 $0xFFFFFFF0, v59  }
0x97: {  	v3 =	vor.u32 v3, v4  }
0x98: {  	v4 =	vperm.xlane v3, v0;
	_ =	sdelay $0x1  }
0x99: {  	v3 =	vperm.xlane v3, v2;
	v4 =	vadd.s32 v1, v4;
	_ =	sdelay $0x1  }
0x9a: {  	v3 =	vadd.s32 v1, v3;
	_ =	sdelay $0x1  }
0x9b: {  	s8 =	simm.s32 $0x6200  }
0x9c: {  	[tilespmem:s8], [sflag:$0x1] =	stream.indirect_vreg.gather [hbm4b:s7+s2], $0x80, v4, vm0, $0xb8;
	[tilespmem:$0x1E800] =	vst v63  }
0x9d: {  	_ = 	snop  }
0x9e: {  	[tilespmem:s31], [sflag:$0x1] =	stream.indirect_vreg.gather [hbm4b:s7+s2], $0x80, v3, vm0, $0xb8;
	[tilespmem:$0x1E800] =	vst v63  }
0x9f: {  	v3 =	vld [tilespmem:$0x70];
	_ =	sdelay $0x4  }
0xa0: {  	v60 =	vshll.u32 v3, $0x1  }
0xa1: {  	v3 =	vand.u32 $0x7, v3;
	v4 =	vand.u32 $0xFFFFFFF0, v60  }
0xa2: {  	v3 =	vor.u32 v3, v4  }
0xa3: {  	v4 =	vperm.xlane v3, v0;
	_ =	sdelay $0x1  }
0xa4: {  	v3 =	vperm.xlane v3, v2;
	v4 =	vadd.s32 v1, v4;
	_ =	sdelay $0x1  }
0xa5: {  	v3 =	vadd.s32 v1, v3;
	_ =	sdelay $0x1  }
0xa6: {  	s1 =	simm.s32 $0x7200  }
0xa7: {  	[tilespmem:s1], [sflag:$0x1] =	stream.indirect_vreg.gather [hbm4b:s7+s2], $0x80, v4, vm0, $0xb8;
	[tilespmem:$0x1E800] =	vst v63  }
0xa8: {  	_ = 	snop  }
0xa9: {  	[tilespmem:s4], [sflag:$0x1] =	stream.indirect_vreg.gather [hbm4b:s7+s2], $0x80, v3, vm0, $0xb8;
	[tilespmem:$0x1E800] =	vst v63  }
0xaa: {  	v3 =	vld [tilespmem:$0x80];
	_ =	sdelay $0x4  }
0xab: {  	v61 =	vshll.u32 v3, $0x1  }
0xac: {  	v3 =	vand.u32 $0x7, v3;
	v4 =	vand.u32 $0xFFFFFFF0, v61  }
0xad: {  	v3 =	vor.u32 v3, v4  }
0xae: {  	v4 =	vperm.xlane v3, v0;
	_ =	sdelay $0x1  }
0xaf: {  	v3 =	vperm.xlane v3, v2;
	v4 =	vadd.s32 v1, v4;
	_ =	sdelay $0x1  }
0xb0: {  	v3 =	vadd.s32 v1, v3;
	_ =	sdelay $0x2  }
0xb1: {  	[tilespmem:s10], [sflag:$0x2] =	stream.indirect_vreg.gather [hbm4b:s7+s2], $0x80, v4, vm0, $0xb8;
	[tilespmem:$0x1E800] =	vst v63  }
0xb2: {  	s18 =	rddreg [dreg:$0x11]  }
0xb3: {  	[tilespmem:s18], [sflag:$0x2] =	stream.indirect_vreg.gather [hbm4b:s7+s2], $0x80, v3, vm0, $0xb8;
	[tilespmem:$0x1E800] =	vst v63  }
0xb4: {  	v3 =	vld [tilespmem:$0x90];
	_ =	sdelay $0x4  }
0xb5: {  	v62 =	vshll.u32 v3, $0x1  }
0xb6: {  	v3 =	vand.u32 $0x7, v3;
	v4 =	vand.u32 $0xFFFFFFF0, v62  }
0xb7: {  	v3 =	vor.u32 v3, v4  }
0xb8: {  	v4 =	vperm.xlane v3, v0;
	_ =	sdelay $0x1  }
0xb9: {  	v3 =	vperm.xlane v3, v2;
	v4 =	vadd.s32 v1, v4;
	_ =	sdelay $0x1  }
0xba: {  	v3 =	vadd.s32 v1, v3;
	_ =	sdelay $0x1  }
0xbb: {  	s17 =	rddreg [dreg:$0x12]  }
0xbc: {  	[tilespmem:s17], [sflag:$0x2] =	stream.indirect_vreg.gather [hbm4b:s7+s2], $0x80, v4, vm0, $0xb8;
	[tilespmem:$0x1E800] =	vst v63  }
0xbd: {  	s18 =	rddreg [dreg:$0x13]  }
0xbe: {  	[tilespmem:s18], [sflag:$0x2] =	stream.indirect_vreg.gather [hbm4b:s7+s2], $0x80, v3, vm0, $0xb8;
	[tilespmem:$0x1E800] =	vst v63  }
0xbf: {  	v3 =	vld [tilespmem:$0xA0];
	_ =	sdelay $0x4  }
0xc0: {  	v63 =	vshll.u32 v3, $0x1  }
0xc1: {  	v3 =	vand.u32 $0x7, v3;
	v4 =	vand.u32 $0xFFFFFFF0, v63  }
0xc2: {  	v3 =	vor.u32 v3, v4  }
0xc3: {  	v4 =	vperm.xlane v3, v0;
	_ =	sdelay $0x1  }
0xc4: {  	v3 =	vperm.xlane v3, v2;
	v4 =	vadd.s32 v1, v4;
	_ =	sdelay $0x1  }
0xc5: {  	v3 =	vadd.s32 v1, v3;
	_ =	sdelay $0x1  }
0xc6: {  	s17 =	rddreg [dreg:$0x14]  }
0xc7: {  	[tilespmem:s17], [sflag:$0x2] =	stream.indirect_vreg.gather [hbm4b:s7+s2], $0x80, v4, vm0, $0xb8;
	[tilespmem:$0x1E800] =	vst v63  }
0xc8: {  	s18 =	rddreg [dreg:$0x15]  }
0xc9: {  	[tilespmem:s18], [sflag:$0x2] =	stream.indirect_vreg.gather [hbm4b:s7+s2], $0x80, v3, vm0, $0xb8;
	[tilespmem:$0x1E800] =	vst v63  }
0xca: {  	v3 =	vld [tilespmem:$0xB0];
	_ =	sdelay $0x4  }
0xcb: {  	v8 =	vshll.u32 v3, $0x1  }
0xcc: {  	v3 =	vand.u32 $0x7, v3;
	v4 =	vand.u32 $0xFFFFFFF0, v8  }
0xcd: {  	v3 =	vor.u32 v3, v4  }
0xce: {  	v4 =	vperm.xlane v3, v0;
	_ =	sdelay $0x1  }
0xcf: {  	v3 =	vperm.xlane v3, v2;
	v4 =	vadd.s32 v1, v4;
	_ =	sdelay $0x1  }
0xd0: {  	v3 =	vadd.s32 v1, v3;
	_ =	sdelay $0x1  }
0xd1: {  	s17 =	rddreg [dreg:$0x16]  }
0xd2: {  	[tilespmem:s17], [sflag:$0x2] =	stream.indirect_vreg.gather [hbm4b:s7+s2], $0x80, v4, vm0, $0xb8;
	[tilespmem:$0x1E800] =	vst v63  }
0xd3: {  	s18 =	rddreg [dreg:$0x17]  }
0xd4: {  	[tilespmem:s18], [sflag:$0x2] =	stream.indirect_vreg.gather [hbm4b:s7+s2], $0x80, v3, vm0, $0xb8;
	[tilespmem:$0x1E800] =	vst v63  }
0xd5: {  	v3 =	vld [tilespmem:$0xC0];
	_ =	sdelay $0x4  }
0xd6: {  	v9 =	vshll.u32 v3, $0x1  }
0xd7: {  	v3 =	vand.u32 $0x7, v3;
	v4 =	vand.u32 $0xFFFFFFF0, v9  }
0xd8: {  	v3 =	vor.u32 v3, v4  }
0xd9: {  	v4 =	vperm.xlane v3, v0;
	_ =	sdelay $0x1  }
0xda: {  	v3 =	vperm.xlane v3, v2;
	v4 =	vadd.s32 v1, v4;
	_ =	sdelay $0x1  }
0xdb: {  	v3 =	vadd.s32 v1, v3;
	_ =	sdelay $0x1  }
0xdc: {  	s17 =	rddreg [dreg:$0x18]  }
0xdd: {  	[tilespmem:s17], [sflag:$0x2] =	stream.indirect_vreg.gather [hbm4b:s7+s2], $0x80, v4, vm0, $0xb8;
	[tilespmem:$0x1E800] =	vst v63  }
0xde: {  	s18 =	rddreg [dreg:$0x19]  }
0xdf: {  	[tilespmem:s18], [sflag:$0x2] =	stream.indirect_vreg.gather [hbm4b:s7+s2], $0x80, v3, vm0, $0xb8;
	[tilespmem:$0x1E800] =	vst v63  }
0xe0: {  	v3 =	vld [tilespmem:$0xD0];
	_ =	sdelay $0x4  }
0xe1: {  	v10 =	vshll.u32 v3, $0x1  }
0xe2: {  	v3 =	vand.u32 $0x7, v3;
	v4 =	vand.u32 $0xFFFFFFF0, v10  }
0xe3: {  	v3 =	vor.u32 v3, v4  }
0xe4: {  	v4 =	vperm.xlane v3, v0;
	_ =	sdelay $0x1  }
0xe5: {  	v3 =	vperm.xlane v3, v2;
	v4 =	vadd.s32 v1, v4;
	_ =	sdelay $0x1  }
0xe6: {  	v3 =	vadd.s32 v1, v3;
	_ =	sdelay $0x1  }
0xe7: {  	s17 =	rddreg [dreg:$0x1a]  }
0xe8: {  	[tilespmem:s17], [sflag:$0x2] =	stream.indirect_vreg.gather [hbm4b:s7+s2], $0x80, v4, vm0, $0xb8;
	[tilespmem:$0x1E800] =	vst v63  }
0xe9: {  	s18 =	rddreg [dreg:$0x1b]  }
0xea: {  	[tilespmem:s18], [sflag:$0x2] =	stream.indirect_vreg.gather [hbm4b:s7+s2], $0x80, v3, vm0, $0xb8;
	[tilespmem:$0x1E800] =	vst v63  }
0xeb: {  	v3 =	vld [tilespmem:$0xE0];
	_ =	sdelay $0x4  }
0xec: {  	v11 =	vshll.u32 v3, $0x1  }
0xed: {  	v3 =	vand.u32 $0x7, v3;
	v4 =	vand.u32 $0xFFFFFFF0, v11  }
0xee: {  	v3 =	vor.u32 v3, v4  }
0xef: {  	v4 =	vperm.xlane v3, v0;
	_ =	sdelay $0x1  }
0xf0: {  	v3 =	vperm.xlane v3, v2;
	v4 =	vadd.s32 v1, v4;
	_ =	sdelay $0x1  }
0xf1: {  	v3 =	vadd.s32 v1, v3;
	_ =	sdelay $0x1  }
0xf2: {  	s17 =	rddreg [dreg:$0x1c]  }
0xf3: {  	[tilespmem:s17], [sflag:$0x2] =	stream.indirect_vreg.gather [hbm4b:s7+s2], $0x80, v4, vm0, $0xb8;
	[tilespmem:$0x1E800] =	vst v63  }
0xf4: {  	s18 =	rddreg [dreg:$0x1d]  }
0xf5: {  	[tilespmem:s18], [sflag:$0x2] =	stream.indirect_vreg.gather [hbm4b:s7+s2], $0x80, v3, vm0, $0xb8;
	[tilespmem:$0x1E800] =	vst v63  }
0xf6: {  	v3 =	vld [tilespmem:$0xF0];
	_ =	sdelay $0x4  }
0xf7: {  	v12 =	vshll.u32 v3, $0x1  }
0xf8: {  	v3 =	vand.u32 $0x7, v3;
	v4 =	vand.u32 $0xFFFFFFF0, v12  }
0xf9: {  	v3 =	vor.u32 v3, v4  }
0xfa: {  	v4 =	vperm.xlane v3, v0;
	_ =	sdelay $0x1  }
0xfb: {  	v3 =	vperm.xlane v3, v2;
	v4 =	vadd.s32 v1, v4;
	_ =	sdelay $0x1  }
0xfc: {  	v3 =	vadd.s32 v1, v3;
	_ =	sdelay $0x1  }
0xfd: {  	s17 =	rddreg [dreg:$0x1e]  }
0xfe: {  	[tilespmem:s17], [sflag:$0x2] =	stream.indirect_vreg.gather [hbm4b:s7+s2], $0x80, v4, vm0, $0xb8;
	[tilespmem:$0x1E800] =	vst v63  }
0xff: {  	s18 =	rddreg [dreg:$0x1f]  }
0x100: {  	[tilespmem:s18], [sflag:$0x2] =	stream.indirect_vreg.gather [hbm4b:s7+s2], $0x80, v3, vm0, $0xb8;
	[tilespmem:$0x1E800] =	vst v63  }
0x101: {  	v3 =	vld [tilespmem:$0x100];
	_ =	sdelay $0x4  }
0x102: {  	v13 =	vshll.u32 v3, $0x1  }
0x103: {  	v3 =	vand.u32 $0x7, v3;
	v4 =	vand.u32 $0xFFFFFFF0, v13  }
0x104: {  	v3 =	vor.u32 v3, v4  }
0x105: {  	v4 =	vperm.xlane v3, v0;
	_ =	sdelay $0x1  }
0x106: {  	v3 =	vperm.xlane v3, v2;
	v4 =	vadd.s32 v1, v4;
	_ =	sdelay $0x1  }
0x107: {  	v3 =	vadd.s32 v1, v3;
	_ =	sdelay $0x1  }
0x108: {  	s18 =	sld [smem:$0x7E3]  }
0x109: {  	[tilespmem:s5], [sflag:$0x3] =	stream.indirect_vreg.gather [hbm4b:s7+s2], $0x80, v4, vm0, $0xb8;
	[tilespmem:$0x1E800] =	vst v63  }
0x10a: {  	_ = 	snop  }
0x10b: {  	[tilespmem:s18], [sflag:$0x3] =	stream.indirect_vreg.gather [hbm4b:s7+s2], $0x80, v3, vm0, $0xb8;
	[tilespmem:$0x1E800] =	vst v63  }
0x10c: {  	v3 =	vld [tilespmem:$0x110];
	_ =	sdelay $0x4  }
0x10d: {  	v14 =	vshll.u32 v3, $0x1  }
0x10e: {  	v3 =	vand.u32 $0x7, v3;
	v4 =	vand.u32 $0xFFFFFFF0, v14  }
0x10f: {  	v3 =	vor.u32 v3, v4  }
0x110: {  	v4 =	vperm.xlane v3, v0;
	_ =	sdelay $0x1  }
0x111: {  	v3 =	vperm.xlane v3, v2;
	v4 =	vadd.s32 v1, v4;
	_ =	sdelay $0x1  }
0x112: {  	s17 =	sld [smem:$0x7E4];
	v3 =	vadd.s32 v1, v3;
	_ =	sdelay $0x1  }
0x113: {  	s18 =	sld [smem:$0x7E5]  }
0x114: {  	[tilespmem:s17], [sflag:$0x3] =	stream.indirect_vreg.gather [hbm4b:s7+s2], $0x80, v4, vm0, $0xb8;
	[tilespmem:$0x1E800] =	vst v63  }
0x115: {  	_ = 	snop  }
0x116: {  	[tilespmem:s18], [sflag:$0x3] =	stream.indirect_vreg.gather [hbm4b:s7+s2], $0x80, v3, vm0, $0xb8;
	[tilespmem:$0x1E800] =	vst v63  }
0x117: {  	v3 =	vld [tilespmem:$0x120];
	_ =	sdelay $0x4  }
0x118: {  	v15 =	vshll.u32 v3, $0x1  }
0x119: {  	v3 =	vand.u32 $0x7, v3;
	v4 =	vand.u32 $0xFFFFFFF0, v15  }
0x11a: {  	v3 =	vor.u32 v3, v4  }
0x11b: {  	v4 =	vperm.xlane v3, v0;
	_ =	sdelay $0x1  }
0x11c: {  	v3 =	vperm.xlane v3, v2;
	v4 =	vadd.s32 v1, v4;
	_ =	sdelay $0x1  }
0x11d: {  	s17 =	sld [smem:$0x7E6];
	v3 =	vadd.s32 v1, v3;
	_ =	sdelay $0x1  }
0x11e: {  	s18 =	sld [smem:$0x7E8]  }
0x11f: {  	[tilespmem:s17], [sflag:$0x3] =	stream.indirect_vreg.gather [hbm4b:s7+s2], $0x80, v4, vm0, $0xb8;
	[tilespmem:$0x1E800] =	vst v63  }
0x120: {  	_ = 	snop  }
0x121: {  	[tilespmem:s18], [sflag:$0x3] =	stream.indirect_vreg.gather [hbm4b:s7+s2], $0x80, v3, vm0, $0xb8;
	[tilespmem:$0x1E800] =	vst v63  }
0x122: {  	v3 =	vld [tilespmem:$0x130];
	_ =	sdelay $0x4  }
0x123: {  	v16 =	vshll.u32 v3, $0x1  }
0x124: {  	v3 =	vand.u32 $0x7, v3;
	v4 =	vand.u32 $0xFFFFFFF0, v16  }
0x125: {  	v3 =	vor.u32 v3, v4  }
0x126: {  	v4 =	vperm.xlane v3, v0;
	_ =	sdelay $0x1  }
0x127: {  	v3 =	vperm.xlane v3, v2;
	v4 =	vadd.s32 v1, v4;
	_ =	sdelay $0x1  }
0x128: {  	s17 =	sld [smem:$0x7E9];
	v3 =	vadd.s32 v1, v3;
	_ =	sdelay $0x1  }
0x129: {  	s18 =	sld [smem:$0x7EA]  }
0x12a: {  	[tilespmem:s17], [sflag:$0x3] =	stream.indirect_vreg.gather [hbm4b:s7+s2], $0x80, v4, vm0, $0xb8;
	[tilespmem:$0x1E800] =	vst v63  }
0x12b: {  	_ = 	snop  }
0x12c: {  	[tilespmem:s18], [sflag:$0x3] =	stream.indirect_vreg.gather [hbm4b:s7+s2], $0x80, v3, vm0, $0xb8;
	[tilespmem:$0x1E800] =	vst v63  }
0x12d: {  	v3 =	vld [tilespmem:$0x140];
	_ =	sdelay $0x4  }
0x12e: {  	v17 =	vshll.u32 v3, $0x1  }
0x12f: {  	v3 =	vand.u32 $0x7, v3;
	v4 =	vand.u32 $0xFFFFFFF0, v17  }
0x130: {  	v3 =	vor.u32 v3, v4  }
0x131: {  	v4 =	vperm.xlane v3, v0;
	_ =	sdelay $0x1  }
0x132: {  	v3 =	vperm.xlane v3, v2;
	v4 =	vadd.s32 v1, v4;
	_ =	sdelay $0x1  }
0x133: {  	s17 =	sld [smem:$0x7EC];
	v3 =	vadd.s32 v1, v3;
	_ =	sdelay $0x1  }
0x134: {  	s18 =	sld [smem:$0x7ED]  }
0x135: {  	[tilespmem:s17], [sflag:$0x3] =	stream.indirect_vreg.gather [hbm4b:s7+s2], $0x80, v4, vm0, $0xb8;
	[tilespmem:$0x1E800] =	vst v63  }
0x136: {  	_ = 	snop  }
0x137: {  	[tilespmem:s18], [sflag:$0x3] =	stream.indirect_vreg.gather [hbm4b:s7+s2], $0x80, v3, vm0, $0xb8;
	[tilespmem:$0x1E800] =	vst v63  }
0x138: {  	v3 =	vld [tilespmem:$0x150];
	_ =	sdelay $0x4  }
0x139: {  	v18 =	vshll.u32 v3, $0x1  }
0x13a: {  	v3 =	vand.u32 $0x7, v3;
	v4 =	vand.u32 $0xFFFFFFF0, v18  }
0x13b: {  	v3 =	vor.u32 v3, v4  }
0x13c: {  	v4 =	vperm.xlane v3, v0;
	_ =	sdelay $0x1  }
0x13d: {  	v3 =	vperm.xlane v3, v2;
	v4 =	vadd.s32 v1, v4;
	_ =	sdelay $0x1  }
0x13e: {  	s17 =	sld [smem:$0x7EE];
	v3 =	vadd.s32 v1, v3;
	_ =	sdelay $0x1  }
0x13f: {  	s18 =	sld [smem:$0x7EF]  }
0x140: {  	[tilespmem:s17], [sflag:$0x3] =	stream.indirect_vreg.gather [hbm4b:s7+s2], $0x80, v4, vm0, $0xb8;
	[tilespmem:$0x1E800] =	vst v63  }
0x141: {  	_ = 	snop  }
0x142: {  	[tilespmem:s18], [sflag:$0x3] =	stream.indirect_vreg.gather [hbm4b:s7+s2], $0x80, v3, vm0, $0xb8;
	[tilespmem:$0x1E800] =	vst v63  }
0x143: {  	v3 =	vld [tilespmem:$0x160];
	_ =	sdelay $0x4  }
0x144: {  	v19 =	vshll.u32 v3, $0x1  }
0x145: {  	v3 =	vand.u32 $0x7, v3;
	v4 =	vand.u32 $0xFFFFFFF0, v19  }
0x146: {  	v3 =	vor.u32 v3, v4  }
0x147: {  	v4 =	vperm.xlane v3, v0;
	_ =	sdelay $0x1  }
0x148: {  	v3 =	vperm.xlane v3, v2;
	v4 =	vadd.s32 v1, v4;
	_ =	sdelay $0x1  }
0x149: {  	s17 =	sld [smem:$0x7F0];
	v3 =	vadd.s32 v1, v3;
	_ =	sdelay $0x1  }
0x14a: {  	s18 =	sld [smem:$0x7F1]  }
0x14b: {  	[tilespmem:s17], [sflag:$0x3] =	stream.indirect_vreg.gather [hbm4b:s7+s2], $0x80, v4, vm0, $0xb8;
	[tilespmem:$0x1E800] =	vst v63  }
0x14c: {  	_ = 	snop  }
0x14d: {  	[tilespmem:s18], [sflag:$0x3] =	stream.indirect_vreg.gather [hbm4b:s7+s2], $0x80, v3, vm0, $0xb8;
	[tilespmem:$0x1E800] =	vst v63  }
0x14e: {  	v3 =	vld [tilespmem:$0x170];
	_ =	sdelay $0x4  }
0x14f: {  	v20 =	vshll.u32 v3, $0x1  }
0x150: {  	v3 =	vand.u32 $0x7, v3;
	v4 =	vand.u32 $0xFFFFFFF0, v20  }
0x151: {  	v3 =	vor.u32 v3, v4  }
0x152: {  	v4 =	vperm.xlane v3, v0;
	_ =	sdelay $0x1  }
0x153: {  	v3 =	vperm.xlane v3, v2;
	v4 =	vadd.s32 v1, v4;
	_ =	sdelay $0x1  }
0x154: {  	s17 =	sld [smem:$0x7F2];
	v3 =	vadd.s32 v1, v3;
	_ =	sdelay $0x1  }
0x155: {  	s18 =	sld [smem:$0x7F3]  }
0x156: {  	[tilespmem:s17], [sflag:$0x3] =	stream.indirect_vreg.gather [hbm4b:s7+s2], $0x80, v4, vm0, $0xb8;
	[tilespmem:$0x1E800] =	vst v63  }
0x157: {  	_ = 	snop  }
0x158: {  	[tilespmem:s18], [sflag:$0x3] =	stream.indirect_vreg.gather [hbm4b:s7+s2], $0x80, v3, vm0, $0xb8;
	[tilespmem:$0x1E800] =	vst v63  }
0x159: {  	_ =	swait.ge [sflag:s0], $0x8000  }
0x15a: {  	s18 =	sld [smem:$0x7F4]  }
0x15b: {  	[sflag:s0] =	ssyncset.done $0x0  }
0x15c: {  	[sflag:s0] =	ssyncadd.s32 $0xFFFF8000  }
0x15d: {  	[hbm4b:s18+s2] =	stream.linear.scatter [tilespmem:s14], [sflag:$0x4], $0x8000, $0x38;
	[tilespmem:$0x1E800] =	vst v63  }
0x15e: {  	_ =	swait.ge [sflag:s3], $0x8000  }
0x15f: {  	[sflag:s3] =	ssyncset.done $0x0  }
0x160: {  	[sflag:s3] =	ssyncadd.s32 $0xFFFF8000  }
0x161: {  	v3 =	vld [tilespmem:$0x180];
	_ =	sdelay $0x4  }
0x162: {  	v21 =	vshll.u32 v3, $0x1  }
0x163: {  	v3 =	vand.u32 $0x7, v3;
	v4 =	vand.u32 $0xFFFFFFF0, v21  }
0x164: {  	v3 =	vor.u32 v3, v4  }
0x165: {  	v4 =	vperm.xlane v3, v0;
	_ =	sdelay $0x1  }
0x166: {  	v3 =	vperm.xlane v3, v2;
	v4 =	vadd.s32 v1, v4;
	_ =	sdelay $0x1  }
0x167: {  	v3 =	vadd.s32 v1, v3;
	_ =	sdelay $0x2  }
0x168: {  	[tilespmem:s14], [sflag:$0x1] =	stream.indirect_vreg.gather [hbm4b:s7+s2], $0x80, v4, vm0, $0xb8;
	[tilespmem:$0x1E800] =	vst v63  }
0x169: {  	_ = 	snop  }
0x16a: {  	[tilespmem:s19], [sflag:$0x1] =	stream.indirect_vreg.gather [hbm4b:s7+s2], $0x80, v3, vm0, $0xb8;
	[tilespmem:$0x1E800] =	vst v63  }
0x16b: {  	v3 =	vld [tilespmem:$0x190];
	_ =	sdelay $0x4  }
0x16c: {  	v22 =	vshll.u32 v3, $0x1  }
0x16d: {  	v3 =	vand.u32 $0x7, v3;
	v4 =	vand.u32 $0xFFFFFFF0, v22  }
0x16e: {  	v3 =	vor.u32 v3, v4  }
0x16f: {  	v4 =	vperm.xlane v3, v0;
	_ =	sdelay $0x1  }
0x170: {  	v3 =	vperm.xlane v3, v2;
	v4 =	vadd.s32 v1, v4;
	_ =	sdelay $0x1  }
0x171: {  	v3 =	vadd.s32 v1, v3;
	_ =	sdelay $0x2  }
0x172: {  	[tilespmem:s20], [sflag:$0x1] =	stream.indirect_vreg.gather [hbm4b:s7+s2], $0x80, v4, vm0, $0xb8;
	[tilespmem:$0x1E800] =	vst v63  }
0x173: {  	_ = 	snop  }
0x174: {  	[tilespmem:s21], [sflag:$0x1] =	stream.indirect_vreg.gather [hbm4b:s7+s2], $0x80, v3, vm0, $0xb8;
	[tilespmem:$0x1E800] =	vst v63  }
0x175: {  	v3 =	vld [tilespmem:$0x1A0];
	_ =	sdelay $0x4  }
0x176: {  	v23 =	vshll.u32 v3, $0x1  }
0x177: {  	v3 =	vand.u32 $0x7, v3;
	v4 =	vand.u32 $0xFFFFFFF0, v23  }
0x178: {  	v3 =	vor.u32 v3, v4  }
0x179: {  	v4 =	vperm.xlane v3, v0;
	_ =	sdelay $0x1  }
0x17a: {  	v3 =	vperm.xlane v3, v2;
	v4 =	vadd.s32 v1, v4;
	_ =	sdelay $0x1  }
0x17b: {  	v3 =	vadd.s32 v1, v3;
	_ =	sdelay $0x2  }
0x17c: {  	[tilespmem:s22], [sflag:$0x1] =	stream.indirect_vreg.gather [hbm4b:s7+s2], $0x80, v4, vm0, $0xb8;
	[tilespmem:$0x1E800] =	vst v63  }
0x17d: {  	_ = 	snop  }
0x17e: {  	[tilespmem:s23], [sflag:$0x1] =	stream.indirect_vreg.gather [hbm4b:s7+s2], $0x80, v3, vm0, $0xb8;
	[tilespmem:$0x1E800] =	vst v63  }
0x17f: {  	v3 =	vld [tilespmem:$0x1B0];
	_ =	sdelay $0x4  }
0x180: {  	v24 =	vshll.u32 v3, $0x1  }
0x181: {  	v3 =	vand.u32 $0x7, v3;
	v4 =	vand.u32 $0xFFFFFFF0, v24  }
0x182: {  	v3 =	vor.u32 v3, v4  }
0x183: {  	v4 =	vperm.xlane v3, v0;
	_ =	sdelay $0x1  }
0x184: {  	v3 =	vperm.xlane v3, v2;
	v4 =	vadd.s32 v1, v4;
	_ =	sdelay $0x1  }
0x185: {  	v3 =	vadd.s32 v1, v3;
	_ =	sdelay $0x2  }
0x186: {  	[tilespmem:s24], [sflag:$0x1] =	stream.indirect_vreg.gather [hbm4b:s7+s2], $0x80, v4, vm0, $0xb8;
	[tilespmem:$0x1E800] =	vst v63  }
0x187: {  	_ = 	snop  }
0x188: {  	[tilespmem:s25], [sflag:$0x1] =	stream.indirect_vreg.gather [hbm4b:s7+s2], $0x80, v3, vm0, $0xb8;
	[tilespmem:$0x1E800] =	vst v63  }
0x189: {  	v3 =	vld [tilespmem:$0x1C0];
	_ =	sdelay $0x4  }
0x18a: {  	v25 =	vshll.u32 v3, $0x1  }
0x18b: {  	v3 =	vand.u32 $0x7, v3;
	v4 =	vand.u32 $0xFFFFFFF0, v25  }
0x18c: {  	v3 =	vor.u32 v3, v4  }
0x18d: {  	v4 =	vperm.xlane v3, v0;
	_ =	sdelay $0x1  }
0x18e: {  	v3 =	vperm.xlane v3, v2;
	v4 =	vadd.s32 v1, v4;
	_ =	sdelay $0x1  }
0x18f: {  	v3 =	vadd.s32 v1, v3;
	_ =	sdelay $0x2  }
0x190: {  	[tilespmem:s26], [sflag:$0x1] =	stream.indirect_vreg.gather [hbm4b:s7+s2], $0x80, v4, vm0, $0xb8;
	[tilespmem:$0x1E800] =	vst v63  }
0x191: {  	_ = 	snop  }
0x192: {  	[tilespmem:s28], [sflag:$0x1] =	stream.indirect_vreg.gather [hbm4b:s7+s2], $0x80, v3, vm0, $0xb8;
	[tilespmem:$0x1E800] =	vst v63  }
0x193: {  	v3 =	vld [tilespmem:$0x1D0];
	_ =	sdelay $0x4  }
0x194: {  	v26 =	vshll.u32 v3, $0x1  }
0x195: {  	v3 =	vand.u32 $0x7, v3;
	v4 =	vand.u32 $0xFFFFFFF0, v26  }
0x196: {  	v3 =	vor.u32 v3, v4  }
0x197: {  	v4 =	vperm.xlane v3, v0;
	_ =	sdelay $0x1  }
0x198: {  	v3 =	vperm.xlane v3, v2;
	v4 =	vadd.s32 v1, v4;
	_ =	sdelay $0x1  }
0x199: {  	v3 =	vadd.s32 v1, v3;
	_ =	sdelay $0x2  }
0x19a: {  	[tilespmem:s29], [sflag:$0x1] =	stream.indirect_vreg.gather [hbm4b:s7+s2], $0x80, v4, vm0, $0xb8;
	[tilespmem:$0x1E800] =	vst v63  }
0x19b: {  	_ = 	snop  }
0x19c: {  	[tilespmem:s30], [sflag:$0x1] =	stream.indirect_vreg.gather [hbm4b:s7+s2], $0x80, v3, vm0, $0xb8;
	[tilespmem:$0x1E800] =	vst v63  }
0x19d: {  	v3 =	vld [tilespmem:$0x1E0];
	_ =	sdelay $0x4  }
0x19e: {  	v27 =	vshll.u32 v3, $0x1  }
0x19f: {  	v3 =	vand.u32 $0x7, v3;
	v4 =	vand.u32 $0xFFFFFFF0, v27  }
0x1a0: {  	v3 =	vor.u32 v3, v4  }
0x1a1: {  	v4 =	vperm.xlane v3, v0;
	_ =	sdelay $0x1  }
0x1a2: {  	v3 =	vperm.xlane v3, v2;
	v4 =	vadd.s32 v1, v4;
	_ =	sdelay $0x1  }
0x1a3: {  	v3 =	vadd.s32 v1, v3;
	_ =	sdelay $0x2  }
0x1a4: {  	[tilespmem:s8], [sflag:$0x1] =	stream.indirect_vreg.gather [hbm4b:s7+s2], $0x80, v4, vm0, $0xb8;
	[tilespmem:$0x1E800] =	vst v63  }
0x1a5: {  	_ = 	snop  }
0x1a6: {  	[tilespmem:s31], [sflag:$0x1] =	stream.indirect_vreg.gather [hbm4b:s7+s2], $0x80, v3, vm0, $0xb8;
	[tilespmem:$0x1E800] =	vst v63  }
0x1a7: {  	v3 =	vld [tilespmem:$0x1F0];
	_ =	sdelay $0x4  }
0x1a8: {  	v28 =	vshll.u32 v3, $0x1  }
0x1a9: {  	v3 =	vand.u32 $0x7, v3;
	v4 =	vand.u32 $0xFFFFFFF0, v28  }
0x1aa: {  	v3 =	vor.u32 v3, v4  }
0x1ab: {  	v4 =	vperm.xlane v3, v0;
	_ =	sdelay $0x1  }
0x1ac: {  	v3 =	vperm.xlane v3, v2;
	v4 =	vadd.s32 v1, v4;
	_ =	sdelay $0x1  }
0x1ad: {  	v3 =	vadd.s32 v1, v3;
	_ =	sdelay $0x2  }
0x1ae: {  	[tilespmem:s1], [sflag:$0x1] =	stream.indirect_vreg.gather [hbm4b:s7+s2], $0x80, v4, vm0, $0xb8;
	[tilespmem:$0x1E800] =	vst v63  }
0x1af: {  	_ = 	snop  }
0x1b0: {  	[tilespmem:s4], [sflag:$0x1] =	stream.indirect_vreg.gather [hbm4b:s7+s2], $0x80, v3, vm0, $0xb8;
	[tilespmem:$0x1E800] =	vst v63  }
0x1b1: {  	_ =	swait.ge [sflag:s6], $0x2000  }
0x1b2: {  	[sflag:s6] =	ssyncset.done $0x0  }
0x1b3: {  	[sflag:s6] =	ssyncadd.s32 $0xFFFFE000  }
0x1b4: {  	_ =	swait.ge [sflag:s6], $0x2000  }
0x1b5: {  	[sflag:s6] =	ssyncset.done $0x0  }
0x1b6: {  	[sflag:s6] =	ssyncadd.s32 $0xFFFFE000  }
0x1b7: {  	_ =	swait.ge [sflag:s6], $0x2000  }
0x1b8: {  	[sflag:s6] =	ssyncset.done $0x0  }
0x1b9: {  	[sflag:s6] =	ssyncadd.s32 $0xFFFFE000  }
0x1ba: {  	v3 =	vld [tilespmem:$0x0];
	_ =	sdelay $0x7  }
0x1bb: {  	v29 =	vld.idx.msk [tilespmem:v3+s13+$0x0], $0xffff  }
0x1bc: {  	v5 =	vadd.s32 $0x2000, v3;
	_ =	sdelay $0x3  }
0x1bd: {  	[tilespmem:$0x1E200] =	vst v29  }
0x1be: {  	v4 =	vld.idx.msk [tilespmem:v5+s13+$0x0], $0xffff  }
0x1bf: {  	v3 =	vadd.s32 $0x4000, v3;
	_ =	sdelay $0x2  }
0x1c0: {  	v30 =	vld [tilespmem:$0x10]  }
0x1c1: {  	[tilespmem:$0x1E400] =	vst v4  }
0x1c2: {  	v3 =	vld.idx.msk [tilespmem:v3+s13+$0x0], $0xffff;
	_ =	sdelay $0x4  }
0x1c3: {  	[tilespmem:$0x1E600] =	vst v3  }
0x1c4: {  	v3 =	vld.idx.msk [tilespmem:v30+s13+$0x0], $0xffff  }
0x1c5: {  	v31 =	vadd.s32 $0x2000, v30;
	_ =	sdelay $0x3  }
0x1c6: {  	[tilespmem:$0x1E210] =	vst v3  }
0x1c7: {  	v3 =	vld.idx.msk [tilespmem:v31+s13+$0x0], $0xffff  }
0x1c8: {  	v32 =	vadd.s32 $0x4000, v30;
	_ =	sdelay $0x2  }
0x1c9: {  	v33 =	vld [tilespmem:$0x20]  }
0x1ca: {  	[tilespmem:$0x1E410] =	vst v3  }
0x1cb: {  	v3 =	vld.idx.msk [tilespmem:v32+s13+$0x0], $0xffff;
	_ =	sdelay $0x4  }
0x1cc: {  	[tilespmem:$0x1E610] =	vst v3  }
0x1cd: {  	v3 =	vld.idx.msk [tilespmem:v33+s13+$0x0], $0xffff  }
0x1ce: {  	v34 =	vadd.s32 $0x2000, v33;
	_ =	sdelay $0x3  }
0x1cf: {  	[tilespmem:$0x1E220] =	vst v3  }
0x1d0: {  	v3 =	vld.idx.msk [tilespmem:v34+s13+$0x0], $0xffff  }
0x1d1: {  	v35 =	vadd.s32 $0x4000, v33;
	_ =	sdelay $0x2  }
0x1d2: {  	v36 =	vld [tilespmem:$0x30]  }
0x1d3: {  	[tilespmem:$0x1E420] =	vst v3  }
0x1d4: {  	v3 =	vld.idx.msk [tilespmem:v35+s13+$0x0], $0xffff;
	_ =	sdelay $0x4  }
0x1d5: {  	[tilespmem:$0x1E620] =	vst v3  }
0x1d6: {  	v3 =	vld.idx.msk [tilespmem:v36+s13+$0x0], $0xffff  }
0x1d7: {  	v37 =	vadd.s32 $0x2000, v36;
	_ =	sdelay $0x3  }
0x1d8: {  	[tilespmem:$0x1E230] =	vst v3  }
0x1d9: {  	v3 =	vld.idx.msk [tilespmem:v37+s13+$0x0], $0xffff  }
0x1da: {  	v38 =	vadd.s32 $0x4000, v36;
	_ =	sdelay $0x2  }
0x1db: {  	v39 =	vld [tilespmem:$0x40]  }
0x1dc: {  	[tilespmem:$0x1E430] =	vst v3  }
0x1dd: {  	v3 =	vld.idx.msk [tilespmem:v38+s13+$0x0], $0xffff;
	_ =	sdelay $0x4  }
0x1de: {  	[tilespmem:$0x1E630] =	vst v3  }
0x1df: {  	v3 =	vld.idx.msk [tilespmem:v39+s13+$0x0], $0xffff  }
0x1e0: {  	v40 =	vadd.s32 $0x2000, v39;
	_ =	sdelay $0x3  }
0x1e1: {  	[tilespmem:$0x1E240] =	vst v3  }
0x1e2: {  	v3 =	vld.idx.msk [tilespmem:v40+s13+$0x0], $0xffff  }
0x1e3: {  	v41 =	vadd.s32 $0x4000, v39;
	_ =	sdelay $0x2  }
0x1e4: {  	v42 =	vld [tilespmem:$0x50]  }
0x1e5: {  	[tilespmem:$0x1E440] =	vst v3  }
0x1e6: {  	v3 =	vld.idx.msk [tilespmem:v41+s13+$0x0], $0xffff;
	_ =	sdelay $0x4  }
0x1e7: {  	[tilespmem:$0x1E640] =	vst v3  }
0x1e8: {  	v3 =	vld.idx.msk [tilespmem:v42+s13+$0x0], $0xffff  }
0x1e9: {  	v43 =	vadd.s32 $0x2000, v42;
	_ =	sdelay $0x3  }
0x1ea: {  	[tilespmem:$0x1E250] =	vst v3  }
0x1eb: {  	v3 =	vld.idx.msk [tilespmem:v43+s13+$0x0], $0xffff  }
0x1ec: {  	v44 =	vadd.s32 $0x4000, v42;
	_ =	sdelay $0x2  }
0x1ed: {  	v45 =	vld [tilespmem:$0x60]  }
0x1ee: {  	[tilespmem:$0x1E450] =	vst v3  }
0x1ef: {  	v3 =	vld.idx.msk [tilespmem:v44+s13+$0x0], $0xffff;
	_ =	sdelay $0x4  }
0x1f0: {  	[tilespmem:$0x1E650] =	vst v3  }
0x1f1: {  	v3 =	vld.idx.msk [tilespmem:v45+s13+$0x0], $0xffff  }
0x1f2: {  	v46 =	vadd.s32 $0x2000, v45;
	_ =	sdelay $0x3  }
0x1f3: {  	[tilespmem:$0x1E260] =	vst v3  }
0x1f4: {  	v3 =	vld.idx.msk [tilespmem:v46+s13+$0x0], $0xffff  }
0x1f5: {  	v47 =	vadd.s32 $0x4000, v45;
	_ =	sdelay $0x2  }
0x1f6: {  	v48 =	vld [tilespmem:$0x70]  }
0x1f7: {  	[tilespmem:$0x1E460] =	vst v3  }
0x1f8: {  	v3 =	vld.idx.msk [tilespmem:v47+s13+$0x0], $0xffff;
	_ =	sdelay $0x4  }
0x1f9: {  	[tilespmem:$0x1E660] =	vst v3  }
0x1fa: {  	v3 =	vld.idx.msk [tilespmem:v48+s13+$0x0], $0xffff  }
0x1fb: {  	v49 =	vadd.s32 $0x2000, v48;
	_ =	sdelay $0x3  }
0x1fc: {  	[tilespmem:$0x1E270] =	vst v3  }
0x1fd: {  	v3 =	vld.idx.msk [tilespmem:v49+s13+$0x0], $0xffff  }
0x1fe: {  	v50 =	vadd.s32 $0x4000, v48;
	_ =	sdelay $0x3  }
0x1ff: {  	[tilespmem:$0x1E470] =	vst v3  }
0x200: {  	v3 =	vld.idx.msk [tilespmem:v50+s13+$0x0], $0xffff;
	_ =	sdelay $0x4  }
0x201: {  	s19 =	simm.s32 $0x2;
	[tilespmem:$0x1E670] =	vst v3  }
0x202: {  	_ =	swait.ge [sflag:s19], $0x8000  }
0x203: {  	s20 =	sld [smem:$0x7F5]  }
0x204: {  	[sflag:s19] =	ssyncset.done $0x0  }
0x205: {  	[sflag:s19] =	ssyncadd.s32 $0xFFFF8000  }
0x206: {  	[hbm4b:s20+s2] =	stream.linear.scatter [tilespmem:s10], [sflag:$0x4], $0x8000, $0x38;
	[tilespmem:$0x1E800] =	vst v63  }
0x207: {  	v3 =	vld [tilespmem:$0x80];
	_ =	sdelay $0x7  }
0x208: {  	v51 =	vld.idx.msk [tilespmem:v3+s13+$0x0], $0xffff  }
0x209: {  	v52 =	vadd.s32 $0x2000, v3;
	_ =	sdelay $0x3  }
0x20a: {  	[tilespmem:$0x1E280] =	vst v51  }
0x20b: {  	v4 =	vld.idx.msk [tilespmem:v52+s13+$0x0], $0xffff  }
0x20c: {  	v3 =	vadd.s32 $0x4000, v3;
	_ =	sdelay $0x2  }
0x20d: {  	v53 =	vld [tilespmem:$0x90]  }
0x20e: {  	[tilespmem:$0x1E480] =	vst v4  }
0x20f: {  	v3 =	vld.idx.msk [tilespmem:v3+s13+$0x0], $0xffff;
	_ =	sdelay $0x4  }
0x210: {  	[tilespmem:$0x1E680] =	vst v3  }
0x211: {  	v3 =	vld.idx.msk [tilespmem:v53+s13+$0x0], $0xffff  }
0x212: {  	v54 =	vadd.s32 $0x2000, v53;
	_ =	sdelay $0x3  }
0x213: {  	[tilespmem:$0x1E290] =	vst v3  }
0x214: {  	v3 =	vld.idx.msk [tilespmem:v54+s13+$0x0], $0xffff  }
0x215: {  	v55 =	vadd.s32 $0x4000, v53;
	_ =	sdelay $0x2  }
0x216: {  	v56 =	vld [tilespmem:$0xA0]  }
0x217: {  	[tilespmem:$0x1E490] =	vst v3  }
0x218: {  	v3 =	vld.idx.msk [tilespmem:v55+s13+$0x0], $0xffff;
	_ =	sdelay $0x4  }
0x219: {  	[tilespmem:$0x1E690] =	vst v3  }
0x21a: {  	v3 =	vld.idx.msk [tilespmem:v56+s13+$0x0], $0xffff  }
0x21b: {  	v57 =	vadd.s32 $0x2000, v56;
	_ =	sdelay $0x3  }
0x21c: {  	[tilespmem:$0x1E2A0] =	vst v3  }
0x21d: {  	v3 =	vld.idx.msk [tilespmem:v57+s13+$0x0], $0xffff  }
0x21e: {  	v58 =	vadd.s32 $0x4000, v56;
	_ =	sdelay $0x2  }
0x21f: {  	v59 =	vld [tilespmem:$0xB0]  }
0x220: {  	[tilespmem:$0x1E4A0] =	vst v3  }
0x221: {  	v3 =	vld.idx.msk [tilespmem:v58+s13+$0x0], $0xffff;
	_ =	sdelay $0x4  }
0x222: {  	[tilespmem:$0x1E6A0] =	vst v3  }
0x223: {  	v3 =	vld.idx.msk [tilespmem:v59+s13+$0x0], $0xffff  }
0x224: {  	v60 =	vadd.s32 $0x2000, v59;
	_ =	sdelay $0x3  }
0x225: {  	[tilespmem:$0x1E2B0] =	vst v3  }
0x226: {  	v3 =	vld.idx.msk [tilespmem:v60+s13+$0x0], $0xffff  }
0x227: {  	v61 =	vadd.s32 $0x4000, v59;
	_ =	sdelay $0x2  }
0x228: {  	v62 =	vld [tilespmem:$0xC0]  }
0x229: {  	[tilespmem:$0x1E4B0] =	vst v3  }
0x22a: {  	v3 =	vld.idx.msk [tilespmem:v61+s13+$0x0], $0xffff;
	_ =	sdelay $0x4  }
0x22b: {  	[tilespmem:$0x1E6B0] =	vst v3  }
0x22c: {  	v3 =	vld.idx.msk [tilespmem:v62+s13+$0x0], $0xffff  }
0x22d: {  	v63 =	vadd.s32 $0x2000, v62;
	_ =	sdelay $0x3  }
0x22e: {  	[tilespmem:$0x1E2C0] =	vst v3  }
0x22f: {  	v3 =	vld.idx.msk [tilespmem:v63+s13+$0x0], $0xffff  }
0x230: {  	v8 =	vadd.s32 $0x4000, v62;
	_ =	sdelay $0x2  }
0x231: {  	v9 =	vld [tilespmem:$0xD0]  }
0x232: {  	[tilespmem:$0x1E4C0] =	vst v3  }
0x233: {  	v3 =	vld.idx.msk [tilespmem:v8+s13+$0x0], $0xffff;
	_ =	sdelay $0x4  }
0x234: {  	[tilespmem:$0x1E6C0] =	vst v3  }
0x235: {  	v3 =	vld.idx.msk [tilespmem:v9+s13+$0x0], $0xffff  }
0x236: {  	v10 =	vadd.s32 $0x2000, v9;
	_ =	sdelay $0x3  }
0x237: {  	[tilespmem:$0x1E2D0] =	vst v3  }
0x238: {  	v3 =	vld.idx.msk [tilespmem:v10+s13+$0x0], $0xffff  }
0x239: {  	v11 =	vadd.s32 $0x4000, v9;
	_ =	sdelay $0x2  }
0x23a: {  	v12 =	vld [tilespmem:$0xE0]  }
0x23b: {  	[tilespmem:$0x1E4D0] =	vst v3  }
0x23c: {  	v3 =	vld.idx.msk [tilespmem:v11+s13+$0x0], $0xffff;
	_ =	sdelay $0x4  }
0x23d: {  	[tilespmem:$0x1E6D0] =	vst v3  }
0x23e: {  	v3 =	vld.idx.msk [tilespmem:v12+s13+$0x0], $0xffff  }
0x23f: {  	v13 =	vadd.s32 $0x2000, v12;
	_ =	sdelay $0x3  }
0x240: {  	[tilespmem:$0x1E2E0] =	vst v3  }
0x241: {  	v3 =	vld.idx.msk [tilespmem:v13+s13+$0x0], $0xffff  }
0x242: {  	v14 =	vadd.s32 $0x4000, v12;
	_ =	sdelay $0x2  }
0x243: {  	v15 =	vld [tilespmem:$0xF0]  }
0x244: {  	[tilespmem:$0x1E4E0] =	vst v3  }
0x245: {  	v3 =	vld.idx.msk [tilespmem:v14+s13+$0x0], $0xffff;
	_ =	sdelay $0x4  }
0x246: {  	[tilespmem:$0x1E6E0] =	vst v3  }
0x247: {  	v3 =	vld.idx.msk [tilespmem:v15+s13+$0x0], $0xffff  }
0x248: {  	v16 =	vadd.s32 $0x2000, v15;
	_ =	sdelay $0x3  }
0x249: {  	[tilespmem:$0x1E2F0] =	vst v3  }
0x24a: {  	v3 =	vld.idx.msk [tilespmem:v16+s13+$0x0], $0xffff  }
0x24b: {  	v17 =	vadd.s32 $0x4000, v15;
	_ =	sdelay $0x3  }
0x24c: {  	[tilespmem:$0x1E4F0] =	vst v3  }
0x24d: {  	v3 =	vld.idx.msk [tilespmem:v17+s13+$0x0], $0xffff;
	_ =	sdelay $0x4  }
0x24e: {  	[tilespmem:$0x1E6F0] =	vst v3  }
0x24f: {  	_ =	swait.ge [sflag:s15], $0x8000  }
0x250: {  	s1 =	sld [smem:$0x7F6]  }
0x251: {  	[sflag:s15] =	ssyncset.done $0x0  }
0x252: {  	[sflag:s15] =	ssyncadd.s32 $0xFFFF8000  }
0x253: {  	[hbm4b:s1+s2] =	stream.linear.scatter [tilespmem:s5], [sflag:$0x4], $0x8000, $0x38;
	[tilespmem:$0x1E800] =	vst v63  }
0x254: {  	v3 =	vld [tilespmem:$0x100];
	_ =	sdelay $0x7  }
0x255: {  	v18 =	vld.idx.msk [tilespmem:v3+s13+$0x0], $0xffff  }
0x256: {  	v19 =	vadd.s32 $0x2000, v3;
	_ =	sdelay $0x3  }
0x257: {  	[tilespmem:$0x1E300] =	vst v18  }
0x258: {  	v4 =	vld.idx.msk [tilespmem:v19+s13+$0x0], $0xffff  }
0x259: {  	v3 =	vadd.s32 $0x4000, v3;
	_ =	sdelay $0x2  }
0x25a: {  	v20 =	vld [tilespmem:$0x110]  }
0x25b: {  	[tilespmem:$0x1E500] =	vst v4  }
0x25c: {  	v3 =	vld.idx.msk [tilespmem:v3+s13+$0x0], $0xffff;
	_ =	sdelay $0x4  }
0x25d: {  	[tilespmem:$0x1E700] =	vst v3  }
0x25e: {  	v3 =	vld.idx.msk [tilespmem:v20+s13+$0x0], $0xffff  }
0x25f: {  	v21 =	vadd.s32 $0x2000, v20;
	_ =	sdelay $0x3  }
0x260: {  	[tilespmem:$0x1E310] =	vst v3  }
0x261: {  	v3 =	vld.idx.msk [tilespmem:v21+s13+$0x0], $0xffff  }
0x262: {  	v22 =	vadd.s32 $0x4000, v20;
	_ =	sdelay $0x2  }
0x263: {  	v23 =	vld [tilespmem:$0x120]  }
0x264: {  	[tilespmem:$0x1E510] =	vst v3  }
0x265: {  	v3 =	vld.idx.msk [tilespmem:v22+s13+$0x0], $0xffff;
	_ =	sdelay $0x4  }
0x266: {  	[tilespmem:$0x1E710] =	vst v3  }
0x267: {  	v3 =	vld.idx.msk [tilespmem:v23+s13+$0x0], $0xffff  }
0x268: {  	v24 =	vadd.s32 $0x2000, v23;
	_ =	sdelay $0x3  }
0x269: {  	[tilespmem:$0x1E320] =	vst v3  }
0x26a: {  	v3 =	vld.idx.msk [tilespmem:v24+s13+$0x0], $0xffff  }
0x26b: {  	v25 =	vadd.s32 $0x4000, v23;
	_ =	sdelay $0x2  }
0x26c: {  	v26 =	vld [tilespmem:$0x130]  }
0x26d: {  	[tilespmem:$0x1E520] =	vst v3  }
0x26e: {  	v3 =	vld.idx.msk [tilespmem:v25+s13+$0x0], $0xffff;
	_ =	sdelay $0x4  }
0x26f: {  	[tilespmem:$0x1E720] =	vst v3  }
0x270: {  	v3 =	vld.idx.msk [tilespmem:v26+s13+$0x0], $0xffff  }
0x271: {  	v27 =	vadd.s32 $0x2000, v26;
	_ =	sdelay $0x3  }
0x272: {  	[tilespmem:$0x1E330] =	vst v3  }
0x273: {  	v3 =	vld.idx.msk [tilespmem:v27+s13+$0x0], $0xffff  }
0x274: {  	v28 =	vadd.s32 $0x4000, v26;
	_ =	sdelay $0x2  }
0x275: {  	v29 =	vld [tilespmem:$0x140]  }
0x276: {  	[tilespmem:$0x1E530] =	vst v3  }
0x277: {  	v3 =	vld.idx.msk [tilespmem:v28+s13+$0x0], $0xffff;
	_ =	sdelay $0x4  }
0x278: {  	[tilespmem:$0x1E730] =	vst v3  }
0x279: {  	v3 =	vld.idx.msk [tilespmem:v29+s13+$0x0], $0xffff  }
0x27a: {  	v30 =	vadd.s32 $0x2000, v29;
	_ =	sdelay $0x3  }
0x27b: {  	[tilespmem:$0x1E340] =	vst v3  }
0x27c: {  	v3 =	vld.idx.msk [tilespmem:v30+s13+$0x0], $0xffff  }
0x27d: {  	v31 =	vadd.s32 $0x4000, v29;
	_ =	sdelay $0x2  }
0x27e: {  	v32 =	vld [tilespmem:$0x150]  }
0x27f: {  	[tilespmem:$0x1E540] =	vst v3  }
0x280: {  	v3 =	vld.idx.msk [tilespmem:v31+s13+$0x0], $0xffff;
	_ =	sdelay $0x4  }
0x281: {  	[tilespmem:$0x1E740] =	vst v3  }
0x282: {  	v3 =	vld.idx.msk [tilespmem:v32+s13+$0x0], $0xffff  }
0x283: {  	v33 =	vadd.s32 $0x2000, v32;
	_ =	sdelay $0x3  }
0x284: {  	[tilespmem:$0x1E350] =	vst v3  }
0x285: {  	v3 =	vld.idx.msk [tilespmem:v33+s13+$0x0], $0xffff  }
0x286: {  	v34 =	vadd.s32 $0x4000, v32;
	_ =	sdelay $0x2  }
0x287: {  	v35 =	vld [tilespmem:$0x160]  }
0x288: {  	[tilespmem:$0x1E550] =	vst v3  }
0x289: {  	v3 =	vld.idx.msk [tilespmem:v34+s13+$0x0], $0xffff;
	_ =	sdelay $0x4  }
0x28a: {  	[tilespmem:$0x1E750] =	vst v3  }
0x28b: {  	v3 =	vld.idx.msk [tilespmem:v35+s13+$0x0], $0xffff  }
0x28c: {  	v36 =	vadd.s32 $0x2000, v35;
	_ =	sdelay $0x3  }
0x28d: {  	[tilespmem:$0x1E360] =	vst v3  }
0x28e: {  	v3 =	vld.idx.msk [tilespmem:v36+s13+$0x0], $0xffff  }
0x28f: {  	v37 =	vadd.s32 $0x4000, v35;
	_ =	sdelay $0x2  }
0x290: {  	v38 =	vld [tilespmem:$0x170]  }
0x291: {  	[tilespmem:$0x1E560] =	vst v3  }
0x292: {  	v3 =	vld.idx.msk [tilespmem:v37+s13+$0x0], $0xffff;
	_ =	sdelay $0x4  }
0x293: {  	[tilespmem:$0x1E760] =	vst v3  }
0x294: {  	v3 =	vld.idx.msk [tilespmem:v38+s13+$0x0], $0xffff  }
0x295: {  	v39 =	vadd.s32 $0x2000, v38;
	_ =	sdelay $0x3  }
0x296: {  	[tilespmem:$0x1E370] =	vst v3  }
0x297: {  	v3 =	vld.idx.msk [tilespmem:v39+s13+$0x0], $0xffff  }
0x298: {  	v40 =	vadd.s32 $0x4000, v38;
	_ =	sdelay $0x3  }
0x299: {  	[tilespmem:$0x1E570] =	vst v3  }
0x29a: {  	v3 =	vld.idx.msk [tilespmem:v40+s13+$0x0], $0xffff;
	_ =	sdelay $0x4  }
0x29b: {  	[tilespmem:$0x1E770] =	vst v3  }
0x29c: {  	_ =	swait.ge [sflag:s0], $0x8000  }
0x29d: {  	s8 =	sld [smem:$0x7F7]  }
0x29e: {  	[sflag:s0] =	ssyncset.done $0x0  }
0x29f: {  	[sflag:s0] =	ssyncadd.s32 $0xFFFF8000  }
0x2a0: {  	[hbm4b:s8+s2] =	stream.linear.scatter [tilespmem:s14], [sflag:$0x4], $0x8000, $0x38;
	[tilespmem:$0x1E800] =	vst v63  }
0x2a1: {  	v3 =	vld [tilespmem:$0x180];
	_ =	sdelay $0x7  }
0x2a2: {  	v41 =	vld.idx.msk [tilespmem:v3+s13+$0x0], $0xffff  }
0x2a3: {  	v42 =	vadd.s32 $0x2000, v3;
	_ =	sdelay $0x3  }
0x2a4: {  	[tilespmem:$0x1E380] =	vst v41  }
0x2a5: {  	v4 =	vld.idx.msk [tilespmem:v42+s13+$0x0], $0xffff  }
0x2a6: {  	v3 =	vadd.s32 $0x4000, v3;
	_ =	sdelay $0x2  }
0x2a7: {  	v43 =	vld [tilespmem:$0x190]  }
0x2a8: {  	[tilespmem:$0x1E580] =	vst v4  }
0x2a9: {  	v3 =	vld.idx.msk [tilespmem:v3+s13+$0x0], $0xffff;
	_ =	sdelay $0x4  }
0x2aa: {  	[tilespmem:$0x1E780] =	vst v3  }
0x2ab: {  	v3 =	vld.idx.msk [tilespmem:v43+s13+$0x0], $0xffff  }
0x2ac: {  	v44 =	vadd.s32 $0x2000, v43;
	_ =	sdelay $0x3  }
0x2ad: {  	[tilespmem:$0x1E390] =	vst v3  }
0x2ae: {  	v3 =	vld.idx.msk [tilespmem:v44+s13+$0x0], $0xffff  }
0x2af: {  	v45 =	vadd.s32 $0x4000, v43;
	_ =	sdelay $0x2  }
0x2b0: {  	v46 =	vld [tilespmem:$0x1A0]  }
0x2b1: {  	[tilespmem:$0x1E590] =	vst v3  }
0x2b2: {  	v3 =	vld.idx.msk [tilespmem:v45+s13+$0x0], $0xffff;
	_ =	sdelay $0x4  }
0x2b3: {  	[tilespmem:$0x1E790] =	vst v3  }
0x2b4: {  	v3 =	vld.idx.msk [tilespmem:v46+s13+$0x0], $0xffff  }
0x2b5: {  	v47 =	vadd.s32 $0x2000, v46;
	_ =	sdelay $0x3  }
0x2b6: {  	[tilespmem:$0x1E3A0] =	vst v3  }
0x2b7: {  	v3 =	vld.idx.msk [tilespmem:v47+s13+$0x0], $0xffff  }
0x2b8: {  	v48 =	vadd.s32 $0x4000, v46;
	_ =	sdelay $0x2  }
0x2b9: {  	v49 =	vld [tilespmem:$0x1B0]  }
0x2ba: {  	[tilespmem:$0x1E5A0] =	vst v3  }
0x2bb: {  	v3 =	vld.idx.msk [tilespmem:v48+s13+$0x0], $0xffff;
	_ =	sdelay $0x4  }
0x2bc: {  	[tilespmem:$0x1E7A0] =	vst v3  }
0x2bd: {  	v3 =	vld.idx.msk [tilespmem:v49+s13+$0x0], $0xffff  }
0x2be: {  	v50 =	vadd.s32 $0x2000, v49;
	_ =	sdelay $0x3  }
0x2bf: {  	[tilespmem:$0x1E3B0] =	vst v3  }
0x2c0: {  	v3 =	vld.idx.msk [tilespmem:v50+s13+$0x0], $0xffff  }
0x2c1: {  	v51 =	vadd.s32 $0x4000, v49;
	_ =	sdelay $0x2  }
0x2c2: {  	v52 =	vld [tilespmem:$0x1C0]  }
0x2c3: {  	[tilespmem:$0x1E5B0] =	vst v3  }
0x2c4: {  	v3 =	vld.idx.msk [tilespmem:v51+s13+$0x0], $0xffff;
	_ =	sdelay $0x4  }
0x2c5: {  	[tilespmem:$0x1E7B0] =	vst v3  }
0x2c6: {  	v3 =	vld.idx.msk [tilespmem:v52+s13+$0x0], $0xffff  }
0x2c7: {  	v53 =	vadd.s32 $0x2000, v52;
	_ =	sdelay $0x3  }
0x2c8: {  	[tilespmem:$0x1E3C0] =	vst v3  }
0x2c9: {  	v3 =	vld.idx.msk [tilespmem:v53+s13+$0x0], $0xffff  }
0x2ca: {  	v54 =	vadd.s32 $0x4000, v52;
	_ =	sdelay $0x2  }
0x2cb: {  	v55 =	vld [tilespmem:$0x1D0]  }
0x2cc: {  	[tilespmem:$0x1E5C0] =	vst v3  }
0x2cd: {  	v3 =	vld.idx.msk [tilespmem:v54+s13+$0x0], $0xffff;
	_ =	sdelay $0x4  }
0x2ce: {  	[tilespmem:$0x1E7C0] =	vst v3  }
0x2cf: {  	v3 =	vld.idx.msk [tilespmem:v55+s13+$0x0], $0xffff  }
0x2d0: {  	v56 =	vadd.s32 $0x2000, v55;
	_ =	sdelay $0x3  }
0x2d1: {  	[tilespmem:$0x1E3D0] =	vst v3  }
0x2d2: {  	v3 =	vld.idx.msk [tilespmem:v56+s13+$0x0], $0xffff  }
0x2d3: {  	v57 =	vadd.s32 $0x4000, v55;
	_ =	sdelay $0x2  }
0x2d4: {  	v58 =	vld [tilespmem:$0x1E0]  }
0x2d5: {  	[tilespmem:$0x1E5D0] =	vst v3  }
0x2d6: {  	v3 =	vld.idx.msk [tilespmem:v57+s13+$0x0], $0xffff;
	_ =	sdelay $0x4  }
0x2d7: {  	[tilespmem:$0x1E7D0] =	vst v3  }
0x2d8: {  	v3 =	vld.idx.msk [tilespmem:v58+s13+$0x0], $0xffff  }
0x2d9: {  	v59 =	vadd.s32 $0x2000, v58;
	_ =	sdelay $0x3  }
0x2da: {  	[tilespmem:$0x1E3E0] =	vst v3  }
0x2db: {  	v3 =	vld.idx.msk [tilespmem:v59+s13+$0x0], $0xffff  }
0x2dc: {  	v60 =	vadd.s32 $0x4000, v58;
	_ =	sdelay $0x2  }
0x2dd: {  	v61 =	vld [tilespmem:$0x1F0]  }
0x2de: {  	[tilespmem:$0x1E5E0] =	vst v3  }
0x2df: {  	v3 =	vld.idx.msk [tilespmem:v60+s13+$0x0], $0xffff;
	_ =	sdelay $0x4  }
0x2e0: {  	[tilespmem:$0x1E7E0] =	vst v3  }
0x2e1: {  	v3 =	vld.idx.msk [tilespmem:v61+s13+$0x0], $0xffff  }
0x2e2: {  	v62 =	vadd.s32 $0x2000, v61;
	_ =	sdelay $0x3  }
0x2e3: {  	[tilespmem:$0x1E3F0] =	vst v3  }
0x2e4: {  	v3 =	vld.idx.msk [tilespmem:v62+s13+$0x0], $0xffff  }
0x2e5: {  	v63 =	vadd.s32 $0x4000, v61;
	_ =	sdelay $0x3  }
0x2e6: {  	[tilespmem:$0x1E5F0] =	vst v3  }
0x2e7: {  	s19 =	sld [smem:$0x7EB];
	v3 =	vld.idx.msk [tilespmem:v63+s13+$0x0], $0xffff  }
0x2e8: {  	s20 =	sld [smem:$0x7FB]  }
0x2e9: {  	s18 =	sld [smem:$0x7F8]  }
0x2ea: {  	s1 =	sld [smem:$0x7FC]  }
0x2eb: {  	s8 =	sadd.s32 s20, s19;
	s19 =	sld [smem:$0x7F9]  }
0x2ec: {  	s20 =	sld [smem:$0x7FA];
	[tilespmem:$0x1E7F0] =	vst v3  }
0x2ed: {  	[hbm4b:s8+s11] =	stream.strided.scatter [tilespmem:s18], [sflag:$0x5], $0x200, s12, s11, $0x38;
	[tilespmem:$0x1E800] =	vst v63  }
0x2ee: {  	s8 =	sld [smem:$0x7FD]  }
0x2ef: {  	[hbm4b:s19+s11] =	stream.strided.scatter [tilespmem:s20], [sflag:$0x5], $0x200, s12, s11, $0x38;
	[tilespmem:$0x1E800] =	vst v63  }
0x2f0: {  	_ = 	snop  }
0x2f1: {  	[hbm4b:s1+s11] =	stream.strided.scatter [tilespmem:s8], [sflag:$0x5], $0x200, s12, s11, $0x38;
	[tilespmem:$0x1E800] =	vst v63  }
0x2f2: {  	_ =	swait.ge [sflag:s3], $0x8000  }
0x2f3: {  	[sflag:s3] =	ssyncset.done $0x0  }
0x2f4: {  	[sflag:s3] =	ssyncadd.s32 $0xFFFF8000  }
0x2f5: {  	_ =	swait.ge [sflag:s3], $0x8000  }
0x2f6: {  	[sflag:s3] =	ssyncset.done $0x0  }
0x2f7: {  	[sflag:s3] =	ssyncadd.s32 $0xFFFF8000  }
0x2f8: {  	_ =	swait.ge [sflag:s3], $0x8000  }
0x2f9: {  	[sflag:s3] =	ssyncset.done $0x0  }
0x2fa: {  	[sflag:s3] =	ssyncadd.s32 $0xFFFF8000  }
0x2fb: {  	_ =	swait.ge [sflag:s16], $0x80  }
0x2fc: {  	[sflag:s16] =	ssyncset.done $0x0  }
0x2fd: {  	[sflag:s16] =	ssyncadd.s32 $0xFFFFFF80  }
0x2fe: {  	_ =	swait.ge [sflag:s16], $0x80  }
0x2ff: {  	[sflag:s16] =	ssyncset.done $0x0  }
0x300: {  	[sflag:s16] =	ssyncadd.s32 $0xFFFFFF80  }
0x301: {  	_ =	swait.ge [sflag:s16], $0x80  }
0x302: {  	[sflag:s16] =	ssyncset.done $0x0  }
0x303: {  	[sflag:s16] =	ssyncadd.s32 $0xFFFFFF80  }
0x304: {  	_ =	swait.ge [sflag:s16], $0x80  }
0x305: {  	[sflag:s16] =	ssyncset.done $0x0  }
0x306: {  	[sflag:s16] =	ssyncadd.s32 $0xFFFFFF80  }
0x307: {  	_ =	swait.ge [sflag:s6], $0x200  }
0x308: {  	[sflag:s6] =	ssyncset.done $0x0  }
0x309: {  	[sflag:s6] =	ssyncadd.s32 $0xFFFFFE00  }
0x30a: {  	p0 =	sne.s32 s9, $0x1;
	_ =	swait.ge [sflag:s6], $0x200  }
.Ltmp0:
0x30b: {  	[sflag:s6] =	ssyncset.done $0x0;
	(pc) =	sbr.rel @p0 .LBB2_1-.Ltmp0, $4  }
0x30c: {  	[sflag:s6] =	ssyncadd.s32 $0xFFFFFE00  }
0x30d: {  	_ =	swait.ge [sflag:s6], $0x200  }
0x30e: {  	[sflag:s6] =	ssyncset.done $0x0  }
0x30f: {  	s9 =	sadd.s32 $0xFFFFFFFF, s9;
	[sflag:s6] =	ssyncadd.s32 $0xFFFFFE00  }
0x310: {  	_ =	sfence.sel $0x180000  }
0x311: {  	[bflag:$0x0] =	sbarrier.arrive $0xFFFF  }
0x312: {  	_ =	strace $0x90000047  }
0x313: {  	s0 =	stileid.u32;
	[bflag:$0x2] =	sbarrier.arrive $0xFFFF  }
0x314: {  	p0 =	sne.s32 s0, $0x0;
	s0 =	rddreg [dreg:$0x6]  }
0x315: {  	s0 =	sadd.s32 @!p0 $0x100000, s0  }
0x316: {  	[sflag:s0] =	ssyncadd.tile.s32 @!p0 $0x1;
	_ =	shalt  }
.Lfunc_end2:
_tile_overlayer_lowered:
.L_overlay_start_2:
0x317: {  	(tag) =	ssettag $0x2  }
0x318: {  	s0 =	rddreg [dreg:$0x0];
	s2 =	stileid.u32  }
0x319: {  	s1 =	rddreg [dreg:$0x1];
	p0 =	sne.s32 s2, $0x0  }
0x31a: {  	s3 =	rddreg [dreg:$0x2];
	[bflag:$0x3] =	sbarrier.arrive $0xFFFF;
	s2 =	simm.s32 @!p0 $0x1C07  }
0x31b: {  	[timem:s3], [sflag:s2] =	dma.local @!p0 [hbm:s0], s1  }
0x31c: {  	s0 =	simm.s32 @!p0 $0x7  }
0x31d: {  	_ =	swait.ge @!p0 [sflag:s0], s1  }
0x31e: {  	s1 =	ssub.s32 @!p0 $0x0, s1;
	[sflag:s0] =	ssyncset.done @!p0 $0x0  }
0x31f: {  	[sflag:s0] =	ssyncadd.s32 @!p0 s1  }
0x320: {  	[bflag:$0x3] =	sbarrier.arrive $0xFFFF  }
0x321: {  	_ =	shalt  }

</sc_bundles>
